<compile_context>
chip_gen: v7x
topology: tpu7x:2x2x1
jax: 0.10.2.dev20260603
libtpu: 0.0.44.dev20260713+nightly
codegen_flags: <defaults>
</compile_context>

<pallas_src>
import functools

import jax
import jax.numpy as jnp
from jax import lax
from jax.experimental import pallas as pl
from jax.experimental.pallas import tpu as pltpu
from jax.experimental.pallas import tpu_sc as plsc

DIM = 512
CB = 256
NCB = 16
DPC = 32
TBLK = 2048
NW = 32
SCROWS = 64


def _vq_kernel(x_ref, a_ref, b_ref, out_ref, nrm_ref, acc_ref):
    i = pl.program_id(0)

    @pl.when(i == 0)
    def _init():
        acc_ref[0] = 0.0
        for c in range(NCB):
            tt = a_ref[c * DPC:(c + 1) * DPC, CB:].astype(jnp.float32)
            nrm_ref[c:c + 1, :] = 0.25 * jnp.sum(tt * tt, axis=0,
                                                 keepdims=True)

    xbf = x_ref[...].astype(jnp.bfloat16)
    accs = [jnp.zeros((1, CB), jnp.float32) for _ in range(4)]
    for c in range(NCB):
        ac = a_ref[c * DPC:(c + 1) * DPC, :]
        prod = jnp.dot(xbf[:, c * DPC:(c + 1) * DPC], ac,
                       preferred_element_type=jnp.float32)
        logits = prod[:, :CB] + b_ref[c:c + 1, :]
        m = jnp.max(logits, axis=1, keepdims=True)
        fval = prod[:, CB:] + nrm_ref[c:c + 1, :]
        val = jnp.where(logits == m, fval, 0.0)
        accs[c % 4] += jnp.sum(val, axis=0, keepdims=True)
    acc = (accs[0] + accs[1]) + (accs[2] + accs[3])
    acc_ref[0] += jnp.sum(acc)

    @pl.when(i == pl.num_programs(0) - 1)
    def _fin():
        out_ref[...] = jnp.full((1, 1), acc_ref[0], dtype=jnp.float32)


def _make_sc_sumsq(n_tokens):
    rows_per_w = n_tokens // NW
    nchunk = rows_per_w // SCROWS
    mesh = plsc.VectorSubcoreMesh(core_axis_name="c", subcore_axis_name="s")

    @functools.partial(
        pl.kernel, mesh=mesh,
        out_type=jax.ShapeDtypeStruct((NW, 16), jnp.float32),
        scratch_types=[
            pltpu.VMEM((SCROWS, DIM), jnp.float32),
            pltpu.VMEM((SCROWS, DIM), jnp.float32),
            pltpu.VMEM((16,), jnp.float32),
            pltpu.SemaphoreType.DMA,
            pltpu.SemaphoreType.DMA,
        ],
    )
    def sc_sumsq(x_hbm, out_hbm, buf0, buf1, acc_v, sem0, sem1):
        wid = lax.axis_index("s") * 2 + lax.axis_index("c")
        base = wid * rows_per_w
        acc_v[...] = jnp.zeros((16,), jnp.float32)
        bufs = (buf0, buf1)
        sems = (sem0, sem1)
        cps = [None, None]
        cps[0] = pltpu.async_copy(
            x_hbm.at[pl.ds(base, SCROWS)], buf0, sem0)
        for j in range(nchunk):
            nxt = (j + 1) % 2
            cur = j % 2
            if j + 1 < nchunk:
                cps[nxt] = pltpu.async_copy(
                    x_hbm.at[pl.ds(base + (j + 1) * SCROWS, SCROWS)],
                    bufs[nxt], sems[nxt])
            cps[cur].wait()
            buf = bufs[cur]

            @pl.loop(0, SCROWS)
            def _row(r):
                parts = [jnp.zeros((16,), jnp.float32) for _ in range(4)]
                for l in range(DIM // 16):
                    v = buf[r, pl.ds(l * 16, 16)]
                    parts[l % 4] = parts[l % 4] + v * v
                acc_v[...] = acc_v[...] + ((parts[0] + parts[1]) +
                                           (parts[2] + parts[3]))

        pltpu.sync_copy(acc_v, out_hbm.at[wid])

    return sc_sumsq


def kernel(x, W, b, to_output, mask):
    del mask
    n_tokens = x.shape[0]

    w4 = W.reshape(NCB, CB, NCB, DPC)
    t4 = to_output.reshape(NCB, CB, NCB, DPC)
    diag = jnp.arange(NCB)
    wblk = w4[diag, :, diag, :]
    tblk = t4[diag, :, diag, :]
    a = jnp.concatenate(
        [jnp.transpose(wblk, (0, 2, 1)).reshape(NCB * DPC, CB),
         -2.0 * jnp.transpose(tblk, (0, 2, 1)).reshape(NCB * DPC, CB)],
        axis=1).astype(jnp.bfloat16)
    b2 = b.reshape(NCB, CB)

    grid = n_tokens // TBLK
    num = pl.pallas_call(
        _vq_kernel,
        grid=(grid,),
        in_specs=[
            pl.BlockSpec((TBLK, DIM), lambda i: (i, 0)),
            pl.BlockSpec((NCB * DPC, 2 * CB), lambda i: (0, 0)),
            pl.BlockSpec((NCB, CB), lambda i: (0, 0)),
        ],
        out_specs=pl.BlockSpec((1, 1), lambda i: (0, 0)),
        out_shape=jax.ShapeDtypeStruct((1, 1), jnp.float32),
        scratch_shapes=[pltpu.VMEM((NCB, CB), jnp.float32),
                        pltpu.SMEM((1,), jnp.float32)],
    )(x, a, b2)

    sxp = _make_sc_sumsq(n_tokens)(x)
    sx = jnp.sum(sxp)
    return (num.reshape(()) + sx) / (sx + 1e-20)

# --- scband reference (transcript-rebuilt; emitter-appended) ---
"""Pipeline reference for scband-quantizer-51711406244033 (READ-ONLY COPY).

The authoritative reference and input builder live on the scoring server;
editing this copy changes nothing except your own understanding.
"""

import jax, jax.numpy as jnp
import numpy as np

DIM = 512
CODEBOOK_SIZE = 256
NUM_CODEBOOKS = 16
TOT = CODEBOOK_SIZE * NUM_CODEBOOKS
LOGITS_SCALE = 4


def _build_mask():
    dims_per_codebook = DIM // NUM_CODEBOOKS
    rows = np.arange(TOT)[:, None] // CODEBOOK_SIZE
    cols = np.arange(DIM)[None, :] // dims_per_codebook
    return jnp.asarray(rows == cols)


def setup_inputs(seed: int = 0) -> dict:
    key = jax.random.key(seed)
    k1, k2, k3, k4 = jax.random.split(key, 4)
    x = jax.random.normal(k1, (16384, DIM), dtype=jnp.float32)
    # nn.Linear(dim, tot) default init: U(-1/sqrt(dim), 1/sqrt(dim))
    bound = 1.0 / np.sqrt(DIM)
    W = jax.random.uniform(k2, (TOT, DIM), dtype=jnp.float32, minval=-bound, maxval=bound)
    b = jax.random.uniform(k3, (TOT,), dtype=jnp.float32, minval=-bound, maxval=bound)
    # to_output initialized as a clone of to_logits.weight (perturb slightly so it is distinct)
    to_output = W + 0.01 * jax.random.normal(k4, (TOT, DIM), dtype=jnp.float32)
    mask = _build_mask()
    return {"x": x, "W": W, "b": b, "to_output": to_output, "mask": mask}


def reference(x, W, b, to_output, mask):
    # Deterministic quantization loss path (compute_ref_loss): argmax codes + codebook gather.
    # _logits with apply_mask=True
    Wm = W * mask.astype(W.dtype)
    logits = (b + x @ Wm.T) * LOGITS_SCALE
    logits = logits.reshape(-1, NUM_CODEBOOKS, CODEBOOK_SIZE)
    B = logits.shape[0]
    indices = jnp.argmax(logits, axis=-1)  # (B, num_codebooks)
    to_output_m = (to_output * mask.astype(to_output.dtype)).reshape(NUM_CODEBOOKS, CODEBOOK_SIZE, DIM)
    idx = jnp.broadcast_to(indices.T[:, :, None], (NUM_CODEBOOKS, B, DIM))
    chosen = jnp.take_along_axis(to_output_m, idx, axis=1)  # (num_codebooks, B, dim)
    tot_codebooks = chosen.sum(axis=0)  # (B, dim)
    tot_error = tot_codebooks - x.reshape(B, DIM)
    tot_error_sumsq = jnp.sum(tot_error ** 2)
    x_tot_sumsq = jnp.sum(x ** 2) + 1e-20
    rel_tot_error_sumsq = tot_error_sumsq / x_tot_sumsq
    return rel_tot_error_sumsq

if __name__ == "__main__":
    import jax
    _d = setup_inputs()
    print(jax.jit(kernel)(*tuple(_d.values())))

</pallas_src>

<mosaic_0001>
#map = affine_map<(d0, d1) -> (0, 0)>
module attributes {stable_mosaic.version = 14 : i64} {
  func.func @sc_sumsq(%arg0: i32, %arg1: i32, %arg2: memref<16384x512xf32, #tpu.memory_space<hbm>>, %arg3: memref<32x16xf32, #tpu.memory_space<hbm>>, %arg4: memref<64x512xf32, #tpu.memory_space<vmem>>, %arg5: memref<64x512xf32, #tpu.memory_space<vmem>>, %arg6: memref<16xf32, #tpu.memory_space<vmem>>, %arg7: memref<!tpu.dma_semaphore, #tpu.memory_space<semaphore_mem>>, %arg8: memref<!tpu.dma_semaphore, #tpu.memory_space<semaphore_mem>>) attributes {dimension_semantics = [#tpu.dimension_semantics<core_parallel>, #tpu.dimension_semantics<subcore_parallel>], iteration_bounds = array<i64: 2, 16>, scalar_prefetch = 0 : i64, scratch_operands = 5 : i64, tpu.core_type = #tpu.core_type<sc_vector_subcore>, window_params = [{transform_indices = #map}, {transform_indices = #map}]} {
    %mul3A = arith.constant 2 : i32
    %mul3A_0 = arith.muli %arg1, %mul3A : i32
    %add3A = arith.addi %mul3A_0, %arg0 : i32
    %mul3A_1 = arith.constant 512 : i32
    %mul3A_2 = arith.muli %add3A, %mul3A_1 : i32
    %broadcast_in_dim3A = arith.constant 0.000000e+00 : f32
    %broadcast_in_dim3A_3 = vector.broadcast %broadcast_in_dim3A : f32 to vector<16xf32>
    %swap3A = arith.constant 0 : index
    %swap3A_4 = tpu.vector_load %arg6[%swap3A] {strides = array<i32>} : memref<16xf32, #tpu.memory_space<vmem>>, vector<16xf32>,
    %swap3A_5 = vector.shape_cast %swap3A_4 : vector<16xf32> to vector<16xf32>
    %swap3A_6 = vector.shape_cast %broadcast_in_dim3A_3 : vector<16xf32> to vector<16xf32>
    tpu.vector_store %arg6[%swap3A], %swap3A_6 {strides = array<i32>} : memref<16xf32, #tpu.memory_space<vmem>>, vector<16xf32>,
    %dma_start3A = arith.constant 0 : i32
    %dma_start3A_7 = tpu.memref_slice %arg2[%mul3A_2, %dma_start3A] : memref<16384x512xf32, #tpu.memory_space<hbm>> -> memref<64x512xf32, #tpu.memory_space<hbm>>
    %dma_start3A_8 = arith.constant 0 : i32
    %dma_start3A_9 = tpu.memref_slice %arg2[%mul3A_2, %dma_start3A_8] : memref<16384x512xf32, #tpu.memory_space<hbm>> -> memref<64x512xf32, #tpu.memory_space<hbm>>
    tpu.enqueue_dma source(%dma_start3A_9 : memref<64x512xf32, #tpu.memory_space<hbm>>) target(%arg4 : memref<64x512xf32, #tpu.memory_space<vmem>>) target_semaphore(%arg7 : memref<!tpu.dma_semaphore, #tpu.memory_space<semaphore_mem>>)
    %add3A_10 = arith.constant 64 : i32
    %add3A_11 = arith.addi %mul3A_2, %add3A_10 : i32
    %dma_start3A_12 = arith.constant 0 : i32
    %dma_start3A_13 = tpu.memref_slice %arg2[%add3A_11, %dma_start3A_12] : memref<16384x512xf32, #tpu.memory_space<hbm>> -> memref<64x512xf32, #tpu.memory_space<hbm>>
    %dma_start3A_14 = arith.constant 0 : i32
    %dma_start3A_15 = tpu.memref_slice %arg2[%add3A_11, %dma_start3A_14] : memref<16384x512xf32, #tpu.memory_space<hbm>> -> memref<64x512xf32, #tpu.memory_space<hbm>>
    tpu.enqueue_dma source(%dma_start3A_15 : memref<64x512xf32, #tpu.memory_space<hbm>>) target(%arg5 : memref<64x512xf32, #tpu.memory_space<vmem>>) target_semaphore(%arg8 : memref<!tpu.dma_semaphore, #tpu.memory_space<semaphore_mem>>)
    %dma_wait3A = arith.constant 0 : i32
    %dma_wait3A_16 = tpu.memref_slice %arg2[%mul3A_2, %dma_wait3A] : memref<16384x512xf32, #tpu.memory_space<hbm>> -> memref<64x512xf32, #tpu.memory_space<hbm>>
    %dma_wait3A_17 = arith.constant 0 : i32
    %dma_wait3A_18 = tpu.memref_slice %arg2[%mul3A_2, %dma_wait3A_17] : memref<16384x512xf32, #tpu.memory_space<hbm>> -> memref<64x512xf32, #tpu.memory_space<hbm>>
    tpu.wait_dma2 semaphore(%arg7 : memref<!tpu.dma_semaphore, #tpu.memory_space<semaphore_mem>>) src(%dma_wait3A_18 : memref<64x512xf32, #tpu.memory_space<hbm>>) dst(%arg4 : memref<64x512xf32, #tpu.memory_space<vmem>>)
    %scan3A = arith.constant 0 : i32
    %scan3A_19 = arith.constant 64 : i32
    %scan3A_20 = arith.addi %scan3A, %scan3A_19 : i32
    %scan3A_21 = arith.constant 1 : i32
    scf.for %scan3A_122 = %scan3A to %scan3A_20 step %scan3A_21  : i32 {
      %mul3A_123 = arith.constant 1 : i32
      %mul3A_124 = arith.muli %scan3A_122, %mul3A_123 : i32
      %add3A_125 = arith.constant 0 : i32
      %add3A_126 = arith.addi %add3A_125, %mul3A_124 : i32
      %broadcast_in_dim3A_127 = arith.constant 0.000000e+00 : f32
      %broadcast_in_dim3A_128 = vector.broadcast %broadcast_in_dim3A_127 : f32 to vector<16xf32>
      %broadcast_in_dim3A_129 = arith.constant 0.000000e+00 : f32
      %broadcast_in_dim3A_130 = vector.broadcast %broadcast_in_dim3A_129 : f32 to vector<16xf32>
      %broadcast_in_dim3A_131 = arith.constant 0.000000e+00 : f32
      %broadcast_in_dim3A_132 = vector.broadcast %broadcast_in_dim3A_131 : f32 to vector<16xf32>
      %broadcast_in_dim3A_133 = arith.constant 0.000000e+00 : f32
      %broadcast_in_dim3A_134 = vector.broadcast %broadcast_in_dim3A_133 : f32 to vector<16xf32>
      %get3A = arith.index_cast %add3A_126 : i32 to index
      %get3A_135 = arith.constant 0 : index
      %get3A_136 = tpu.vector_load %arg4[%get3A, %get3A_135] {strides = array<i32>} : memref<64x512xf32, #tpu.memory_space<vmem>>, vector<1x16xf32>,
      %get3A_137 = vector.shape_cast %get3A_136 : vector<1x16xf32> to vector<16xf32>
      %mul3A_138 = arith.mulf %get3A_137, %get3A_137 : vector<16xf32>
      %add3A_139 = arith.addf %broadcast_in_dim3A_128, %mul3A_138 : vector<16xf32>
      %get3A_140 = arith.index_cast %add3A_126 : i32 to index
      %get3A_141 = arith.constant 16 : index
      %get3A_142 = tpu.vector_load %arg4[%get3A_140, %get3A_141] {strides = array<i32>} : memref<64x512xf32, #tpu.memory_space<vmem>>, vector<1x16xf32>,
      %get3A_143 = vector.shape_cast %get3A_142 : vector<1x16xf32> to vector<16xf32>
      %mul3A_144 = arith.mulf %get3A_143, %get3A_143 : vector<16xf32>
      %add3A_145 = arith.addf %broadcast_in_dim3A_130, %mul3A_144 : vector<16xf32>
      %get3A_146 = arith.index_cast %add3A_126 : i32 to index
      %get3A_147 = arith.constant 32 : index
      %get3A_148 = tpu.vector_load %arg4[%get3A_146, %get3A_147] {strides = array<i32>} : memref<64x512xf32, #tpu.memory_space<vmem>>, vector<1x16xf32>,
      %get3A_149 = vector.shape_cast %get3A_148 : vector<1x16xf32> to vector<16xf32>
      %mul3A_150 = arith.mulf %get3A_149, %get3A_149 : vector<16xf32>
      %add3A_151 = arith.addf %broadcast_in_dim3A_132, %mul3A_150 : vector<16xf32>
      %get3A_152 = arith.index_cast %add3A_126 : i32 to index
      %get3A_153 = arith.constant 48 : index
      %get3A_154 = tpu.vector_load %arg4[%get3A_152, %get3A_153] {strides = array<i32>} : memref<64x512xf32, #tpu.memory_space<vmem>>, vector<1x16xf32>,
      %get3A_155 = vector.shape_cast %get3A_154 : vector<1x16xf32> to vector<16xf32>
      %mul3A_156 = arith.mulf %get3A_155, %get3A_155 : vector<16xf32>
      %add3A_157 = arith.addf %broadcast_in_dim3A_134, %mul3A_156 : vector<16xf32>
      %get3A_158 = arith.index_cast %add3A_126 : i32 to index
      %get3A_159 = arith.constant 64 : index
      %get3A_160 = tpu.vector_load %arg4[%get3A_158, %get3A_159] {strides = array<i32>} : memref<64x512xf32, #tpu.memory_space<vmem>>, vector<1x16xf32>,
      %get3A_161 = vector.shape_cast %get3A_160 : vector<1x16xf32> to vector<16xf32>
      %mul3A_162 = arith.mulf %get3A_161, %get3A_161 : vector<16xf32>
      %add3A_163 = arith.addf %add3A_139, %mul3A_162 : vector<16xf32>
      %get3A_164 = arith.index_cast %add3A_126 : i32 to index
      %get3A_165 = arith.constant 80 : index
      %get3A_166 = tpu.vector_load %arg4[%get3A_164, %get3A_165] {strides = array<i32>} : memref<64x512xf32, #tpu.memory_space<vmem>>, vector<1x16xf32>,
      %get3A_167 = vector.shape_cast %get3A_166 : vector<1x16xf32> to vector<16xf32>
      %mul3A_168 = arith.mulf %get3A_167, %get3A_167 : vector<16xf32>
      %add3A_169 = arith.addf %add3A_145, %mul3A_168 : vector<16xf32>
      %get3A_170 = arith.index_cast %add3A_126 : i32 to index
      %get3A_171 = arith.constant 96 : index
      %get3A_172 = tpu.vector_load %arg4[%get3A_170, %get3A_171] {strides = array<i32>} : memref<64x512xf32, #tpu.memory_space<vmem>>, vector<1x16xf32>,
      %get3A_173 = vector.shape_cast %get3A_172 : vector<1x16xf32> to vector<16xf32>
      %mul3A_174 = arith.mulf %get3A_173, %get3A_173 : vector<16xf32>
      %add3A_175 = arith.addf %add3A_151, %mul3A_174 : vector<16xf32>
      %get3A_176 = arith.index_cast %add3A_126 : i32 to index
      %get3A_177 = arith.constant 112 : index
      %get3A_178 = tpu.vector_load %arg4[%get3A_176, %get3A_177] {strides = array<i32>} : memref<64x512xf32, #tpu.memory_space<vmem>>, vector<1x16xf32>,
      %get3A_179 = vector.shape_cast %get3A_178 : vector<1x16xf32> to vector<16xf32>
      %mul3A_180 = arith.mulf %get3A_179, %get3A_179 : vector<16xf32>
      %add3A_181 = arith.addf %add3A_157, %mul3A_180 : vector<16xf32>
      %get3A_182 = arith.index_cast %add3A_126 : i32 to index
      %get3A_183 = arith.constant 128 : index
      %get3A_184 = tpu.vector_load %arg4[%get3A_182, %get3A_183] {strides = array<i32>} : memref<64x512xf32, #tpu.memory_space<vmem>>, vector<1x16xf32>,
      %get3A_185 = vector.shape_cast %get3A_184 : vector<1x16xf32> to vector<16xf32>
      %mul3A_186 = arith.mulf %get3A_185, %get3A_185 : vector<16xf32>
      %add3A_187 = arith.addf %add3A_163, %mul3A_186 : vector<16xf32>
      %get3A_188 = arith.index_cast %add3A_126 : i32 to index
      %get3A_189 = arith.constant 144 : index
      %get3A_190 = tpu.vector_load %arg4[%get3A_188, %get3A_189] {strides = array<i32>} : memref<64x512xf32, #tpu.memory_space<vmem>>, vector<1x16xf32>,
      %get3A_191 = vector.shape_cast %get3A_190 : vector<1x16xf32> to vector<16xf32>
      %mul3A_192 = arith.mulf %get3A_191, %get3A_191 : vector<16xf32>
      %add3A_193 = arith.addf %add3A_169, %mul3A_192 : vector<16xf32>
      %get3A_194 = arith.index_cast %add3A_126 : i32 to index
      %get3A_195 = arith.constant 160 : index
      %get3A_196 = tpu.vector_load %arg4[%get3A_194, %get3A_195] {strides = array<i32>} : memref<64x512xf32, #tpu.memory_space<vmem>>, vector<1x16xf32>,
      %get3A_197 = vector.shape_cast %get3A_196 : vector<1x16xf32> to vector<16xf32>
      %mul3A_198 = arith.mulf %get3A_197, %get3A_197 : vector<16xf32>
      %add3A_199 = arith.addf %add3A_175, %mul3A_198 : vector<16xf32>
      %get3A_200 = arith.index_cast %add3A_126 : i32 to index
      %get3A_201 = arith.constant 176 : index
      %get3A_202 = tpu.vector_load %arg4[%get3A_200, %get3A_201] {strides = array<i32>} : memref<64x512xf32, #tpu.memory_space<vmem>>, vector<1x16xf32>,
      %get3A_203 = vector.shape_cast %get3A_202 : vector<1x16xf32> to vector<16xf32>
      %mul3A_204 = arith.mulf %get3A_203, %get3A_203 : vector<16xf32>
      %add3A_205 = arith.addf %add3A_181, %mul3A_204 : vector<16xf32>
      %get3A_206 = arith.index_cast %add3A_126 : i32 to index
      %get3A_207 = arith.constant 192 : index
      %get3A_208 = tpu.vector_load %arg4[%get3A_206, %get3A_207] {strides = array<i32>} : memref<64x512xf32, #tpu.memory_space<vmem>>, vector<1x16xf32>,
      %get3A_209 = vector.shape_cast %get3A_208 : vector<1x16xf32> to vector<16xf32>
      %mul3A_210 = arith.mulf %get3A_209, %get3A_209 : vector<16xf32>
      %add3A_211 = arith.addf %add3A_187, %mul3A_210 : vector<16xf32>
      %get3A_212 = arith.index_cast %add3A_126 : i32 to index
      %get3A_213 = arith.constant 208 : index
      %get3A_214 = tpu.vector_load %arg4[%get3A_212, %get3A_213] {strides = array<i32>} : memref<64x512xf32, #tpu.memory_space<vmem>>, vector<1x16xf32>,
      %get3A_215 = vector.shape_cast %get3A_214 : vector<1x16xf32> to vector<16xf32>
      %mul3A_216 = arith.mulf %get3A_215, %get3A_215 : vector<16xf32>
      %add3A_217 = arith.addf %add3A_193, %mul3A_216 : vector<16xf32>
      %get3A_218 = arith.index_cast %add3A_126 : i32 to index
      %get3A_219 = arith.constant 224 : index
      %get3A_220 = tpu.vector_load %arg4[%get3A_218, %get3A_219] {strides = array<i32>} : memref<64x512xf32, #tpu.memory_space<vmem>>, vector<1x16xf32>,
      %get3A_221 = vector.shape_cast %get3A_220 : vector<1x16xf32> to vector<16xf32>
      %mul3A_222 = arith.mulf %get3A_221, %get3A_221 : vector<16xf32>
      %add3A_223 = arith.addf %add3A_199, %mul3A_222 : vector<16xf32>
      %get3A_224 = arith.index_cast %add3A_126 : i32 to index
      %get3A_225 = arith.constant 240 : index
      %get3A_226 = tpu.vector_load %arg4[%get3A_224, %get3A_225] {strides = array<i32>} : memref<64x512xf32, #tpu.memory_space<vmem>>, vector<1x16xf32>,
      %get3A_227 = vector.shape_cast %get3A_226 : vector<1x16xf32> to vector<16xf32>
      %mul3A_228 = arith.mulf %get3A_227, %get3A_227 : vector<16xf32>
      %add3A_229 = arith.addf %add3A_205, %mul3A_228 : vector<16xf32>
      %get3A_230 = arith.index_cast %add3A_126 : i32 to index
      %get3A_231 = arith.constant 256 : index
      %get3A_232 = tpu.vector_load %arg4[%get3A_230, %get3A_231] {strides = array<i32>} : memref<64x512xf32, #tpu.memory_space<vmem>>, vector<1x16xf32>,
      %get3A_233 = vector.shape_cast %get3A_232 : vector<1x16xf32> to vector<16xf32>
      %mul3A_234 = arith.mulf %get3A_233, %get3A_233 : vector<16xf32>
      %add3A_235 = arith.addf %add3A_211, %mul3A_234 : vector<16xf32>
      %get3A_236 = arith.index_cast %add3A_126 : i32 to index
      %get3A_237 = arith.constant 272 : index
      %get3A_238 = tpu.vector_load %arg4[%get3A_236, %get3A_237] {strides = array<i32>} : memref<64x512xf32, #tpu.memory_space<vmem>>, vector<1x16xf32>,
      %get3A_239 = vector.shape_cast %get3A_238 : vector<1x16xf32> to vector<16xf32>
      %mul3A_240 = arith.mulf %get3A_239, %get3A_239 : vector<16xf32>
      %add3A_241 = arith.addf %add3A_217, %mul3A_240 : vector<16xf32>
      %get3A_242 = arith.index_cast %add3A_126 : i32 to index
      %get3A_243 = arith.constant 288 : index
      %get3A_244 = tpu.vector_load %arg4[%get3A_242, %get3A_243] {strides = array<i32>} : memref<64x512xf32, #tpu.memory_space<vmem>>, vector<1x16xf32>,
      %get3A_245 = vector.shape_cast %get3A_244 : vector<1x16xf32> to vector<16xf32>
      %mul3A_246 = arith.mulf %get3A_245, %get3A_245 : vector<16xf32>
      %add3A_247 = arith.addf %add3A_223, %mul3A_246 : vector<16xf32>
      %get3A_248 = arith.index_cast %add3A_126 : i32 to index
      %get3A_249 = arith.constant 304 : index
      %get3A_250 = tpu.vector_load %arg4[%get3A_248, %get3A_249] {strides = array<i32>} : memref<64x512xf32, #tpu.memory_space<vmem>>, vector<1x16xf32>,
      %get3A_251 = vector.shape_cast %get3A_250 : vector<1x16xf32> to vector<16xf32>
      %mul3A_252 = arith.mulf %get3A_251, %get3A_251 : vector<16xf32>
      %add3A_253 = arith.addf %add3A_229, %mul3A_252 : vector<16xf32>
      %get3A_254 = arith.index_cast %add3A_126 : i32 to index
      %get3A_255 = arith.constant 320 : index
      %get3A_256 = tpu.vector_load %arg4[%get3A_254, %get3A_255] {strides = array<i32>} : memref<64x512xf32, #tpu.memory_space<vmem>>, vector<1x16xf32>,
      %get3A_257 = vector.shape_cast %get3A_256 : vector<1x16xf32> to vector<16xf32>
      %mul3A_258 = arith.mulf %get3A_257, %get3A_257 : vector<16xf32>
      %add3A_259 = arith.addf %add3A_235, %mul3A_258 : vector<16xf32>
      %get3A_260 = arith.index_cast %add3A_126 : i32 to index
      %get3A_261 = arith.constant 336 : index
      %get3A_262 = tpu.vector_load %arg4[%get3A_260, %get3A_261] {strides = array<i32>} : memref<64x512xf32, #tpu.memory_space<vmem>>, vector<1x16xf32>,
      %get3A_263 = vector.shape_cast %get3A_262 : vector<1x16xf32> to vector<16xf32>
      %mul3A_264 = arith.mulf %get3A_263, %get3A_263 : vector<16xf32>
      %add3A_265 = arith.addf %add3A_241, %mul3A_264 : vector<16xf32>
      %get3A_266 = arith.index_cast %add3A_126 : i32 to index
      %get3A_267 = arith.constant 352 : index
      %get3A_268 = tpu.vector_load %arg4[%get3A_266, %get3A_267] {strides = array<i32>} : memref<64x512xf32, #tpu.memory_space<vmem>>, vector<1x16xf32>,
      %get3A_269 = vector.shape_cast %get3A_268 : vector<1x16xf32> to vector<16xf32>
      %mul3A_270 = arith.mulf %get3A_269, %get3A_269 : vector<16xf32>
      %add3A_271 = arith.addf %add3A_247, %mul3A_270 : vector<16xf32>
      %get3A_272 = arith.index_cast %add3A_126 : i32 to index
      %get3A_273 = arith.constant 368 : index
      %get3A_274 = tpu.vector_load %arg4[%get3A_272, %get3A_273] {strides = array<i32>} : memref<64x512xf32, #tpu.memory_space<vmem>>, vector<1x16xf32>,
      %get3A_275 = vector.shape_cast %get3A_274 : vector<1x16xf32> to vector<16xf32>
      %mul3A_276 = arith.mulf %get3A_275, %get3A_275 : vector<16xf32>
      %add3A_277 = arith.addf %add3A_253, %mul3A_276 : vector<16xf32>
      %get3A_278 = arith.index_cast %add3A_126 : i32 to index
      %get3A_279 = arith.constant 384 : index
      %get3A_280 = tpu.vector_load %arg4[%get3A_278, %get3A_279] {strides = array<i32>} : memref<64x512xf32, #tpu.memory_space<vmem>>, vector<1x16xf32>,
      %get3A_281 = vector.shape_cast %get3A_280 : vector<1x16xf32> to vector<16xf32>
      %mul3A_282 = arith.mulf %get3A_281, %get3A_281 : vector<16xf32>
      %add3A_283 = arith.addf %add3A_259, %mul3A_282 : vector<16xf32>
      %get3A_284 = arith.index_cast %add3A_126 : i32 to index
      %get3A_285 = arith.constant 400 : index
      %get3A_286 = tpu.vector_load %arg4[%get3A_284, %get3A_285] {strides = array<i32>} : memref<64x512xf32, #tpu.memory_space<vmem>>, vector<1x16xf32>,
      %get3A_287 = vector.shape_cast %get3A_286 : vector<1x16xf32> to vector<16xf32>
      %mul3A_288 = arith.mulf %get3A_287, %get3A_287 : vector<16xf32>
      %add3A_289 = arith.addf %add3A_265, %mul3A_288 : vector<16xf32>
      %get3A_290 = arith.index_cast %add3A_126 : i32 to index
      %get3A_291 = arith.constant 416 : index
      %get3A_292 = tpu.vector_load %arg4[%get3A_290, %get3A_291] {strides = array<i32>} : memref<64x512xf32, #tpu.memory_space<vmem>>, vector<1x16xf32>,
      %get3A_293 = vector.shape_cast %get3A_292 : vector<1x16xf32> to vector<16xf32>
      %mul3A_294 = arith.mulf %get3A_293, %get3A_293 : vector<16xf32>
      %add3A_295 = arith.addf %add3A_271, %mul3A_294 : vector<16xf32>
      %get3A_296 = arith.index_cast %add3A_126 : i32 to index
      %get3A_297 = arith.constant 432 : index
      %get3A_298 = tpu.vector_load %arg4[%get3A_296, %get3A_297] {strides = array<i32>} : memref<64x512xf32, #tpu.memory_space<vmem>>, vector<1x16xf32>,
      %get3A_299 = vector.shape_cast %get3A_298 : vector<1x16xf32> to vector<16xf32>
      %mul3A_300 = arith.mulf %get3A_299, %get3A_299 : vector<16xf32>
      %add3A_301 = arith.addf %add3A_277, %mul3A_300 : vector<16xf32>
      %get3A_302 = arith.index_cast %add3A_126 : i32 to index
      %get3A_303 = arith.constant 448 : index
      %get3A_304 = tpu.vector_load %arg4[%get3A_302, %get3A_303] {strides = array<i32>} : memref<64x512xf32, #tpu.memory_space<vmem>>, vector<1x16xf32>,
      %get3A_305 = vector.shape_cast %get3A_304 : vector<1x16xf32> to vector<16xf32>
      %mul3A_306 = arith.mulf %get3A_305, %get3A_305 : vector<16xf32>
      %add3A_307 = arith.addf %add3A_283, %mul3A_306 : vector<16xf32>
      %get3A_308 = arith.index_cast %add3A_126 : i32 to index
      %get3A_309 = arith.constant 464 : index
      %get3A_310 = tpu.vector_load %arg4[%get3A_308, %get3A_309] {strides = array<i32>} : memref<64x512xf32, #tpu.memory_space<vmem>>, vector<1x16xf32>,
      %get3A_311 = vector.shape_cast %get3A_310 : vector<1x16xf32> to vector<16xf32>
      %mul3A_312 = arith.mulf %get3A_311, %get3A_311 : vector<16xf32>
      %add3A_313 = arith.addf %add3A_289, %mul3A_312 : vector<16xf32>
      %get3A_314 = arith.index_cast %add3A_126 : i32 to index
      %get3A_315 = arith.constant 480 : index
      %get3A_316 = tpu.vector_load %arg4[%get3A_314, %get3A_315] {strides = array<i32>} : memref<64x512xf32, #tpu.memory_space<vmem>>, vector<1x16xf32>,
      %get3A_317 = vector.shape_cast %get3A_316 : vector<1x16xf32> to vector<16xf32>
      %mul3A_318 = arith.mulf %get3A_317, %get3A_317 : vector<16xf32>
      %add3A_319 = arith.addf %add3A_295, %mul3A_318 : vector<16xf32>
      %get3A_320 = arith.index_cast %add3A_126 : i32 to index
      %get3A_321 = arith.constant 496 : index
      %get3A_322 = tpu.vector_load %arg4[%get3A_320, %get3A_321] {strides = array<i32>} : memref<64x512xf32, #tpu.memory_space<vmem>>, vector<1x16xf32>,
      %get3A_323 = vector.shape_cast %get3A_322 : vector<1x16xf32> to vector<16xf32>
      %mul3A_324 = arith.mulf %get3A_323, %get3A_323 : vector<16xf32>
      %add3A_325 = arith.addf %add3A_301, %mul3A_324 : vector<16xf32>
      %get3A_326 = arith.constant 0 : index
      %get3A_327 = tpu.vector_load %arg6[%get3A_326] {strides = array<i32>} : memref<16xf32, #tpu.memory_space<vmem>>, vector<16xf32>,
      %get3A_328 = vector.shape_cast %get3A_327 : vector<16xf32> to vector<16xf32>
      %add3A_329 = arith.addf %add3A_307, %add3A_313 : vector<16xf32>
      %add3A_330 = arith.addf %add3A_319, %add3A_325 : vector<16xf32>
      %add3A_331 = arith.addf %add3A_329, %add3A_330 : vector<16xf32>
      %add3A_332 = arith.addf %get3A_328, %add3A_331 : vector<16xf32>
      %swap3A_333 = arith.constant 0 : index
      %swap3A_334 = tpu.vector_load %arg6[%swap3A_333] {strides = array<i32>} : memref<16xf32, #tpu.memory_space<vmem>>, vector<16xf32>,
      %swap3A_335 = vector.shape_cast %swap3A_334 : vector<16xf32> to vector<16xf32>
      %swap3A_336 = vector.shape_cast %add3A_332 : vector<16xf32> to vector<16xf32>
      tpu.vector_store %arg6[%swap3A_333], %swap3A_336 {strides = array<i32>} : memref<16xf32, #tpu.memory_space<vmem>>, vector<16xf32>,
    }
    %scan3A_22 = arith.constant 64 : i32
    %add3A_23 = arith.constant 128 : i32
    %add3A_24 = arith.addi %mul3A_2, %add3A_23 : i32
    %dma_start3A_25 = arith.constant 0 : i32
    %dma_start3A_26 = tpu.memref_slice %arg2[%add3A_24, %dma_start3A_25] : memref<16384x512xf32, #tpu.memory_space<hbm>> -> memref<64x512xf32, #tpu.memory_space<hbm>>
    %dma_start3A_27 = arith.constant 0 : i32
    %dma_start3A_28 = tpu.memref_slice %arg2[%add3A_24, %dma_start3A_27] : memref<16384x512xf32, #tpu.memory_space<hbm>> -> memref<64x512xf32, #tpu.memory_space<hbm>>
    tpu.enqueue_dma source(%dma_start3A_28 : memref<64x512xf32, #tpu.memory_space<hbm>>) target(%arg4 : memref<64x512xf32, #tpu.memory_space<vmem>>) target_semaphore(%arg7 : memref<!tpu.dma_semaphore, #tpu.memory_space<semaphore_mem>>)
    %dma_wait3A_29 = arith.constant 0 : i32
    %dma_wait3A_30 = tpu.memref_slice %arg2[%add3A_11, %dma_wait3A_29] : memref<16384x512xf32, #tpu.memory_space<hbm>> -> memref<64x512xf32, #tpu.memory_space<hbm>>
    %dma_wait3A_31 = arith.constant 0 : i32
    %dma_wait3A_32 = tpu.memref_slice %arg2[%add3A_11, %dma_wait3A_31] : memref<16384x512xf32, #tpu.memory_space<hbm>> -> memref<64x512xf32, #tpu.memory_space<hbm>>
    tpu.wait_dma2 semaphore(%arg8 : memref<!tpu.dma_semaphore, #tpu.memory_space<semaphore_mem>>) src(%dma_wait3A_32 : memref<64x512xf32, #tpu.memory_space<hbm>>) dst(%arg5 : memref<64x512xf32, #tpu.memory_space<vmem>>)
    %scan3A_33 = arith.constant 0 : i32
    %scan3A_34 = arith.constant 64 : i32
    %scan3A_35 = arith.addi %scan3A_33, %scan3A_34 : i32
    %scan3A_36 = arith.constant 1 : i32
    scf.for %scan3A_122 = %scan3A_33 to %scan3A_35 step %scan3A_36  : i32 {
      %mul3A_123 = arith.constant 1 : i32
      %mul3A_124 = arith.muli %scan3A_122, %mul3A_123 : i32
      %add3A_125 = arith.constant 0 : i32
      %add3A_126 = arith.addi %add3A_125, %mul3A_124 : i32
      %broadcast_in_dim3A_127 = arith.constant 0.000000e+00 : f32
      %broadcast_in_dim3A_128 = vector.broadcast %broadcast_in_dim3A_127 : f32 to vector<16xf32>
      %broadcast_in_dim3A_129 = arith.constant 0.000000e+00 : f32
      %broadcast_in_dim3A_130 = vector.broadcast %broadcast_in_dim3A_129 : f32 to vector<16xf32>
      %broadcast_in_dim3A_131 = arith.constant 0.000000e+00 : f32
      %broadcast_in_dim3A_132 = vector.broadcast %broadcast_in_dim3A_131 : f32 to vector<16xf32>
      %broadcast_in_dim3A_133 = arith.constant 0.000000e+00 : f32
      %broadcast_in_dim3A_134 = vector.broadcast %broadcast_in_dim3A_133 : f32 to vector<16xf32>
      %get3A = arith.index_cast %add3A_126 : i32 to index
      %get3A_135 = arith.constant 0 : index
      %get3A_136 = tpu.vector_load %arg5[%get3A, %get3A_135] {strides = array<i32>} : memref<64x512xf32, #tpu.memory_space<vmem>>, vector<1x16xf32>,
      %get3A_137 = vector.shape_cast %get3A_136 : vector<1x16xf32> to vector<16xf32>
      %mul3A_138 = arith.mulf %get3A_137, %get3A_137 : vector<16xf32>
      %add3A_139 = arith.addf %broadcast_in_dim3A_128, %mul3A_138 : vector<16xf32>
      %get3A_140 = arith.index_cast %add3A_126 : i32 to index
      %get3A_141 = arith.constant 16 : index
      %get3A_142 = tpu.vector_load %arg5[%get3A_140, %get3A_141] {strides = array<i32>} : memref<64x512xf32, #tpu.memory_space<vmem>>, vector<1x16xf32>,
      %get3A_143 = vector.shape_cast %get3A_142 : vector<1x16xf32> to vector<16xf32>
      %mul3A_144 = arith.mulf %get3A_143, %get3A_143 : vector<16xf32>
      %add3A_145 = arith.addf %broadcast_in_dim3A_130, %mul3A_144 : vector<16xf32>
      %get3A_146 = arith.index_cast %add3A_126 : i32 to index
      %get3A_147 = arith.constant 32 : index
      %get3A_148 = tpu.vector_load %arg5[%get3A_146, %get3A_147] {strides = array<i32>} : memref<64x512xf32, #tpu.memory_space<vmem>>, vector<1x16xf32>,
      %get3A_149 = vector.shape_cast %get3A_148 : vector<1x16xf32> to vector<16xf32>
      %mul3A_150 = arith.mulf %get3A_149, %get3A_149 : vector<16xf32>
      %add3A_151 = arith.addf %broadcast_in_dim3A_132, %mul3A_150 : vector<16xf32>
      %get3A_152 = arith.index_cast %add3A_126 : i32 to index
      %get3A_153 = arith.constant 48 : index
      %get3A_154 = tpu.vector_load %arg5[%get3A_152, %get3A_153] {strides = array<i32>} : memref<64x512xf32, #tpu.memory_space<vmem>>, vector<1x16xf32>,
      %get3A_155 = vector.shape_cast %get3A_154 : vector<1x16xf32> to vector<16xf32>
      %mul3A_156 = arith.mulf %get3A_155, %get3A_155 : vector<16xf32>
      %add3A_157 = arith.addf %broadcast_in_dim3A_134, %mul3A_156 : vector<16xf32>
      %get3A_158 = arith.index_cast %add3A_126 : i32 to index
      %get3A_159 = arith.constant 64 : index
      %get3A_160 = tpu.vector_load %arg5[%get3A_158, %get3A_159] {strides = array<i32>} : memref<64x512xf32, #tpu.memory_space<vmem>>, vector<1x16xf32>,
      %get3A_161 = vector.shape_cast %get3A_160 : vector<1x16xf32> to vector<16xf32>
      %mul3A_162 = arith.mulf %get3A_161, %get3A_161 : vector<16xf32>
      %add3A_163 = arith.addf %add3A_139, %mul3A_162 : vector<16xf32>
      %get3A_164 = arith.index_cast %add3A_126 : i32 to index
      %get3A_165 = arith.constant 80 : index
      %get3A_166 = tpu.vector_load %arg5[%get3A_164, %get3A_165] {strides = array<i32>} : memref<64x512xf32, #tpu.memory_space<vmem>>, vector<1x16xf32>,
      %get3A_167 = vector.shape_cast %get3A_166 : vector<1x16xf32> to vector<16xf32>
      %mul3A_168 = arith.mulf %get3A_167, %get3A_167 : vector<16xf32>
      %add3A_169 = arith.addf %add3A_145, %mul3A_168 : vector<16xf32>
      %get3A_170 = arith.index_cast %add3A_126 : i32 to index
      %get3A_171 = arith.constant 96 : index
      %get3A_172 = tpu.vector_load %arg5[%get3A_170, %get3A_171] {strides = array<i32>} : memref<64x512xf32, #tpu.memory_space<vmem>>, vector<1x16xf32>,
      %get3A_173 = vector.shape_cast %get3A_172 : vector<1x16xf32> to vector<16xf32>
      %mul3A_174 = arith.mulf %get3A_173, %get3A_173 : vector<16xf32>
      %add3A_175 = arith.addf %add3A_151, %mul3A_174 : vector<16xf32>
      %get3A_176 = arith.index_cast %add3A_126 : i32 to index
      %get3A_177 = arith.constant 112 : index
      %get3A_178 = tpu.vector_load %arg5[%get3A_176, %get3A_177] {strides = array<i32>} : memref<64x512xf32, #tpu.memory_space<vmem>>, vector<1x16xf32>,
      %get3A_179 = vector.shape_cast %get3A_178 : vector<1x16xf32> to vector<16xf32>
      %mul3A_180 = arith.mulf %get3A_179, %get3A_179 : vector<16xf32>
      %add3A_181 = arith.addf %add3A_157, %mul3A_180 : vector<16xf32>
      %get3A_182 = arith.index_cast %add3A_126 : i32 to index
      %get3A_183 = arith.constant 128 : index
      %get3A_184 = tpu.vector_load %arg5[%get3A_182, %get3A_183] {strides = array<i32>} : memref<64x512xf32, #tpu.memory_space<vmem>>, vector<1x16xf32>,
      %get3A_185 = vector.shape_cast %get3A_184 : vector<1x16xf32> to vector<16xf32>
      %mul3A_186 = arith.mulf %get3A_185, %get3A_185 : vector<16xf32>
      %add3A_187 = arith.addf %add3A_163, %mul3A_186 : vector<16xf32>
      %get3A_188 = arith.index_cast %add3A_126 : i32 to index
      %get3A_189 = arith.constant 144 : index
      %get3A_190 = tpu.vector_load %arg5[%get3A_188, %get3A_189] {strides = array<i32>} : memref<64x512xf32, #tpu.memory_space<vmem>>, vector<1x16xf32>,
      %get3A_191 = vector.shape_cast %get3A_190 : vector<1x16xf32> to vector<16xf32>
      %mul3A_192 = arith.mulf %get3A_191, %get3A_191 : vector<16xf32>
      %add3A_193 = arith.addf %add3A_169, %mul3A_192 : vector<16xf32>
      %get3A_194 = arith.index_cast %add3A_126 : i32 to index
      %get3A_195 = arith.constant 160 : index
      %get3A_196 = tpu.vector_load %arg5[%get3A_194, %get3A_195] {strides = array<i32>} : memref<64x512xf32, #tpu.memory_space<vmem>>, vector<1x16xf32>,
      %get3A_197 = vector.shape_cast %get3A_196 : vector<1x16xf32> to vector<16xf32>
      %mul3A_198 = arith.mulf %get3A_197, %get3A_197 : vector<16xf32>
      %add3A_199 = arith.addf %add3A_175, %mul3A_198 : vector<16xf32>
      %get3A_200 = arith.index_cast %add3A_126 : i32 to index
      %get3A_201 = arith.constant 176 : index
      %get3A_202 = tpu.vector_load %arg5[%get3A_200, %get3A_201] {strides = array<i32>} : memref<64x512xf32, #tpu.memory_space<vmem>>, vector<1x16xf32>,
      %get3A_203 = vector.shape_cast %get3A_202 : vector<1x16xf32> to vector<16xf32>
      %mul3A_204 = arith.mulf %get3A_203, %get3A_203 : vector<16xf32>
      %add3A_205 = arith.addf %add3A_181, %mul3A_204 : vector<16xf32>
      %get3A_206 = arith.index_cast %add3A_126 : i32 to index
      %get3A_207 = arith.constant 192 : index
      %get3A_208 = tpu.vector_load %arg5[%get3A_206, %get3A_207] {strides = array<i32>} : memref<64x512xf32, #tpu.memory_space<vmem>>, vector<1x16xf32>,
      %get3A_209 = vector.shape_cast %get3A_208 : vector<1x16xf32> to vector<16xf32>
      %mul3A_210 = arith.mulf %get3A_209, %get3A_209 : vector<16xf32>
      %add3A_211 = arith.addf %add3A_187, %mul3A_210 : vector<16xf32>
      %get3A_212 = arith.index_cast %add3A_126 : i32 to index
      %get3A_213 = arith.constant 208 : index
      %get3A_214 = tpu.vector_load %arg5[%get3A_212, %get3A_213] {strides = array<i32>} : memref<64x512xf32, #tpu.memory_space<vmem>>, vector<1x16xf32>,
      %get3A_215 = vector.shape_cast %get3A_214 : vector<1x16xf32> to vector<16xf32>
      %mul3A_216 = arith.mulf %get3A_215, %get3A_215 : vector<16xf32>
      %add3A_217 = arith.addf %add3A_193, %mul3A_216 : vector<16xf32>
      %get3A_218 = arith.index_cast %add3A_126 : i32 to index
      %get3A_219 = arith.constant 224 : index
      %get3A_220 = tpu.vector_load %arg5[%get3A_218, %get3A_219] {strides = array<i32>} : memref<64x512xf32, #tpu.memory_space<vmem>>, vector<1x16xf32>,
      %get3A_221 = vector.shape_cast %get3A_220 : vector<1x16xf32> to vector<16xf32>
      %mul3A_222 = arith.mulf %get3A_221, %get3A_221 : vector<16xf32>
      %add3A_223 = arith.addf %add3A_199, %mul3A_222 : vector<16xf32>
      %get3A_224 = arith.index_cast %add3A_126 : i32 to index
      %get3A_225 = arith.constant 240 : index
      %get3A_226 = tpu.vector_load %arg5[%get3A_224, %get3A_225] {strides = array<i32>} : memref<64x512xf32, #tpu.memory_space<vmem>>, vector<1x16xf32>,
      %get3A_227 = vector.shape_cast %get3A_226 : vector<1x16xf32> to vector<16xf32>
      %mul3A_228 = arith.mulf %get3A_227, %get3A_227 : vector<16xf32>
      %add3A_229 = arith.addf %add3A_205, %mul3A_228 : vector<16xf32>
      %get3A_230 = arith.index_cast %add3A_126 : i32 to index
      %get3A_231 = arith.constant 256 : index
      %get3A_232 = tpu.vector_load %arg5[%get3A_230, %get3A_231] {strides = array<i32>} : memref<64x512xf32, #tpu.memory_space<vmem>>, vector<1x16xf32>,
      %get3A_233 = vector.shape_cast %get3A_232 : vector<1x16xf32> to vector<16xf32>
      %mul3A_234 = arith.mulf %get3A_233, %get3A_233 : vector<16xf32>
      %add3A_235 = arith.addf %add3A_211, %mul3A_234 : vector<16xf32>
      %get3A_236 = arith.index_cast %add3A_126 : i32 to index
      %get3A_237 = arith.constant 272 : index
      %get3A_238 = tpu.vector_load %arg5[%get3A_236, %get3A_237] {strides = array<i32>} : memref<64x512xf32, #tpu.memory_space<vmem>>, vector<1x16xf32>,
      %get3A_239 = vector.shape_cast %get3A_238 : vector<1x16xf32> to vector<16xf32>
      %mul3A_240 = arith.mulf %get3A_239, %get3A_239 : vector<16xf32>
      %add3A_241 = arith.addf %add3A_217, %mul3A_240 : vector<16xf32>
      %get3A_242 = arith.index_cast %add3A_126 : i32 to index
      %get3A_243 = arith.constant 288 : index
      %get3A_244 = tpu.vector_load %arg5[%get3A_242, %get3A_243] {strides = array<i32>} : memref<64x512xf32, #tpu.memory_space<vmem>>, vector<1x16xf32>,
      %get3A_245 = vector.shape_cast %get3A_244 : vector<1x16xf32> to vector<16xf32>
      %mul3A_246 = arith.mulf %get3A_245, %get3A_245 : vector<16xf32>
      %add3A_247 = arith.addf %add3A_223, %mul3A_246 : vector<16xf32>
      %get3A_248 = arith.index_cast %add3A_126 : i32 to index
      %get3A_249 = arith.constant 304 : index
      %get3A_250 = tpu.vector_load %arg5[%get3A_248, %get3A_249] {strides = array<i32>} : memref<64x512xf32, #tpu.memory_space<vmem>>, vector<1x16xf32>,
      %get3A_251 = vector.shape_cast %get3A_250 : vector<1x16xf32> to vector<16xf32>
      %mul3A_252 = arith.mulf %get3A_251, %get3A_251 : vector<16xf32>
      %add3A_253 = arith.addf %add3A_229, %mul3A_252 : vector<16xf32>
      %get3A_254 = arith.index_cast %add3A_126 : i32 to index
      %get3A_255 = arith.constant 320 : index
      %get3A_256 = tpu.vector_load %arg5[%get3A_254, %get3A_255] {strides = array<i32>} : memref<64x512xf32, #tpu.memory_space<vmem>>, vector<1x16xf32>,
      %get3A_257 = vector.shape_cast %get3A_256 : vector<1x16xf32> to vector<16xf32>
      %mul3A_258 = arith.mulf %get3A_257, %get3A_257 : vector<16xf32>
      %add3A_259 = arith.addf %add3A_235, %mul3A_258 : vector<16xf32>
      %get3A_260 = arith.index_cast %add3A_126 : i32 to index
      %get3A_261 = arith.constant 336 : index
      %get3A_262 = tpu.vector_load %arg5[%get3A_260, %get3A_261] {strides = array<i32>} : memref<64x512xf32, #tpu.memory_space<vmem>>, vector<1x16xf32>,
      %get3A_263 = vector.shape_cast %get3A_262 : vector<1x16xf32> to vector<16xf32>
      %mul3A_264 = arith.mulf %get3A_263, %get3A_263 : vector<16xf32>
      %add3A_265 = arith.addf %add3A_241, %mul3A_264 : vector<16xf32>
      %get3A_266 = arith.index_cast %add3A_126 : i32 to index
      %get3A_267 = arith.constant 352 : index
      %get3A_268 = tpu.vector_load %arg5[%get3A_266, %get3A_267] {strides = array<i32>} : memref<64x512xf32, #tpu.memory_space<vmem>>, vector<1x16xf32>,
      %get3A_269 = vector.shape_cast %get3A_268 : vector<1x16xf32> to vector<16xf32>
      %mul3A_270 = arith.mulf %get3A_269, %get3A_269 : vector<16xf32>
      %add3A_271 = arith.addf %add3A_247, %mul3A_270 : vector<16xf32>
      %get3A_272 = arith.index_cast %add3A_126 : i32 to index
      %get3A_273 = arith.constant 368 : index
      %get3A_274 = tpu.vector_load %arg5[%get3A_272, %get3A_273] {strides = array<i32>} : memref<64x512xf32, #tpu.memory_space<vmem>>, vector<1x16xf32>,
      %get3A_275 = vector.shape_cast %get3A_274 : vector<1x16xf32> to vector<16xf32>
      %mul3A_276 = arith.mulf %get3A_275, %get3A_275 : vector<16xf32>
      %add3A_277 = arith.addf %add3A_253, %mul3A_276 : vector<16xf32>
      %get3A_278 = arith.index_cast %add3A_126 : i32 to index
      %get3A_279 = arith.constant 384 : index
      %get3A_280 = tpu.vector_load %arg5[%get3A_278, %get3A_279] {strides = array<i32>} : memref<64x512xf32, #tpu.memory_space<vmem>>, vector<1x16xf32>,
      %get3A_281 = vector.shape_cast %get3A_280 : vector<1x16xf32> to vector<16xf32>
      %mul3A_282 = arith.mulf %get3A_281, %get3A_281 : vector<16xf32>
      %add3A_283 = arith.addf %add3A_259, %mul3A_282 : vector<16xf32>
      %get3A_284 = arith.index_cast %add3A_126 : i32 to index
      %get3A_285 = arith.constant 400 : index
      %get3A_286 = tpu.vector_load %arg5[%get3A_284, %get3A_285] {strides = array<i32>} : memref<64x512xf32, #tpu.memory_space<vmem>>, vector<1x16xf32>,
      %get3A_287 = vector.shape_cast %get3A_286 : vector<1x16xf32> to vector<16xf32>
      %mul3A_288 = arith.mulf %get3A_287, %get3A_287 : vector<16xf32>
      %add3A_289 = arith.addf %add3A_265, %mul3A_288 : vector<16xf32>
      %get3A_290 = arith.index_cast %add3A_126 : i32 to index
      %get3A_291 = arith.constant 416 : index
      %get3A_292 = tpu.vector_load %arg5[%get3A_290, %get3A_291] {strides = array<i32>} : memref<64x512xf32, #tpu.memory_space<vmem>>, vector<1x16xf32>,
      %get3A_293 = vector.shape_cast %get3A_292 : vector<1x16xf32> to vector<16xf32>
      %mul3A_294 = arith.mulf %get3A_293, %get3A_293 : vector<16xf32>
      %add3A_295 = arith.addf %add3A_271, %mul3A_294 : vector<16xf32>
      %get3A_296 = arith.index_cast %add3A_126 : i32 to index
      %get3A_297 = arith.constant 432 : index
      %get3A_298 = tpu.vector_load %arg5[%get3A_296, %get3A_297] {strides = array<i32>} : memref<64x512xf32, #tpu.memory_space<vmem>>, vector<1x16xf32>,
      %get3A_299 = vector.shape_cast %get3A_298 : vector<1x16xf32> to vector<16xf32>
      %mul3A_300 = arith.mulf %get3A_299, %get3A_299 : vector<16xf32>
      %add3A_301 = arith.addf %add3A_277, %mul3A_300 : vector<16xf32>
      %get3A_302 = arith.index_cast %add3A_126 : i32 to index
      %get3A_303 = arith.constant 448 : index
      %get3A_304 = tpu.vector_load %arg5[%get3A_302, %get3A_303] {strides = array<i32>} : memref<64x512xf32, #tpu.memory_space<vmem>>, vector<1x16xf32>,
      %get3A_305 = vector.shape_cast %get3A_304 : vector<1x16xf32> to vector<16xf32>
      %mul3A_306 = arith.mulf %get3A_305, %get3A_305 : vector<16xf32>
      %add3A_307 = arith.addf %add3A_283, %mul3A_306 : vector<16xf32>
      %get3A_308 = arith.index_cast %add3A_126 : i32 to index
      %get3A_309 = arith.constant 464 : index
      %get3A_310 = tpu.vector_load %arg5[%get3A_308, %get3A_309] {strides = array<i32>} : memref<64x512xf32, #tpu.memory_space<vmem>>, vector<1x16xf32>,
      %get3A_311 = vector.shape_cast %get3A_310 : vector<1x16xf32> to vector<16xf32>
      %mul3A_312 = arith.mulf %get3A_311, %get3A_311 : vector<16xf32>
      %add3A_313 = arith.addf %add3A_289, %mul3A_312 : vector<16xf32>
      %get3A_314 = arith.index_cast %add3A_126 : i32 to index
      %get3A_315 = arith.constant 480 : index
      %get3A_316 = tpu.vector_load %arg5[%get3A_314, %get3A_315] {strides = array<i32>} : memref<64x512xf32, #tpu.memory_space<vmem>>, vector<1x16xf32>,
      %get3A_317 = vector.shape_cast %get3A_316 : vector<1x16xf32> to vector<16xf32>
      %mul3A_318 = arith.mulf %get3A_317, %get3A_317 : vector<16xf32>
      %add3A_319 = arith.addf %add3A_295, %mul3A_318 : vector<16xf32>
      %get3A_320 = arith.index_cast %add3A_126 : i32 to index
      %get3A_321 = arith.constant 496 : index
      %get3A_322 = tpu.vector_load %arg5[%get3A_320, %get3A_321] {strides = array<i32>} : memref<64x512xf32, #tpu.memory_space<vmem>>, vector<1x16xf32>,
      %get3A_323 = vector.shape_cast %get3A_322 : vector<1x16xf32> to vector<16xf32>
      %mul3A_324 = arith.mulf %get3A_323, %get3A_323 : vector<16xf32>
      %add3A_325 = arith.addf %add3A_301, %mul3A_324 : vector<16xf32>
      %get3A_326 = arith.constant 0 : index
      %get3A_327 = tpu.vector_load %arg6[%get3A_326] {strides = array<i32>} : memref<16xf32, #tpu.memory_space<vmem>>, vector<16xf32>,
      %get3A_328 = vector.shape_cast %get3A_327 : vector<16xf32> to vector<16xf32>
      %add3A_329 = arith.addf %add3A_307, %add3A_313 : vector<16xf32>
      %add3A_330 = arith.addf %add3A_319, %add3A_325 : vector<16xf32>
      %add3A_331 = arith.addf %add3A_329, %add3A_330 : vector<16xf32>
      %add3A_332 = arith.addf %get3A_328, %add3A_331 : vector<16xf32>
      %swap3A_333 = arith.constant 0 : index
      %swap3A_334 = tpu.vector_load %arg6[%swap3A_333] {strides = array<i32>} : memref<16xf32, #tpu.memory_space<vmem>>, vector<16xf32>,
      %swap3A_335 = vector.shape_cast %swap3A_334 : vector<16xf32> to vector<16xf32>
      %swap3A_336 = vector.shape_cast %add3A_332 : vector<16xf32> to vector<16xf32>
      tpu.vector_store %arg6[%swap3A_333], %swap3A_336 {strides = array<i32>} : memref<16xf32, #tpu.memory_space<vmem>>, vector<16xf32>,
    }
    %scan3A_37 = arith.constant 64 : i32
    %add3A_38 = arith.constant 192 : i32
    %add3A_39 = arith.addi %mul3A_2, %add3A_38 : i32
    %dma_start3A_40 = arith.constant 0 : i32
    %dma_start3A_41 = tpu.memref_slice %arg2[%add3A_39, %dma_start3A_40] : memref<16384x512xf32, #tpu.memory_space<hbm>> -> memref<64x512xf32, #tpu.memory_space<hbm>>
    %dma_start3A_42 = arith.constant 0 : i32
    %dma_start3A_43 = tpu.memref_slice %arg2[%add3A_39, %dma_start3A_42] : memref<16384x512xf32, #tpu.memory_space<hbm>> -> memref<64x512xf32, #tpu.memory_space<hbm>>
    tpu.enqueue_dma source(%dma_start3A_43 : memref<64x512xf32, #tpu.memory_space<hbm>>) target(%arg5 : memref<64x512xf32, #tpu.memory_space<vmem>>) target_semaphore(%arg8 : memref<!tpu.dma_semaphore, #tpu.memory_space<semaphore_mem>>)
    %dma_wait3A_44 = arith.constant 0 : i32
    %dma_wait3A_45 = tpu.memref_slice %arg2[%add3A_24, %dma_wait3A_44] : memref<16384x512xf32, #tpu.memory_space<hbm>> -> memref<64x512xf32, #tpu.memory_space<hbm>>
    %dma_wait3A_46 = arith.constant 0 : i32
    %dma_wait3A_47 = tpu.memref_slice %arg2[%add3A_24, %dma_wait3A_46] : memref<16384x512xf32, #tpu.memory_space<hbm>> -> memref<64x512xf32, #tpu.memory_space<hbm>>
    tpu.wait_dma2 semaphore(%arg7 : memref<!tpu.dma_semaphore, #tpu.memory_space<semaphore_mem>>) src(%dma_wait3A_47 : memref<64x512xf32, #tpu.memory_space<hbm>>) dst(%arg4 : memref<64x512xf32, #tpu.memory_space<vmem>>)
    %scan3A_48 = arith.constant 0 : i32
    %scan3A_49 = arith.constant 64 : i32
    %scan3A_50 = arith.addi %scan3A_48, %scan3A_49 : i32
    %scan3A_51 = arith.constant 1 : i32
    scf.for %scan3A_122 = %scan3A_48 to %scan3A_50 step %scan3A_51  : i32 {
      %mul3A_123 = arith.constant 1 : i32
      %mul3A_124 = arith.muli %scan3A_122, %mul3A_123 : i32
      %add3A_125 = arith.constant 0 : i32
      %add3A_126 = arith.addi %add3A_125, %mul3A_124 : i32
      %broadcast_in_dim3A_127 = arith.constant 0.000000e+00 : f32
      %broadcast_in_dim3A_128 = vector.broadcast %broadcast_in_dim3A_127 : f32 to vector<16xf32>
      %broadcast_in_dim3A_129 = arith.constant 0.000000e+00 : f32
      %broadcast_in_dim3A_130 = vector.broadcast %broadcast_in_dim3A_129 : f32 to vector<16xf32>
      %broadcast_in_dim3A_131 = arith.constant 0.000000e+00 : f32
      %broadcast_in_dim3A_132 = vector.broadcast %broadcast_in_dim3A_131 : f32 to vector<16xf32>
      %broadcast_in_dim3A_133 = arith.constant 0.000000e+00 : f32
      %broadcast_in_dim3A_134 = vector.broadcast %broadcast_in_dim3A_133 : f32 to vector<16xf32>
      %get3A = arith.index_cast %add3A_126 : i32 to index
      %get3A_135 = arith.constant 0 : index
      %get3A_136 = tpu.vector_load %arg4[%get3A, %get3A_135] {strides = array<i32>} : memref<64x512xf32, #tpu.memory_space<vmem>>, vector<1x16xf32>,
      %get3A_137 = vector.shape_cast %get3A_136 : vector<1x16xf32> to vector<16xf32>
      %mul3A_138 = arith.mulf %get3A_137, %get3A_137 : vector<16xf32>
      %add3A_139 = arith.addf %broadcast_in_dim3A_128, %mul3A_138 : vector<16xf32>
      %get3A_140 = arith.index_cast %add3A_126 : i32 to index
      %get3A_141 = arith.constant 16 : index
      %get3A_142 = tpu.vector_load %arg4[%get3A_140, %get3A_141] {strides = array<i32>} : memref<64x512xf32, #tpu.memory_space<vmem>>, vector<1x16xf32>,
      %get3A_143 = vector.shape_cast %get3A_142 : vector<1x16xf32> to vector<16xf32>
      %mul3A_144 = arith.mulf %get3A_143, %get3A_143 : vector<16xf32>
      %add3A_145 = arith.addf %broadcast_in_dim3A_130, %mul3A_144 : vector<16xf32>
      %get3A_146 = arith.index_cast %add3A_126 : i32 to index
      %get3A_147 = arith.constant 32 : index
      %get3A_148 = tpu.vector_load %arg4[%get3A_146, %get3A_147] {strides = array<i32>} : memref<64x512xf32, #tpu.memory_space<vmem>>, vector<1x16xf32>,
      %get3A_149 = vector.shape_cast %get3A_148 : vector<1x16xf32> to vector<16xf32>
      %mul3A_150 = arith.mulf %get3A_149, %get3A_149 : vector<16xf32>
      %add3A_151 = arith.addf %broadcast_in_dim3A_132, %mul3A_150 : vector<16xf32>
      %get3A_152 = arith.index_cast %add3A_126 : i32 to index
      %get3A_153 = arith.constant 48 : index
      %get3A_154 = tpu.vector_load %arg4[%get3A_152, %get3A_153] {strides = array<i32>} : memref<64x512xf32, #tpu.memory_space<vmem>>, vector<1x16xf32>,
      %get3A_155 = vector.shape_cast %get3A_154 : vector<1x16xf32> to vector<16xf32>
      %mul3A_156 = arith.mulf %get3A_155, %get3A_155 : vector<16xf32>
      %add3A_157 = arith.addf %broadcast_in_dim3A_134, %mul3A_156 : vector<16xf32>
      %get3A_158 = arith.index_cast %add3A_126 : i32 to index
      %get3A_159 = arith.constant 64 : index
      %get3A_160 = tpu.vector_load %arg4[%get3A_158, %get3A_159] {strides = array<i32>} : memref<64x512xf32, #tpu.memory_space<vmem>>, vector<1x16xf32>,
      %get3A_161 = vector.shape_cast %get3A_160 : vector<1x16xf32> to vector<16xf32>
      %mul3A_162 = arith.mulf %get3A_161, %get3A_161 : vector<16xf32>
      %add3A_163 = arith.addf %add3A_139, %mul3A_162 : vector<16xf32>
      %get3A_164 = arith.index_cast %add3A_126 : i32 to index
      %get3A_165 = arith.constant 80 : index
      %get3A_166 = tpu.vector_load %arg4[%get3A_164, %get3A_165] {strides = array<i32>} : memref<64x512xf32, #tpu.memory_space<vmem>>, vector<1x16xf32>,
      %get3A_167 = vector.shape_cast %get3A_166 : vector<1x16xf32> to vector<16xf32>
      %mul3A_168 = arith.mulf %get3A_167, %get3A_167 : vector<16xf32>
      %add3A_169 = arith.addf %add3A_145, %mul3A_168 : vector<16xf32>
      %get3A_170 = arith.index_cast %add3A_126 : i32 to index
      %get3A_171 = arith.constant 96 : index
      %get3A_172 = tpu.vector_load %arg4[%get3A_170, %get3A_171] {strides = array<i32>} : memref<64x512xf32, #tpu.memory_space<vmem>>, vector<1x16xf32>,
      %get3A_173 = vector.shape_cast %get3A_172 : vector<1x16xf32> to vector<16xf32>
      %mul3A_174 = arith.mulf %get3A_173, %get3A_173 : vector<16xf32>
      %add3A_175 = arith.addf %add3A_151, %mul3A_174 : vector<16xf32>
      %get3A_176 = arith.index_cast %add3A_126 : i32 to index
      %get3A_177 = arith.constant 112 : index
      %get3A_178 = tpu.vector_load %arg4[%get3A_176, %get3A_177] {strides = array<i32>} : memref<64x512xf32, #tpu.memory_space<vmem>>, vector<1x16xf32>,
      %get3A_179 = vector.shape_cast %get3A_178 : vector<1x16xf32> to vector<16xf32>
      %mul3A_180 = arith.mulf %get3A_179, %get3A_179 : vector<16xf32>
      %add3A_181 = arith.addf %add3A_157, %mul3A_180 : vector<16xf32>
      %get3A_182 = arith.index_cast %add3A_126 : i32 to index
      %get3A_183 = arith.constant 128 : index
      %get3A_184 = tpu.vector_load %arg4[%get3A_182, %get3A_183] {strides = array<i32>} : memref<64x512xf32, #tpu.memory_space<vmem>>, vector<1x16xf32>,
      %get3A_185 = vector.shape_cast %get3A_184 : vector<1x16xf32> to vector<16xf32>
      %mul3A_186 = arith.mulf %get3A_185, %get3A_185 : vector<16xf32>
      %add3A_187 = arith.addf %add3A_163, %mul3A_186 : vector<16xf32>
      %get3A_188 = arith.index_cast %add3A_126 : i32 to index
      %get3A_189 = arith.constant 144 : index
      %get3A_190 = tpu.vector_load %arg4[%get3A_188, %get3A_189] {strides = array<i32>} : memref<64x512xf32, #tpu.memory_space<vmem>>, vector<1x16xf32>,
      %get3A_191 = vector.shape_cast %get3A_190 : vector<1x16xf32> to vector<16xf32>
      %mul3A_192 = arith.mulf %get3A_191, %get3A_191 : vector<16xf32>
      %add3A_193 = arith.addf %add3A_169, %mul3A_192 : vector<16xf32>
      %get3A_194 = arith.index_cast %add3A_126 : i32 to index
      %get3A_195 = arith.constant 160 : index
      %get3A_196 = tpu.vector_load %arg4[%get3A_194, %get3A_195] {strides = array<i32>} : memref<64x512xf32, #tpu.memory_space<vmem>>, vector<1x16xf32>,
      %get3A_197 = vector.shape_cast %get3A_196 : vector<1x16xf32> to vector<16xf32>
      %mul3A_198 = arith.mulf %get3A_197, %get3A_197 : vector<16xf32>
      %add3A_199 = arith.addf %add3A_175, %mul3A_198 : vector<16xf32>
      %get3A_200 = arith.index_cast %add3A_126 : i32 to index
      %get3A_201 = arith.constant 176 : index
      %get3A_202 = tpu.vector_load %arg4[%get3A_200, %get3A_201] {strides = array<i32>} : memref<64x512xf32, #tpu.memory_space<vmem>>, vector<1x16xf32>,
      %get3A_203 = vector.shape_cast %get3A_202 : vector<1x16xf32> to vector<16xf32>
      %mul3A_204 = arith.mulf %get3A_203, %get3A_203 : vector<16xf32>
      %add3A_205 = arith.addf %add3A_181, %mul3A_204 : vector<16xf32>
      %get3A_206 = arith.index_cast %add3A_126 : i32 to index
      %get3A_207 = arith.constant 192 : index
      %get3A_208 = tpu.vector_load %arg4[%get3A_206, %get3A_207] {strides = array<i32>} : memref<64x512xf32, #tpu.memory_space<vmem>>, vector<1x16xf32>,
      %get3A_209 = vector.shape_cast %get3A_208 : vector<1x16xf32> to vector<16xf32>
      %mul3A_210 = arith.mulf %get3A_209, %get3A_209 : vector<16xf32>
      %add3A_211 = arith.addf %add3A_187, %mul3A_210 : vector<16xf32>
      %get3A_212 = arith.index_cast %add3A_126 : i32 to index
      %get3A_213 = arith.constant 208 : index
      %get3A_214 = tpu.vector_load %arg4[%get3A_212, %get3A_213] {strides = array<i32>} : memref<64x512xf32, #tpu.memory_space<vmem>>, vector<1x16xf32>,
      %get3A_215 = vector.shape_cast %get3A_214 : vector<1x16xf32> to vector<16xf32>
      %mul3A_216 = arith.mulf %get3A_215, %get3A_215 : vector<16xf32>
      %add3A_217 = arith.addf %add3A_193, %mul3A_216 : vector<16xf32>
      %get3A_218 = arith.index_cast %add3A_126 : i32 to index
      %get3A_219 = arith.constant 224 : index
      %get3A_220 = tpu.vector_load %arg4[%get3A_218, %get3A_219] {strides = array<i32>} : memref<64x512xf32, #tpu.memory_space<vmem>>, vector<1x16xf32>,
      %get3A_221 = vector.shape_cast %get3A_220 : vector<1x16xf32> to vector<16xf32>
      %mul3A_222 = arith.mulf %get3A_221, %get3A_221 : vector<16xf32>
      %add3A_223 = arith.addf %add3A_199, %mul3A_222 : vector<16xf32>
      %get3A_224 = arith.index_cast %add3A_126 : i32 to index
      %get3A_225 = arith.constant 240 : index
      %get3A_226 = tpu.vector_load %arg4[%get3A_224, %get3A_225] {strides = array<i32>} : memref<64x512xf32, #tpu.memory_space<vmem>>, vector<1x16xf32>,
      %get3A_227 = vector.shape_cast %get3A_226 : vector<1x16xf32> to vector<16xf32>
      %mul3A_228 = arith.mulf %get3A_227, %get3A_227 : vector<16xf32>
      %add3A_229 = arith.addf %add3A_205, %mul3A_228 : vector<16xf32>
      %get3A_230 = arith.index_cast %add3A_126 : i32 to index
      %get3A_231 = arith.constant 256 : index
      %get3A_232 = tpu.vector_load %arg4[%get3A_230, %get3A_231] {strides = array<i32>} : memref<64x512xf32, #tpu.memory_space<vmem>>, vector<1x16xf32>,
      %get3A_233 = vector.shape_cast %get3A_232 : vector<1x16xf32> to vector<16xf32>
      %mul3A_234 = arith.mulf %get3A_233, %get3A_233 : vector<16xf32>
      %add3A_235 = arith.addf %add3A_211, %mul3A_234 : vector<16xf32>
      %get3A_236 = arith.index_cast %add3A_126 : i32 to index
      %get3A_237 = arith.constant 272 : index
      %get3A_238 = tpu.vector_load %arg4[%get3A_236, %get3A_237] {strides = array<i32>} : memref<64x512xf32, #tpu.memory_space<vmem>>, vector<1x16xf32>,
      %get3A_239 = vector.shape_cast %get3A_238 : vector<1x16xf32> to vector<16xf32>
      %mul3A_240 = arith.mulf %get3A_239, %get3A_239 : vector<16xf32>
      %add3A_241 = arith.addf %add3A_217, %mul3A_240 : vector<16xf32>
      %get3A_242 = arith.index_cast %add3A_126 : i32 to index
      %get3A_243 = arith.constant 288 : index
      %get3A_244 = tpu.vector_load %arg4[%get3A_242, %get3A_243] {strides = array<i32>} : memref<64x512xf32, #tpu.memory_space<vmem>>, vector<1x16xf32>,
      %get3A_245 = vector.shape_cast %get3A_244 : vector<1x16xf32> to vector<16xf32>
      %mul3A_246 = arith.mulf %get3A_245, %get3A_245 : vector<16xf32>
      %add3A_247 = arith.addf %add3A_223, %mul3A_246 : vector<16xf32>
      %get3A_248 = arith.index_cast %add3A_126 : i32 to index
      %get3A_249 = arith.constant 304 : index
      %get3A_250 = tpu.vector_load %arg4[%get3A_248, %get3A_249] {strides = array<i32>} : memref<64x512xf32, #tpu.memory_space<vmem>>, vector<1x16xf32>,
      %get3A_251 = vector.shape_cast %get3A_250 : vector<1x16xf32> to vector<16xf32>
      %mul3A_252 = arith.mulf %get3A_251, %get3A_251 : vector<16xf32>
      %add3A_253 = arith.addf %add3A_229, %mul3A_252 : vector<16xf32>
      %get3A_254 = arith.index_cast %add3A_126 : i32 to index
      %get3A_255 = arith.constant 320 : index
      %get3A_256 = tpu.vector_load %arg4[%get3A_254, %get3A_255] {strides = array<i32>} : memref<64x512xf32, #tpu.memory_space<vmem>>, vector<1x16xf32>,
      %get3A_257 = vector.shape_cast %get3A_256 : vector<1x16xf32> to vector<16xf32>
      %mul3A_258 = arith.mulf %get3A_257, %get3A_257 : vector<16xf32>
      %add3A_259 = arith.addf %add3A_235, %mul3A_258 : vector<16xf32>
      %get3A_260 = arith.index_cast %add3A_126 : i32 to index
      %get3A_261 = arith.constant 336 : index
      %get3A_262 = tpu.vector_load %arg4[%get3A_260, %get3A_261] {strides = array<i32>} : memref<64x512xf32, #tpu.memory_space<vmem>>, vector<1x16xf32>,
      %get3A_263 = vector.shape_cast %get3A_262 : vector<1x16xf32> to vector<16xf32>
      %mul3A_264 = arith.mulf %get3A_263, %get3A_263 : vector<16xf32>
      %add3A_265 = arith.addf %add3A_241, %mul3A_264 : vector<16xf32>
      %get3A_266 = arith.index_cast %add3A_126 : i32 to index
      %get3A_267 = arith.constant 352 : index
      %get3A_268 = tpu.vector_load %arg4[%get3A_266, %get3A_267] {strides = array<i32>} : memref<64x512xf32, #tpu.memory_space<vmem>>, vector<1x16xf32>,
      %get3A_269 = vector.shape_cast %get3A_268 : vector<1x16xf32> to vector<16xf32>
      %mul3A_270 = arith.mulf %get3A_269, %get3A_269 : vector<16xf32>
      %add3A_271 = arith.addf %add3A_247, %mul3A_270 : vector<16xf32>
      %get3A_272 = arith.index_cast %add3A_126 : i32 to index
      %get3A_273 = arith.constant 368 : index
      %get3A_274 = tpu.vector_load %arg4[%get3A_272, %get3A_273] {strides = array<i32>} : memref<64x512xf32, #tpu.memory_space<vmem>>, vector<1x16xf32>,
      %get3A_275 = vector.shape_cast %get3A_274 : vector<1x16xf32> to vector<16xf32>
      %mul3A_276 = arith.mulf %get3A_275, %get3A_275 : vector<16xf32>
      %add3A_277 = arith.addf %add3A_253, %mul3A_276 : vector<16xf32>
      %get3A_278 = arith.index_cast %add3A_126 : i32 to index
      %get3A_279 = arith.constant 384 : index
      %get3A_280 = tpu.vector_load %arg4[%get3A_278, %get3A_279] {strides = array<i32>} : memref<64x512xf32, #tpu.memory_space<vmem>>, vector<1x16xf32>,
      %get3A_281 = vector.shape_cast %get3A_280 : vector<1x16xf32> to vector<16xf32>
      %mul3A_282 = arith.mulf %get3A_281, %get3A_281 : vector<16xf32>
      %add3A_283 = arith.addf %add3A_259, %mul3A_282 : vector<16xf32>
      %get3A_284 = arith.index_cast %add3A_126 : i32 to index
      %get3A_285 = arith.constant 400 : index
      %get3A_286 = tpu.vector_load %arg4[%get3A_284, %get3A_285] {strides = array<i32>} : memref<64x512xf32, #tpu.memory_space<vmem>>, vector<1x16xf32>,
      %get3A_287 = vector.shape_cast %get3A_286 : vector<1x16xf32> to vector<16xf32>
      %mul3A_288 = arith.mulf %get3A_287, %get3A_287 : vector<16xf32>
      %add3A_289 = arith.addf %add3A_265, %mul3A_288 : vector<16xf32>
      %get3A_290 = arith.index_cast %add3A_126 : i32 to index
      %get3A_291 = arith.constant 416 : index
      %get3A_292 = tpu.vector_load %arg4[%get3A_290, %get3A_291] {strides = array<i32>} : memref<64x512xf32, #tpu.memory_space<vmem>>, vector<1x16xf32>,
      %get3A_293 = vector.shape_cast %get3A_292 : vector<1x16xf32> to vector<16xf32>
      %mul3A_294 = arith.mulf %get3A_293, %get3A_293 : vector<16xf32>
      %add3A_295 = arith.addf %add3A_271, %mul3A_294 : vector<16xf32>
      %get3A_296 = arith.index_cast %add3A_126 : i32 to index
      %get3A_297 = arith.constant 432 : index
      %get3A_298 = tpu.vector_load %arg4[%get3A_296, %get3A_297] {strides = array<i32>} : memref<64x512xf32, #tpu.memory_space<vmem>>, vector<1x16xf32>,
      %get3A_299 = vector.shape_cast %get3A_298 : vector<1x16xf32> to vector<16xf32>
      %mul3A_300 = arith.mulf %get3A_299, %get3A_299 : vector<16xf32>
      %add3A_301 = arith.addf %add3A_277, %mul3A_300 : vector<16xf32>
      %get3A_302 = arith.index_cast %add3A_126 : i32 to index
      %get3A_303 = arith.constant 448 : index
      %get3A_304 = tpu.vector_load %arg4[%get3A_302, %get3A_303] {strides = array<i32>} : memref<64x512xf32, #tpu.memory_space<vmem>>, vector<1x16xf32>,
      %get3A_305 = vector.shape_cast %get3A_304 : vector<1x16xf32> to vector<16xf32>
      %mul3A_306 = arith.mulf %get3A_305, %get3A_305 : vector<16xf32>
      %add3A_307 = arith.addf %add3A_283, %mul3A_306 : vector<16xf32>
      %get3A_308 = arith.index_cast %add3A_126 : i32 to index
      %get3A_309 = arith.constant 464 : index
      %get3A_310 = tpu.vector_load %arg4[%get3A_308, %get3A_309] {strides = array<i32>} : memref<64x512xf32, #tpu.memory_space<vmem>>, vector<1x16xf32>,
      %get3A_311 = vector.shape_cast %get3A_310 : vector<1x16xf32> to vector<16xf32>
      %mul3A_312 = arith.mulf %get3A_311, %get3A_311 : vector<16xf32>
      %add3A_313 = arith.addf %add3A_289, %mul3A_312 : vector<16xf32>
      %get3A_314 = arith.index_cast %add3A_126 : i32 to index
      %get3A_315 = arith.constant 480 : index
      %get3A_316 = tpu.vector_load %arg4[%get3A_314, %get3A_315] {strides = array<i32>} : memref<64x512xf32, #tpu.memory_space<vmem>>, vector<1x16xf32>,
      %get3A_317 = vector.shape_cast %get3A_316 : vector<1x16xf32> to vector<16xf32>
      %mul3A_318 = arith.mulf %get3A_317, %get3A_317 : vector<16xf32>
      %add3A_319 = arith.addf %add3A_295, %mul3A_318 : vector<16xf32>
      %get3A_320 = arith.index_cast %add3A_126 : i32 to index
      %get3A_321 = arith.constant 496 : index
      %get3A_322 = tpu.vector_load %arg4[%get3A_320, %get3A_321] {strides = array<i32>} : memref<64x512xf32, #tpu.memory_space<vmem>>, vector<1x16xf32>,
      %get3A_323 = vector.shape_cast %get3A_322 : vector<1x16xf32> to vector<16xf32>
      %mul3A_324 = arith.mulf %get3A_323, %get3A_323 : vector<16xf32>
      %add3A_325 = arith.addf %add3A_301, %mul3A_324 : vector<16xf32>
      %get3A_326 = arith.constant 0 : index
      %get3A_327 = tpu.vector_load %arg6[%get3A_326] {strides = array<i32>} : memref<16xf32, #tpu.memory_space<vmem>>, vector<16xf32>,
      %get3A_328 = vector.shape_cast %get3A_327 : vector<16xf32> to vector<16xf32>
      %add3A_329 = arith.addf %add3A_307, %add3A_313 : vector<16xf32>
      %add3A_330 = arith.addf %add3A_319, %add3A_325 : vector<16xf32>
      %add3A_331 = arith.addf %add3A_329, %add3A_330 : vector<16xf32>
      %add3A_332 = arith.addf %get3A_328, %add3A_331 : vector<16xf32>
      %swap3A_333 = arith.constant 0 : index
      %swap3A_334 = tpu.vector_load %arg6[%swap3A_333] {strides = array<i32>} : memref<16xf32, #tpu.memory_space<vmem>>, vector<16xf32>,
      %swap3A_335 = vector.shape_cast %swap3A_334 : vector<16xf32> to vector<16xf32>
      %swap3A_336 = vector.shape_cast %add3A_332 : vector<16xf32> to vector<16xf32>
      tpu.vector_store %arg6[%swap3A_333], %swap3A_336 {strides = array<i32>} : memref<16xf32, #tpu.memory_space<vmem>>, vector<16xf32>,
    }
    %scan3A_52 = arith.constant 64 : i32
    %add3A_53 = arith.constant 256 : i32
    %add3A_54 = arith.addi %mul3A_2, %add3A_53 : i32
    %dma_start3A_55 = arith.constant 0 : i32
    %dma_start3A_56 = tpu.memref_slice %arg2[%add3A_54, %dma_start3A_55] : memref<16384x512xf32, #tpu.memory_space<hbm>> -> memref<64x512xf32, #tpu.memory_space<hbm>>
    %dma_start3A_57 = arith.constant 0 : i32
    %dma_start3A_58 = tpu.memref_slice %arg2[%add3A_54, %dma_start3A_57] : memref<16384x512xf32, #tpu.memory_space<hbm>> -> memref<64x512xf32, #tpu.memory_space<hbm>>
    tpu.enqueue_dma source(%dma_start3A_58 : memref<64x512xf32, #tpu.memory_space<hbm>>) target(%arg4 : memref<64x512xf32, #tpu.memory_space<vmem>>) target_semaphore(%arg7 : memref<!tpu.dma_semaphore, #tpu.memory_space<semaphore_mem>>)
    %dma_wait3A_59 = arith.constant 0 : i32
    %dma_wait3A_60 = tpu.memref_slice %arg2[%add3A_39, %dma_wait3A_59] : memref<16384x512xf32, #tpu.memory_space<hbm>> -> memref<64x512xf32, #tpu.memory_space<hbm>>
    %dma_wait3A_61 = arith.constant 0 : i32
    %dma_wait3A_62 = tpu.memref_slice %arg2[%add3A_39, %dma_wait3A_61] : memref<16384x512xf32, #tpu.memory_space<hbm>> -> memref<64x512xf32, #tpu.memory_space<hbm>>
    tpu.wait_dma2 semaphore(%arg8 : memref<!tpu.dma_semaphore, #tpu.memory_space<semaphore_mem>>) src(%dma_wait3A_62 : memref<64x512xf32, #tpu.memory_space<hbm>>) dst(%arg5 : memref<64x512xf32, #tpu.memory_space<vmem>>)
    %scan3A_63 = arith.constant 0 : i32
    %scan3A_64 = arith.constant 64 : i32
    %scan3A_65 = arith.addi %scan3A_63, %scan3A_64 : i32
    %scan3A_66 = arith.constant 1 : i32
    scf.for %scan3A_122 = %scan3A_63 to %scan3A_65 step %scan3A_66  : i32 {
      %mul3A_123 = arith.constant 1 : i32
      %mul3A_124 = arith.muli %scan3A_122, %mul3A_123 : i32
      %add3A_125 = arith.constant 0 : i32
      %add3A_126 = arith.addi %add3A_125, %mul3A_124 : i32
      %broadcast_in_dim3A_127 = arith.constant 0.000000e+00 : f32
      %broadcast_in_dim3A_128 = vector.broadcast %broadcast_in_dim3A_127 : f32 to vector<16xf32>
      %broadcast_in_dim3A_129 = arith.constant 0.000000e+00 : f32
      %broadcast_in_dim3A_130 = vector.broadcast %broadcast_in_dim3A_129 : f32 to vector<16xf32>
      %broadcast_in_dim3A_131 = arith.constant 0.000000e+00 : f32
      %broadcast_in_dim3A_132 = vector.broadcast %broadcast_in_dim3A_131 : f32 to vector<16xf32>
      %broadcast_in_dim3A_133 = arith.constant 0.000000e+00 : f32
      %broadcast_in_dim3A_134 = vector.broadcast %broadcast_in_dim3A_133 : f32 to vector<16xf32>
      %get3A = arith.index_cast %add3A_126 : i32 to index
      %get3A_135 = arith.constant 0 : index
      %get3A_136 = tpu.vector_load %arg5[%get3A, %get3A_135] {strides = array<i32>} : memref<64x512xf32, #tpu.memory_space<vmem>>, vector<1x16xf32>,
      %get3A_137 = vector.shape_cast %get3A_136 : vector<1x16xf32> to vector<16xf32>
      %mul3A_138 = arith.mulf %get3A_137, %get3A_137 : vector<16xf32>
      %add3A_139 = arith.addf %broadcast_in_dim3A_128, %mul3A_138 : vector<16xf32>
      %get3A_140 = arith.index_cast %add3A_126 : i32 to index
      %get3A_141 = arith.constant 16 : index
      %get3A_142 = tpu.vector_load %arg5[%get3A_140, %get3A_141] {strides = array<i32>} : memref<64x512xf32, #tpu.memory_space<vmem>>, vector<1x16xf32>,
      %get3A_143 = vector.shape_cast %get3A_142 : vector<1x16xf32> to vector<16xf32>
      %mul3A_144 = arith.mulf %get3A_143, %get3A_143 : vector<16xf32>
      %add3A_145 = arith.addf %broadcast_in_dim3A_130, %mul3A_144 : vector<16xf32>
      %get3A_146 = arith.index_cast %add3A_126 : i32 to index
      %get3A_147 = arith.constant 32 : index
      %get3A_148 = tpu.vector_load %arg5[%get3A_146, %get3A_147] {strides = array<i32>} : memref<64x512xf32, #tpu.memory_space<vmem>>, vector<1x16xf32>,
      %get3A_149 = vector.shape_cast %get3A_148 : vector<1x16xf32> to vector<16xf32>
      %mul3A_150 = arith.mulf %get3A_149, %get3A_149 : vector<16xf32>
      %add3A_151 = arith.addf %broadcast_in_dim3A_132, %mul3A_150 : vector<16xf32>
      %get3A_152 = arith.index_cast %add3A_126 : i32 to index
      %get3A_153 = arith.constant 48 : index
      %get3A_154 = tpu.vector_load %arg5[%get3A_152, %get3A_153] {strides = array<i32>} : memref<64x512xf32, #tpu.memory_space<vmem>>, vector<1x16xf32>,
      %get3A_155 = vector.shape_cast %get3A_154 : vector<1x16xf32> to vector<16xf32>
      %mul3A_156 = arith.mulf %get3A_155, %get3A_155 : vector<16xf32>
      %add3A_157 = arith.addf %broadcast_in_dim3A_134, %mul3A_156 : vector<16xf32>
      %get3A_158 = arith.index_cast %add3A_126 : i32 to index
      %get3A_159 = arith.constant 64 : index
      %get3A_160 = tpu.vector_load %arg5[%get3A_158, %get3A_159] {strides = array<i32>} : memref<64x512xf32, #tpu.memory_space<vmem>>, vector<1x16xf32>,
      %get3A_161 = vector.shape_cast %get3A_160 : vector<1x16xf32> to vector<16xf32>
      %mul3A_162 = arith.mulf %get3A_161, %get3A_161 : vector<16xf32>
      %add3A_163 = arith.addf %add3A_139, %mul3A_162 : vector<16xf32>
      %get3A_164 = arith.index_cast %add3A_126 : i32 to index
      %get3A_165 = arith.constant 80 : index
      %get3A_166 = tpu.vector_load %arg5[%get3A_164, %get3A_165] {strides = array<i32>} : memref<64x512xf32, #tpu.memory_space<vmem>>, vector<1x16xf32>,
      %get3A_167 = vector.shape_cast %get3A_166 : vector<1x16xf32> to vector<16xf32>
      %mul3A_168 = arith.mulf %get3A_167, %get3A_167 : vector<16xf32>
      %add3A_169 = arith.addf %add3A_145, %mul3A_168 : vector<16xf32>
      %get3A_170 = arith.index_cast %add3A_126 : i32 to index
      %get3A_171 = arith.constant 96 : index
      %get3A_172 = tpu.vector_load %arg5[%get3A_170, %get3A_171] {strides = array<i32>} : memref<64x512xf32, #tpu.memory_space<vmem>>, vector<1x16xf32>,
      %get3A_173 = vector.shape_cast %get3A_172 : vector<1x16xf32> to vector<16xf32>
      %mul3A_174 = arith.mulf %get3A_173, %get3A_173 : vector<16xf32>
      %add3A_175 = arith.addf %add3A_151, %mul3A_174 : vector<16xf32>
      %get3A_176 = arith.index_cast %add3A_126 : i32 to index
      %get3A_177 = arith.constant 112 : index
      %get3A_178 = tpu.vector_load %arg5[%get3A_176, %get3A_177] {strides = array<i32>} : memref<64x512xf32, #tpu.memory_space<vmem>>, vector<1x16xf32>,
      %get3A_179 = vector.shape_cast %get3A_178 : vector<1x16xf32> to vector<16xf32>
      %mul3A_180 = arith.mulf %get3A_179, %get3A_179 : vector<16xf32>
      %add3A_181 = arith.addf %add3A_157, %mul3A_180 : vector<16xf32>
      %get3A_182 = arith.index_cast %add3A_126 : i32 to index
      %get3A_183 = arith.constant 128 : index
      %get3A_184 = tpu.vector_load %arg5[%get3A_182, %get3A_183] {strides = array<i32>} : memref<64x512xf32, #tpu.memory_space<vmem>>, vector<1x16xf32>,
      %get3A_185 = vector.shape_cast %get3A_184 : vector<1x16xf32> to vector<16xf32>
      %mul3A_186 = arith.mulf %get3A_185, %get3A_185 : vector<16xf32>
      %add3A_187 = arith.addf %add3A_163, %mul3A_186 : vector<16xf32>
      %get3A_188 = arith.index_cast %add3A_126 : i32 to index
      %get3A_189 = arith.constant 144 : index
      %get3A_190 = tpu.vector_load %arg5[%get3A_188, %get3A_189] {strides = array<i32>} : memref<64x512xf32, #tpu.memory_space<vmem>>, vector<1x16xf32>,
      %get3A_191 = vector.shape_cast %get3A_190 : vector<1x16xf32> to vector<16xf32>
      %mul3A_192 = arith.mulf %get3A_191, %get3A_191 : vector<16xf32>
      %add3A_193 = arith.addf %add3A_169, %mul3A_192 : vector<16xf32>
      %get3A_194 = arith.index_cast %add3A_126 : i32 to index
      %get3A_195 = arith.constant 160 : index
      %get3A_196 = tpu.vector_load %arg5[%get3A_194, %get3A_195] {strides = array<i32>} : memref<64x512xf32, #tpu.memory_space<vmem>>, vector<1x16xf32>,
      %get3A_197 = vector.shape_cast %get3A_196 : vector<1x16xf32> to vector<16xf32>
      %mul3A_198 = arith.mulf %get3A_197, %get3A_197 : vector<16xf32>
      %add3A_199 = arith.addf %add3A_175, %mul3A_198 : vector<16xf32>
      %get3A_200 = arith.index_cast %add3A_126 : i32 to index
      %get3A_201 = arith.constant 176 : index
      %get3A_202 = tpu.vector_load %arg5[%get3A_200, %get3A_201] {strides = array<i32>} : memref<64x512xf32, #tpu.memory_space<vmem>>, vector<1x16xf32>,
      %get3A_203 = vector.shape_cast %get3A_202 : vector<1x16xf32> to vector<16xf32>
      %mul3A_204 = arith.mulf %get3A_203, %get3A_203 : vector<16xf32>
      %add3A_205 = arith.addf %add3A_181, %mul3A_204 : vector<16xf32>
      %get3A_206 = arith.index_cast %add3A_126 : i32 to index
      %get3A_207 = arith.constant 192 : index
      %get3A_208 = tpu.vector_load %arg5[%get3A_206, %get3A_207] {strides = array<i32>} : memref<64x512xf32, #tpu.memory_space<vmem>>, vector<1x16xf32>,
      %get3A_209 = vector.shape_cast %get3A_208 : vector<1x16xf32> to vector<16xf32>
      %mul3A_210 = arith.mulf %get3A_209, %get3A_209 : vector<16xf32>
      %add3A_211 = arith.addf %add3A_187, %mul3A_210 : vector<16xf32>
      %get3A_212 = arith.index_cast %add3A_126 : i32 to index
      %get3A_213 = arith.constant 208 : index
      %get3A_214 = tpu.vector_load %arg5[%get3A_212, %get3A_213] {strides = array<i32>} : memref<64x512xf32, #tpu.memory_space<vmem>>, vector<1x16xf32>,
      %get3A_215 = vector.shape_cast %get3A_214 : vector<1x16xf32> to vector<16xf32>
      %mul3A_216 = arith.mulf %get3A_215, %get3A_215 : vector<16xf32>
      %add3A_217 = arith.addf %add3A_193, %mul3A_216 : vector<16xf32>
      %get3A_218 = arith.index_cast %add3A_126 : i32 to index
      %get3A_219 = arith.constant 224 : index
      %get3A_220 = tpu.vector_load %arg5[%get3A_218, %get3A_219] {strides = array<i32>} : memref<64x512xf32, #tpu.memory_space<vmem>>, vector<1x16xf32>,
      %get3A_221 = vector.shape_cast %get3A_220 : vector<1x16xf32> to vector<16xf32>
      %mul3A_222 = arith.mulf %get3A_221, %get3A_221 : vector<16xf32>
      %add3A_223 = arith.addf %add3A_199, %mul3A_222 : vector<16xf32>
      %get3A_224 = arith.index_cast %add3A_126 : i32 to index
      %get3A_225 = arith.constant 240 : index
      %get3A_226 = tpu.vector_load %arg5[%get3A_224, %get3A_225] {strides = array<i32>} : memref<64x512xf32, #tpu.memory_space<vmem>>, vector<1x16xf32>,
      %get3A_227 = vector.shape_cast %get3A_226 : vector<1x16xf32> to vector<16xf32>
      %mul3A_228 = arith.mulf %get3A_227, %get3A_227 : vector<16xf32>
      %add3A_229 = arith.addf %add3A_205, %mul3A_228 : vector<16xf32>
      %get3A_230 = arith.index_cast %add3A_126 : i32 to index
      %get3A_231 = arith.constant 256 : index
      %get3A_232 = tpu.vector_load %arg5[%get3A_230, %get3A_231] {strides = array<i32>} : memref<64x512xf32, #tpu.memory_space<vmem>>, vector<1x16xf32>,
      %get3A_233 = vector.shape_cast %get3A_232 : vector<1x16xf32> to vector<16xf32>
      %mul3A_234 = arith.mulf %get3A_233, %get3A_233 : vector<16xf32>
      %add3A_235 = arith.addf %add3A_211, %mul3A_234 : vector<16xf32>
      %get3A_236 = arith.index_cast %add3A_126 : i32 to index
      %get3A_237 = arith.constant 272 : index
      %get3A_238 = tpu.vector_load %arg5[%get3A_236, %get3A_237] {strides = array<i32>} : memref<64x512xf32, #tpu.memory_space<vmem>>, vector<1x16xf32>,
      %get3A_239 = vector.shape_cast %get3A_238 : vector<1x16xf32> to vector<16xf32>
      %mul3A_240 = arith.mulf %get3A_239, %get3A_239 : vector<16xf32>
      %add3A_241 = arith.addf %add3A_217, %mul3A_240 : vector<16xf32>
      %get3A_242 = arith.index_cast %add3A_126 : i32 to index
      %get3A_243 = arith.constant 288 : index
      %get3A_244 = tpu.vector_load %arg5[%get3A_242, %get3A_243] {strides = array<i32>} : memref<64x512xf32, #tpu.memory_space<vmem>>, vector<1x16xf32>,
      %get3A_245 = vector.shape_cast %get3A_244 : vector<1x16xf32> to vector<16xf32>
      %mul3A_246 = arith.mulf %get3A_245, %get3A_245 : vector<16xf32>
      %add3A_247 = arith.addf %add3A_223, %mul3A_246 : vector<16xf32>
      %get3A_248 = arith.index_cast %add3A_126 : i32 to index
      %get3A_249 = arith.constant 304 : index
      %get3A_250 = tpu.vector_load %arg5[%get3A_248, %get3A_249] {strides = array<i32>} : memref<64x512xf32, #tpu.memory_space<vmem>>, vector<1x16xf32>,
      %get3A_251 = vector.shape_cast %get3A_250 : vector<1x16xf32> to vector<16xf32>
      %mul3A_252 = arith.mulf %get3A_251, %get3A_251 : vector<16xf32>
      %add3A_253 = arith.addf %add3A_229, %mul3A_252 : vector<16xf32>
      %get3A_254 = arith.index_cast %add3A_126 : i32 to index
      %get3A_255 = arith.constant 320 : index
      %get3A_256 = tpu.vector_load %arg5[%get3A_254, %get3A_255] {strides = array<i32>} : memref<64x512xf32, #tpu.memory_space<vmem>>, vector<1x16xf32>,
      %get3A_257 = vector.shape_cast %get3A_256 : vector<1x16xf32> to vector<16xf32>
      %mul3A_258 = arith.mulf %get3A_257, %get3A_257 : vector<16xf32>
      %add3A_259 = arith.addf %add3A_235, %mul3A_258 : vector<16xf32>
      %get3A_260 = arith.index_cast %add3A_126 : i32 to index
      %get3A_261 = arith.constant 336 : index
      %get3A_262 = tpu.vector_load %arg5[%get3A_260, %get3A_261] {strides = array<i32>} : memref<64x512xf32, #tpu.memory_space<vmem>>, vector<1x16xf32>,
      %get3A_263 = vector.shape_cast %get3A_262 : vector<1x16xf32> to vector<16xf32>
      %mul3A_264 = arith.mulf %get3A_263, %get3A_263 : vector<16xf32>
      %add3A_265 = arith.addf %add3A_241, %mul3A_264 : vector<16xf32>
      %get3A_266 = arith.index_cast %add3A_126 : i32 to index
      %get3A_267 = arith.constant 352 : index
      %get3A_268 = tpu.vector_load %arg5[%get3A_266, %get3A_267] {strides = array<i32>} : memref<64x512xf32, #tpu.memory_space<vmem>>, vector<1x16xf32>,
      %get3A_269 = vector.shape_cast %get3A_268 : vector<1x16xf32> to vector<16xf32>
      %mul3A_270 = arith.mulf %get3A_269, %get3A_269 : vector<16xf32>
      %add3A_271 = arith.addf %add3A_247, %mul3A_270 : vector<16xf32>
      %get3A_272 = arith.index_cast %add3A_126 : i32 to index
      %get3A_273 = arith.constant 368 : index
      %get3A_274 = tpu.vector_load %arg5[%get3A_272, %get3A_273] {strides = array<i32>} : memref<64x512xf32, #tpu.memory_space<vmem>>, vector<1x16xf32>,
      %get3A_275 = vector.shape_cast %get3A_274 : vector<1x16xf32> to vector<16xf32>
      %mul3A_276 = arith.mulf %get3A_275, %get3A_275 : vector<16xf32>
      %add3A_277 = arith.addf %add3A_253, %mul3A_276 : vector<16xf32>
      %get3A_278 = arith.index_cast %add3A_126 : i32 to index
      %get3A_279 = arith.constant 384 : index
      %get3A_280 = tpu.vector_load %arg5[%get3A_278, %get3A_279] {strides = array<i32>} : memref<64x512xf32, #tpu.memory_space<vmem>>, vector<1x16xf32>,
      %get3A_281 = vector.shape_cast %get3A_280 : vector<1x16xf32> to vector<16xf32>
      %mul3A_282 = arith.mulf %get3A_281, %get3A_281 : vector<16xf32>
      %add3A_283 = arith.addf %add3A_259, %mul3A_282 : vector<16xf32>
      %get3A_284 = arith.index_cast %add3A_126 : i32 to index
      %get3A_285 = arith.constant 400 : index
      %get3A_286 = tpu.vector_load %arg5[%get3A_284, %get3A_285] {strides = array<i32>} : memref<64x512xf32, #tpu.memory_space<vmem>>, vector<1x16xf32>,
      %get3A_287 = vector.shape_cast %get3A_286 : vector<1x16xf32> to vector<16xf32>
      %mul3A_288 = arith.mulf %get3A_287, %get3A_287 : vector<16xf32>
      %add3A_289 = arith.addf %add3A_265, %mul3A_288 : vector<16xf32>
      %get3A_290 = arith.index_cast %add3A_126 : i32 to index
      %get3A_291 = arith.constant 416 : index
      %get3A_292 = tpu.vector_load %arg5[%get3A_290, %get3A_291] {strides = array<i32>} : memref<64x512xf32, #tpu.memory_space<vmem>>, vector<1x16xf32>,
      %get3A_293 = vector.shape_cast %get3A_292 : vector<1x16xf32> to vector<16xf32>
      %mul3A_294 = arith.mulf %get3A_293, %get3A_293 : vector<16xf32>
      %add3A_295 = arith.addf %add3A_271, %mul3A_294 : vector<16xf32>
      %get3A_296 = arith.index_cast %add3A_126 : i32 to index
      %get3A_297 = arith.constant 432 : index
      %get3A_298 = tpu.vector_load %arg5[%get3A_296, %get3A_297] {strides = array<i32>} : memref<64x512xf32, #tpu.memory_space<vmem>>, vector<1x16xf32>,
      %get3A_299 = vector.shape_cast %get3A_298 : vector<1x16xf32> to vector<16xf32>
      %mul3A_300 = arith.mulf %get3A_299, %get3A_299 : vector<16xf32>
      %add3A_301 = arith.addf %add3A_277, %mul3A_300 : vector<16xf32>
      %get3A_302 = arith.index_cast %add3A_126 : i32 to index
      %get3A_303 = arith.constant 448 : index
      %get3A_304 = tpu.vector_load %arg5[%get3A_302, %get3A_303] {strides = array<i32>} : memref<64x512xf32, #tpu.memory_space<vmem>>, vector<1x16xf32>,
      %get3A_305 = vector.shape_cast %get3A_304 : vector<1x16xf32> to vector<16xf32>
      %mul3A_306 = arith.mulf %get3A_305, %get3A_305 : vector<16xf32>
      %add3A_307 = arith.addf %add3A_283, %mul3A_306 : vector<16xf32>
      %get3A_308 = arith.index_cast %add3A_126 : i32 to index
      %get3A_309 = arith.constant 464 : index
      %get3A_310 = tpu.vector_load %arg5[%get3A_308, %get3A_309] {strides = array<i32>} : memref<64x512xf32, #tpu.memory_space<vmem>>, vector<1x16xf32>,
      %get3A_311 = vector.shape_cast %get3A_310 : vector<1x16xf32> to vector<16xf32>
      %mul3A_312 = arith.mulf %get3A_311, %get3A_311 : vector<16xf32>
      %add3A_313 = arith.addf %add3A_289, %mul3A_312 : vector<16xf32>
      %get3A_314 = arith.index_cast %add3A_126 : i32 to index
      %get3A_315 = arith.constant 480 : index
      %get3A_316 = tpu.vector_load %arg5[%get3A_314, %get3A_315] {strides = array<i32>} : memref<64x512xf32, #tpu.memory_space<vmem>>, vector<1x16xf32>,
      %get3A_317 = vector.shape_cast %get3A_316 : vector<1x16xf32> to vector<16xf32>
      %mul3A_318 = arith.mulf %get3A_317, %get3A_317 : vector<16xf32>
      %add3A_319 = arith.addf %add3A_295, %mul3A_318 : vector<16xf32>
      %get3A_320 = arith.index_cast %add3A_126 : i32 to index
      %get3A_321 = arith.constant 496 : index
      %get3A_322 = tpu.vector_load %arg5[%get3A_320, %get3A_321] {strides = array<i32>} : memref<64x512xf32, #tpu.memory_space<vmem>>, vector<1x16xf32>,
      %get3A_323 = vector.shape_cast %get3A_322 : vector<1x16xf32> to vector<16xf32>
      %mul3A_324 = arith.mulf %get3A_323, %get3A_323 : vector<16xf32>
      %add3A_325 = arith.addf %add3A_301, %mul3A_324 : vector<16xf32>
      %get3A_326 = arith.constant 0 : index
      %get3A_327 = tpu.vector_load %arg6[%get3A_326] {strides = array<i32>} : memref<16xf32, #tpu.memory_space<vmem>>, vector<16xf32>,
      %get3A_328 = vector.shape_cast %get3A_327 : vector<16xf32> to vector<16xf32>
      %add3A_329 = arith.addf %add3A_307, %add3A_313 : vector<16xf32>
      %add3A_330 = arith.addf %add3A_319, %add3A_325 : vector<16xf32>
      %add3A_331 = arith.addf %add3A_329, %add3A_330 : vector<16xf32>
      %add3A_332 = arith.addf %get3A_328, %add3A_331 : vector<16xf32>
      %swap3A_333 = arith.constant 0 : index
      %swap3A_334 = tpu.vector_load %arg6[%swap3A_333] {strides = array<i32>} : memref<16xf32, #tpu.memory_space<vmem>>, vector<16xf32>,
      %swap3A_335 = vector.shape_cast %swap3A_334 : vector<16xf32> to vector<16xf32>
      %swap3A_336 = vector.shape_cast %add3A_332 : vector<16xf32> to vector<16xf32>
      tpu.vector_store %arg6[%swap3A_333], %swap3A_336 {strides = array<i32>} : memref<16xf32, #tpu.memory_space<vmem>>, vector<16xf32>,
    }
    %scan3A_67 = arith.constant 64 : i32
    %add3A_68 = arith.constant 320 : i32
    %add3A_69 = arith.addi %mul3A_2, %add3A_68 : i32
    %dma_start3A_70 = arith.constant 0 : i32
    %dma_start3A_71 = tpu.memref_slice %arg2[%add3A_69, %dma_start3A_70] : memref<16384x512xf32, #tpu.memory_space<hbm>> -> memref<64x512xf32, #tpu.memory_space<hbm>>
    %dma_start3A_72 = arith.constant 0 : i32
    %dma_start3A_73 = tpu.memref_slice %arg2[%add3A_69, %dma_start3A_72] : memref<16384x512xf32, #tpu.memory_space<hbm>> -> memref<64x512xf32, #tpu.memory_space<hbm>>
    tpu.enqueue_dma source(%dma_start3A_73 : memref<64x512xf32, #tpu.memory_space<hbm>>) target(%arg5 : memref<64x512xf32, #tpu.memory_space<vmem>>) target_semaphore(%arg8 : memref<!tpu.dma_semaphore, #tpu.memory_space<semaphore_mem>>)
    %dma_wait3A_74 = arith.constant 0 : i32
    %dma_wait3A_75 = tpu.memref_slice %arg2[%add3A_54, %dma_wait3A_74] : memref<16384x512xf32, #tpu.memory_space<hbm>> -> memref<64x512xf32, #tpu.memory_space<hbm>>
    %dma_wait3A_76 = arith.constant 0 : i32
    %dma_wait3A_77 = tpu.memref_slice %arg2[%add3A_54, %dma_wait3A_76] : memref<16384x512xf32, #tpu.memory_space<hbm>> -> memref<64x512xf32, #tpu.memory_space<hbm>>
    tpu.wait_dma2 semaphore(%arg7 : memref<!tpu.dma_semaphore, #tpu.memory_space<semaphore_mem>>) src(%dma_wait3A_77 : memref<64x512xf32, #tpu.memory_space<hbm>>) dst(%arg4 : memref<64x512xf32, #tpu.memory_space<vmem>>)
    %scan3A_78 = arith.constant 0 : i32
    %scan3A_79 = arith.constant 64 : i32
    %scan3A_80 = arith.addi %scan3A_78, %scan3A_79 : i32
    %scan3A_81 = arith.constant 1 : i32
    scf.for %scan3A_122 = %scan3A_78 to %scan3A_80 step %scan3A_81  : i32 {
      %mul3A_123 = arith.constant 1 : i32
      %mul3A_124 = arith.muli %scan3A_122, %mul3A_123 : i32
      %add3A_125 = arith.constant 0 : i32
      %add3A_126 = arith.addi %add3A_125, %mul3A_124 : i32
      %broadcast_in_dim3A_127 = arith.constant 0.000000e+00 : f32
      %broadcast_in_dim3A_128 = vector.broadcast %broadcast_in_dim3A_127 : f32 to vector<16xf32>
      %broadcast_in_dim3A_129 = arith.constant 0.000000e+00 : f32
      %broadcast_in_dim3A_130 = vector.broadcast %broadcast_in_dim3A_129 : f32 to vector<16xf32>
      %broadcast_in_dim3A_131 = arith.constant 0.000000e+00 : f32
      %broadcast_in_dim3A_132 = vector.broadcast %broadcast_in_dim3A_131 : f32 to vector<16xf32>
      %broadcast_in_dim3A_133 = arith.constant 0.000000e+00 : f32
      %broadcast_in_dim3A_134 = vector.broadcast %broadcast_in_dim3A_133 : f32 to vector<16xf32>
      %get3A = arith.index_cast %add3A_126 : i32 to index
      %get3A_135 = arith.constant 0 : index
      %get3A_136 = tpu.vector_load %arg4[%get3A, %get3A_135] {strides = array<i32>} : memref<64x512xf32, #tpu.memory_space<vmem>>, vector<1x16xf32>,
      %get3A_137 = vector.shape_cast %get3A_136 : vector<1x16xf32> to vector<16xf32>
      %mul3A_138 = arith.mulf %get3A_137, %get3A_137 : vector<16xf32>
      %add3A_139 = arith.addf %broadcast_in_dim3A_128, %mul3A_138 : vector<16xf32>
      %get3A_140 = arith.index_cast %add3A_126 : i32 to index
      %get3A_141 = arith.constant 16 : index
      %get3A_142 = tpu.vector_load %arg4[%get3A_140, %get3A_141] {strides = array<i32>} : memref<64x512xf32, #tpu.memory_space<vmem>>, vector<1x16xf32>,
      %get3A_143 = vector.shape_cast %get3A_142 : vector<1x16xf32> to vector<16xf32>
      %mul3A_144 = arith.mulf %get3A_143, %get3A_143 : vector<16xf32>
      %add3A_145 = arith.addf %broadcast_in_dim3A_130, %mul3A_144 : vector<16xf32>
      %get3A_146 = arith.index_cast %add3A_126 : i32 to index
      %get3A_147 = arith.constant 32 : index
      %get3A_148 = tpu.vector_load %arg4[%get3A_146, %get3A_147] {strides = array<i32>} : memref<64x512xf32, #tpu.memory_space<vmem>>, vector<1x16xf32>,
      %get3A_149 = vector.shape_cast %get3A_148 : vector<1x16xf32> to vector<16xf32>
      %mul3A_150 = arith.mulf %get3A_149, %get3A_149 : vector<16xf32>
      %add3A_151 = arith.addf %broadcast_in_dim3A_132, %mul3A_150 : vector<16xf32>
      %get3A_152 = arith.index_cast %add3A_126 : i32 to index
      %get3A_153 = arith.constant 48 : index
      %get3A_154 = tpu.vector_load %arg4[%get3A_152, %get3A_153] {strides = array<i32>} : memref<64x512xf32, #tpu.memory_space<vmem>>, vector<1x16xf32>,
      %get3A_155 = vector.shape_cast %get3A_154 : vector<1x16xf32> to vector<16xf32>
      %mul3A_156 = arith.mulf %get3A_155, %get3A_155 : vector<16xf32>
      %add3A_157 = arith.addf %broadcast_in_dim3A_134, %mul3A_156 : vector<16xf32>
      %get3A_158 = arith.index_cast %add3A_126 : i32 to index
      %get3A_159 = arith.constant 64 : index
      %get3A_160 = tpu.vector_load %arg4[%get3A_158, %get3A_159] {strides = array<i32>} : memref<64x512xf32, #tpu.memory_space<vmem>>, vector<1x16xf32>,
      %get3A_161 = vector.shape_cast %get3A_160 : vector<1x16xf32> to vector<16xf32>
      %mul3A_162 = arith.mulf %get3A_161, %get3A_161 : vector<16xf32>
      %add3A_163 = arith.addf %add3A_139, %mul3A_162 : vector<16xf32>
      %get3A_164 = arith.index_cast %add3A_126 : i32 to index
      %get3A_165 = arith.constant 80 : index
      %get3A_166 = tpu.vector_load %arg4[%get3A_164, %get3A_165] {strides = array<i32>} : memref<64x512xf32, #tpu.memory_space<vmem>>, vector<1x16xf32>,
      %get3A_167 = vector.shape_cast %get3A_166 : vector<1x16xf32> to vector<16xf32>
      %mul3A_168 = arith.mulf %get3A_167, %get3A_167 : vector<16xf32>
      %add3A_169 = arith.addf %add3A_145, %mul3A_168 : vector<16xf32>
      %get3A_170 = arith.index_cast %add3A_126 : i32 to index
      %get3A_171 = arith.constant 96 : index
      %get3A_172 = tpu.vector_load %arg4[%get3A_170, %get3A_171] {strides = array<i32>} : memref<64x512xf32, #tpu.memory_space<vmem>>, vector<1x16xf32>,
      %get3A_173 = vector.shape_cast %get3A_172 : vector<1x16xf32> to vector<16xf32>
      %mul3A_174 = arith.mulf %get3A_173, %get3A_173 : vector<16xf32>
      %add3A_175 = arith.addf %add3A_151, %mul3A_174 : vector<16xf32>
      %get3A_176 = arith.index_cast %add3A_126 : i32 to index
      %get3A_177 = arith.constant 112 : index
      %get3A_178 = tpu.vector_load %arg4[%get3A_176, %get3A_177] {strides = array<i32>} : memref<64x512xf32, #tpu.memory_space<vmem>>, vector<1x16xf32>,
      %get3A_179 = vector.shape_cast %get3A_178 : vector<1x16xf32> to vector<16xf32>
      %mul3A_180 = arith.mulf %get3A_179, %get3A_179 : vector<16xf32>
      %add3A_181 = arith.addf %add3A_157, %mul3A_180 : vector<16xf32>
      %get3A_182 = arith.index_cast %add3A_126 : i32 to index
      %get3A_183 = arith.constant 128 : index
      %get3A_184 = tpu.vector_load %arg4[%get3A_182, %get3A_183] {strides = array<i32>} : memref<64x512xf32, #tpu.memory_space<vmem>>, vector<1x16xf32>,
      %get3A_185 = vector.shape_cast %get3A_184 : vector<1x16xf32> to vector<16xf32>
      %mul3A_186 = arith.mulf %get3A_185, %get3A_185 : vector<16xf32>
      %add3A_187 = arith.addf %add3A_163, %mul3A_186 : vector<16xf32>
      %get3A_188 = arith.index_cast %add3A_126 : i32 to index
      %get3A_189 = arith.constant 144 : index
      %get3A_190 = tpu.vector_load %arg4[%get3A_188, %get3A_189] {strides = array<i32>} : memref<64x512xf32, #tpu.memory_space<vmem>>, vector<1x16xf32>,
      %get3A_191 = vector.shape_cast %get3A_190 : vector<1x16xf32> to vector<16xf32>
      %mul3A_192 = arith.mulf %get3A_191, %get3A_191 : vector<16xf32>
      %add3A_193 = arith.addf %add3A_169, %mul3A_192 : vector<16xf32>
      %get3A_194 = arith.index_cast %add3A_126 : i32 to index
      %get3A_195 = arith.constant 160 : index
      %get3A_196 = tpu.vector_load %arg4[%get3A_194, %get3A_195] {strides = array<i32>} : memref<64x512xf32, #tpu.memory_space<vmem>>, vector<1x16xf32>,
      %get3A_197 = vector.shape_cast %get3A_196 : vector<1x16xf32> to vector<16xf32>
      %mul3A_198 = arith.mulf %get3A_197, %get3A_197 : vector<16xf32>
      %add3A_199 = arith.addf %add3A_175, %mul3A_198 : vector<16xf32>
      %get3A_200 = arith.index_cast %add3A_126 : i32 to index
      %get3A_201 = arith.constant 176 : index
      %get3A_202 = tpu.vector_load %arg4[%get3A_200, %get3A_201] {strides = array<i32>} : memref<64x512xf32, #tpu.memory_space<vmem>>, vector<1x16xf32>,
      %get3A_203 = vector.shape_cast %get3A_202 : vector<1x16xf32> to vector<16xf32>
      %mul3A_204 = arith.mulf %get3A_203, %get3A_203 : vector<16xf32>
      %add3A_205 = arith.addf %add3A_181, %mul3A_204 : vector<16xf32>
      %get3A_206 = arith.index_cast %add3A_126 : i32 to index
      %get3A_207 = arith.constant 192 : index
      %get3A_208 = tpu.vector_load %arg4[%get3A_206, %get3A_207] {strides = array<i32>} : memref<64x512xf32, #tpu.memory_space<vmem>>, vector<1x16xf32>,
      %get3A_209 = vector.shape_cast %get3A_208 : vector<1x16xf32> to vector<16xf32>
      %mul3A_210 = arith.mulf %get3A_209, %get3A_209 : vector<16xf32>
      %add3A_211 = arith.addf %add3A_187, %mul3A_210 : vector<16xf32>
      %get3A_212 = arith.index_cast %add3A_126 : i32 to index
      %get3A_213 = arith.constant 208 : index
      %get3A_214 = tpu.vector_load %arg4[%get3A_212, %get3A_213] {strides = array<i32>} : memref<64x512xf32, #tpu.memory_space<vmem>>, vector<1x16xf32>,
      %get3A_215 = vector.shape_cast %get3A_214 : vector<1x16xf32> to vector<16xf32>
      %mul3A_216 = arith.mulf %get3A_215, %get3A_215 : vector<16xf32>
      %add3A_217 = arith.addf %add3A_193, %mul3A_216 : vector<16xf32>
      %get3A_218 = arith.index_cast %add3A_126 : i32 to index
      %get3A_219 = arith.constant 224 : index
      %get3A_220 = tpu.vector_load %arg4[%get3A_218, %get3A_219] {strides = array<i32>} : memref<64x512xf32, #tpu.memory_space<vmem>>, vector<1x16xf32>,
      %get3A_221 = vector.shape_cast %get3A_220 : vector<1x16xf32> to vector<16xf32>
      %mul3A_222 = arith.mulf %get3A_221, %get3A_221 : vector<16xf32>
      %add3A_223 = arith.addf %add3A_199, %mul3A_222 : vector<16xf32>
      %get3A_224 = arith.index_cast %add3A_126 : i32 to index
      %get3A_225 = arith.constant 240 : index
      %get3A_226 = tpu.vector_load %arg4[%get3A_224, %get3A_225] {strides = array<i32>} : memref<64x512xf32, #tpu.memory_space<vmem>>, vector<1x16xf32>,
      %get3A_227 = vector.shape_cast %get3A_226 : vector<1x16xf32> to vector<16xf32>
      %mul3A_228 = arith.mulf %get3A_227, %get3A_227 : vector<16xf32>
      %add3A_229 = arith.addf %add3A_205, %mul3A_228 : vector<16xf32>
      %get3A_230 = arith.index_cast %add3A_126 : i32 to index
      %get3A_231 = arith.constant 256 : index
      %get3A_232 = tpu.vector_load %arg4[%get3A_230, %get3A_231] {strides = array<i32>} : memref<64x512xf32, #tpu.memory_space<vmem>>, vector<1x16xf32>,
      %get3A_233 = vector.shape_cast %get3A_232 : vector<1x16xf32> to vector<16xf32>
      %mul3A_234 = arith.mulf %get3A_233, %get3A_233 : vector<16xf32>
      %add3A_235 = arith.addf %add3A_211, %mul3A_234 : vector<16xf32>
      %get3A_236 = arith.index_cast %add3A_126 : i32 to index
      %get3A_237 = arith.constant 272 : index
      %get3A_238 = tpu.vector_load %arg4[%get3A_236, %get3A_237] {strides = array<i32>} : memref<64x512xf32, #tpu.memory_space<vmem>>, vector<1x16xf32>,
      %get3A_239 = vector.shape_cast %get3A_238 : vector<1x16xf32> to vector<16xf32>
      %mul3A_240 = arith.mulf %get3A_239, %get3A_239 : vector<16xf32>
      %add3A_241 = arith.addf %add3A_217, %mul3A_240 : vector<16xf32>
      %get3A_242 = arith.index_cast %add3A_126 : i32 to index
      %get3A_243 = arith.constant 288 : index
      %get3A_244 = tpu.vector_load %arg4[%get3A_242, %get3A_243] {strides = array<i32>} : memref<64x512xf32, #tpu.memory_space<vmem>>, vector<1x16xf32>,
      %get3A_245 = vector.shape_cast %get3A_244 : vector<1x16xf32> to vector<16xf32>
      %mul3A_246 = arith.mulf %get3A_245, %get3A_245 : vector<16xf32>
      %add3A_247 = arith.addf %add3A_223, %mul3A_246 : vector<16xf32>
      %get3A_248 = arith.index_cast %add3A_126 : i32 to index
      %get3A_249 = arith.constant 304 : index
      %get3A_250 = tpu.vector_load %arg4[%get3A_248, %get3A_249] {strides = array<i32>} : memref<64x512xf32, #tpu.memory_space<vmem>>, vector<1x16xf32>,
      %get3A_251 = vector.shape_cast %get3A_250 : vector<1x16xf32> to vector<16xf32>
      %mul3A_252 = arith.mulf %get3A_251, %get3A_251 : vector<16xf32>
      %add3A_253 = arith.addf %add3A_229, %mul3A_252 : vector<16xf32>
      %get3A_254 = arith.index_cast %add3A_126 : i32 to index
      %get3A_255 = arith.constant 320 : index
      %get3A_256 = tpu.vector_load %arg4[%get3A_254, %get3A_255] {strides = array<i32>} : memref<64x512xf32, #tpu.memory_space<vmem>>, vector<1x16xf32>,
      %get3A_257 = vector.shape_cast %get3A_256 : vector<1x16xf32> to vector<16xf32>
      %mul3A_258 = arith.mulf %get3A_257, %get3A_257 : vector<16xf32>
      %add3A_259 = arith.addf %add3A_235, %mul3A_258 : vector<16xf32>
      %get3A_260 = arith.index_cast %add3A_126 : i32 to index
      %get3A_261 = arith.constant 336 : index
      %get3A_262 = tpu.vector_load %arg4[%get3A_260, %get3A_261] {strides = array<i32>} : memref<64x512xf32, #tpu.memory_space<vmem>>, vector<1x16xf32>,
      %get3A_263 = vector.shape_cast %get3A_262 : vector<1x16xf32> to vector<16xf32>
      %mul3A_264 = arith.mulf %get3A_263, %get3A_263 : vector<16xf32>
      %add3A_265 = arith.addf %add3A_241, %mul3A_264 : vector<16xf32>
      %get3A_266 = arith.index_cast %add3A_126 : i32 to index
      %get3A_267 = arith.constant 352 : index
      %get3A_268 = tpu.vector_load %arg4[%get3A_266, %get3A_267] {strides = array<i32>} : memref<64x512xf32, #tpu.memory_space<vmem>>, vector<1x16xf32>,
      %get3A_269 = vector.shape_cast %get3A_268 : vector<1x16xf32> to vector<16xf32>
      %mul3A_270 = arith.mulf %get3A_269, %get3A_269 : vector<16xf32>
      %add3A_271 = arith.addf %add3A_247, %mul3A_270 : vector<16xf32>
      %get3A_272 = arith.index_cast %add3A_126 : i32 to index
      %get3A_273 = arith.constant 368 : index
      %get3A_274 = tpu.vector_load %arg4[%get3A_272, %get3A_273] {strides = array<i32>} : memref<64x512xf32, #tpu.memory_space<vmem>>, vector<1x16xf32>,
      %get3A_275 = vector.shape_cast %get3A_274 : vector<1x16xf32> to vector<16xf32>
      %mul3A_276 = arith.mulf %get3A_275, %get3A_275 : vector<16xf32>
      %add3A_277 = arith.addf %add3A_253, %mul3A_276 : vector<16xf32>
      %get3A_278 = arith.index_cast %add3A_126 : i32 to index
      %get3A_279 = arith.constant 384 : index
      %get3A_280 = tpu.vector_load %arg4[%get3A_278, %get3A_279] {strides = array<i32>} : memref<64x512xf32, #tpu.memory_space<vmem>>, vector<1x16xf32>,
      %get3A_281 = vector.shape_cast %get3A_280 : vector<1x16xf32> to vector<16xf32>
      %mul3A_282 = arith.mulf %get3A_281, %get3A_281 : vector<16xf32>
      %add3A_283 = arith.addf %add3A_259, %mul3A_282 : vector<16xf32>
      %get3A_284 = arith.index_cast %add3A_126 : i32 to index
      %get3A_285 = arith.constant 400 : index
      %get3A_286 = tpu.vector_load %arg4[%get3A_284, %get3A_285] {strides = array<i32>} : memref<64x512xf32, #tpu.memory_space<vmem>>, vector<1x16xf32>,
      %get3A_287 = vector.shape_cast %get3A_286 : vector<1x16xf32> to vector<16xf32>
      %mul3A_288 = arith.mulf %get3A_287, %get3A_287 : vector<16xf32>
      %add3A_289 = arith.addf %add3A_265, %mul3A_288 : vector<16xf32>
      %get3A_290 = arith.index_cast %add3A_126 : i32 to index
      %get3A_291 = arith.constant 416 : index
      %get3A_292 = tpu.vector_load %arg4[%get3A_290, %get3A_291] {strides = array<i32>} : memref<64x512xf32, #tpu.memory_space<vmem>>, vector<1x16xf32>,
      %get3A_293 = vector.shape_cast %get3A_292 : vector<1x16xf32> to vector<16xf32>
      %mul3A_294 = arith.mulf %get3A_293, %get3A_293 : vector<16xf32>
      %add3A_295 = arith.addf %add3A_271, %mul3A_294 : vector<16xf32>
      %get3A_296 = arith.index_cast %add3A_126 : i32 to index
      %get3A_297 = arith.constant 432 : index
      %get3A_298 = tpu.vector_load %arg4[%get3A_296, %get3A_297] {strides = array<i32>} : memref<64x512xf32, #tpu.memory_space<vmem>>, vector<1x16xf32>,
      %get3A_299 = vector.shape_cast %get3A_298 : vector<1x16xf32> to vector<16xf32>
      %mul3A_300 = arith.mulf %get3A_299, %get3A_299 : vector<16xf32>
      %add3A_301 = arith.addf %add3A_277, %mul3A_300 : vector<16xf32>
      %get3A_302 = arith.index_cast %add3A_126 : i32 to index
      %get3A_303 = arith.constant 448 : index
      %get3A_304 = tpu.vector_load %arg4[%get3A_302, %get3A_303] {strides = array<i32>} : memref<64x512xf32, #tpu.memory_space<vmem>>, vector<1x16xf32>,
      %get3A_305 = vector.shape_cast %get3A_304 : vector<1x16xf32> to vector<16xf32>
      %mul3A_306 = arith.mulf %get3A_305, %get3A_305 : vector<16xf32>
      %add3A_307 = arith.addf %add3A_283, %mul3A_306 : vector<16xf32>
      %get3A_308 = arith.index_cast %add3A_126 : i32 to index
      %get3A_309 = arith.constant 464 : index
      %get3A_310 = tpu.vector_load %arg4[%get3A_308, %get3A_309] {strides = array<i32>} : memref<64x512xf32, #tpu.memory_space<vmem>>, vector<1x16xf32>,
      %get3A_311 = vector.shape_cast %get3A_310 : vector<1x16xf32> to vector<16xf32>
      %mul3A_312 = arith.mulf %get3A_311, %get3A_311 : vector<16xf32>
      %add3A_313 = arith.addf %add3A_289, %mul3A_312 : vector<16xf32>
      %get3A_314 = arith.index_cast %add3A_126 : i32 to index
      %get3A_315 = arith.constant 480 : index
      %get3A_316 = tpu.vector_load %arg4[%get3A_314, %get3A_315] {strides = array<i32>} : memref<64x512xf32, #tpu.memory_space<vmem>>, vector<1x16xf32>,
      %get3A_317 = vector.shape_cast %get3A_316 : vector<1x16xf32> to vector<16xf32>
      %mul3A_318 = arith.mulf %get3A_317, %get3A_317 : vector<16xf32>
      %add3A_319 = arith.addf %add3A_295, %mul3A_318 : vector<16xf32>
      %get3A_320 = arith.index_cast %add3A_126 : i32 to index
      %get3A_321 = arith.constant 496 : index
      %get3A_322 = tpu.vector_load %arg4[%get3A_320, %get3A_321] {strides = array<i32>} : memref<64x512xf32, #tpu.memory_space<vmem>>, vector<1x16xf32>,
      %get3A_323 = vector.shape_cast %get3A_322 : vector<1x16xf32> to vector<16xf32>
      %mul3A_324 = arith.mulf %get3A_323, %get3A_323 : vector<16xf32>
      %add3A_325 = arith.addf %add3A_301, %mul3A_324 : vector<16xf32>
      %get3A_326 = arith.constant 0 : index
      %get3A_327 = tpu.vector_load %arg6[%get3A_326] {strides = array<i32>} : memref<16xf32, #tpu.memory_space<vmem>>, vector<16xf32>,
      %get3A_328 = vector.shape_cast %get3A_327 : vector<16xf32> to vector<16xf32>
      %add3A_329 = arith.addf %add3A_307, %add3A_313 : vector<16xf32>
      %add3A_330 = arith.addf %add3A_319, %add3A_325 : vector<16xf32>
      %add3A_331 = arith.addf %add3A_329, %add3A_330 : vector<16xf32>
      %add3A_332 = arith.addf %get3A_328, %add3A_331 : vector<16xf32>
      %swap3A_333 = arith.constant 0 : index
      %swap3A_334 = tpu.vector_load %arg6[%swap3A_333] {strides = array<i32>} : memref<16xf32, #tpu.memory_space<vmem>>, vector<16xf32>,
      %swap3A_335 = vector.shape_cast %swap3A_334 : vector<16xf32> to vector<16xf32>
      %swap3A_336 = vector.shape_cast %add3A_332 : vector<16xf32> to vector<16xf32>
      tpu.vector_store %arg6[%swap3A_333], %swap3A_336 {strides = array<i32>} : memref<16xf32, #tpu.memory_space<vmem>>, vector<16xf32>,
    }
    %scan3A_82 = arith.constant 64 : i32
    %add3A_83 = arith.constant 384 : i32
    %add3A_84 = arith.addi %mul3A_2, %add3A_83 : i32
    %dma_start3A_85 = arith.constant 0 : i32
    %dma_start3A_86 = tpu.memref_slice %arg2[%add3A_84, %dma_start3A_85] : memref<16384x512xf32, #tpu.memory_space<hbm>> -> memref<64x512xf32, #tpu.memory_space<hbm>>
    %dma_start3A_87 = arith.constant 0 : i32
    %dma_start3A_88 = tpu.memref_slice %arg2[%add3A_84, %dma_start3A_87] : memref<16384x512xf32, #tpu.memory_space<hbm>> -> memref<64x512xf32, #tpu.memory_space<hbm>>
    tpu.enqueue_dma source(%dma_start3A_88 : memref<64x512xf32, #tpu.memory_space<hbm>>) target(%arg4 : memref<64x512xf32, #tpu.memory_space<vmem>>) target_semaphore(%arg7 : memref<!tpu.dma_semaphore, #tpu.memory_space<semaphore_mem>>)
    %dma_wait3A_89 = arith.constant 0 : i32
    %dma_wait3A_90 = tpu.memref_slice %arg2[%add3A_69, %dma_wait3A_89] : memref<16384x512xf32, #tpu.memory_space<hbm>> -> memref<64x512xf32, #tpu.memory_space<hbm>>
    %dma_wait3A_91 = arith.constant 0 : i32
    %dma_wait3A_92 = tpu.memref_slice %arg2[%add3A_69, %dma_wait3A_91] : memref<16384x512xf32, #tpu.memory_space<hbm>> -> memref<64x512xf32, #tpu.memory_space<hbm>>
    tpu.wait_dma2 semaphore(%arg8 : memref<!tpu.dma_semaphore, #tpu.memory_space<semaphore_mem>>) src(%dma_wait3A_92 : memref<64x512xf32, #tpu.memory_space<hbm>>) dst(%arg5 : memref<64x512xf32, #tpu.memory_space<vmem>>)
    %scan3A_93 = arith.constant 0 : i32
    %scan3A_94 = arith.constant 64 : i32
    %scan3A_95 = arith.addi %scan3A_93, %scan3A_94 : i32
    %scan3A_96 = arith.constant 1 : i32
    scf.for %scan3A_122 = %scan3A_93 to %scan3A_95 step %scan3A_96  : i32 {
      %mul3A_123 = arith.constant 1 : i32
      %mul3A_124 = arith.muli %scan3A_122, %mul3A_123 : i32
      %add3A_125 = arith.constant 0 : i32
      %add3A_126 = arith.addi %add3A_125, %mul3A_124 : i32
      %broadcast_in_dim3A_127 = arith.constant 0.000000e+00 : f32
      %broadcast_in_dim3A_128 = vector.broadcast %broadcast_in_dim3A_127 : f32 to vector<16xf32>
      %broadcast_in_dim3A_129 = arith.constant 0.000000e+00 : f32
      %broadcast_in_dim3A_130 = vector.broadcast %broadcast_in_dim3A_129 : f32 to vector<16xf32>
      %broadcast_in_dim3A_131 = arith.constant 0.000000e+00 : f32
      %broadcast_in_dim3A_132 = vector.broadcast %broadcast_in_dim3A_131 : f32 to vector<16xf32>
      %broadcast_in_dim3A_133 = arith.constant 0.000000e+00 : f32
      %broadcast_in_dim3A_134 = vector.broadcast %broadcast_in_dim3A_133 : f32 to vector<16xf32>
      %get3A = arith.index_cast %add3A_126 : i32 to index
      %get3A_135 = arith.constant 0 : index
      %get3A_136 = tpu.vector_load %arg5[%get3A, %get3A_135] {strides = array<i32>} : memref<64x512xf32, #tpu.memory_space<vmem>>, vector<1x16xf32>,
      %get3A_137 = vector.shape_cast %get3A_136 : vector<1x16xf32> to vector<16xf32>
      %mul3A_138 = arith.mulf %get3A_137, %get3A_137 : vector<16xf32>
      %add3A_139 = arith.addf %broadcast_in_dim3A_128, %mul3A_138 : vector<16xf32>
      %get3A_140 = arith.index_cast %add3A_126 : i32 to index
      %get3A_141 = arith.constant 16 : index
      %get3A_142 = tpu.vector_load %arg5[%get3A_140, %get3A_141] {strides = array<i32>} : memref<64x512xf32, #tpu.memory_space<vmem>>, vector<1x16xf32>,
      %get3A_143 = vector.shape_cast %get3A_142 : vector<1x16xf32> to vector<16xf32>
      %mul3A_144 = arith.mulf %get3A_143, %get3A_143 : vector<16xf32>
      %add3A_145 = arith.addf %broadcast_in_dim3A_130, %mul3A_144 : vector<16xf32>
      %get3A_146 = arith.index_cast %add3A_126 : i32 to index
      %get3A_147 = arith.constant 32 : index
      %get3A_148 = tpu.vector_load %arg5[%get3A_146, %get3A_147] {strides = array<i32>} : memref<64x512xf32, #tpu.memory_space<vmem>>, vector<1x16xf32>,
      %get3A_149 = vector.shape_cast %get3A_148 : vector<1x16xf32> to vector<16xf32>
      %mul3A_150 = arith.mulf %get3A_149, %get3A_149 : vector<16xf32>
      %add3A_151 = arith.addf %broadcast_in_dim3A_132, %mul3A_150 : vector<16xf32>
      %get3A_152 = arith.index_cast %add3A_126 : i32 to index
      %get3A_153 = arith.constant 48 : index
      %get3A_154 = tpu.vector_load %arg5[%get3A_152, %get3A_153] {strides = array<i32>} : memref<64x512xf32, #tpu.memory_space<vmem>>, vector<1x16xf32>,
      %get3A_155 = vector.shape_cast %get3A_154 : vector<1x16xf32> to vector<16xf32>
      %mul3A_156 = arith.mulf %get3A_155, %get3A_155 : vector<16xf32>
      %add3A_157 = arith.addf %broadcast_in_dim3A_134, %mul3A_156 : vector<16xf32>
      %get3A_158 = arith.index_cast %add3A_126 : i32 to index
      %get3A_159 = arith.constant 64 : index
      %get3A_160 = tpu.vector_load %arg5[%get3A_158, %get3A_159] {strides = array<i32>} : memref<64x512xf32, #tpu.memory_space<vmem>>, vector<1x16xf32>,
      %get3A_161 = vector.shape_cast %get3A_160 : vector<1x16xf32> to vector<16xf32>
      %mul3A_162 = arith.mulf %get3A_161, %get3A_161 : vector<16xf32>
      %add3A_163 = arith.addf %add3A_139, %mul3A_162 : vector<16xf32>
      %get3A_164 = arith.index_cast %add3A_126 : i32 to index
      %get3A_165 = arith.constant 80 : index
      %get3A_166 = tpu.vector_load %arg5[%get3A_164, %get3A_165] {strides = array<i32>} : memref<64x512xf32, #tpu.memory_space<vmem>>, vector<1x16xf32>,
      %get3A_167 = vector.shape_cast %get3A_166 : vector<1x16xf32> to vector<16xf32>
      %mul3A_168 = arith.mulf %get3A_167, %get3A_167 : vector<16xf32>
      %add3A_169 = arith.addf %add3A_145, %mul3A_168 : vector<16xf32>
      %get3A_170 = arith.index_cast %add3A_126 : i32 to index
      %get3A_171 = arith.constant 96 : index
      %get3A_172 = tpu.vector_load %arg5[%get3A_170, %get3A_171] {strides = array<i32>} : memref<64x512xf32, #tpu.memory_space<vmem>>, vector<1x16xf32>,
      %get3A_173 = vector.shape_cast %get3A_172 : vector<1x16xf32> to vector<16xf32>
      %mul3A_174 = arith.mulf %get3A_173, %get3A_173 : vector<16xf32>
      %add3A_175 = arith.addf %add3A_151, %mul3A_174 : vector<16xf32>
      %get3A_176 = arith.index_cast %add3A_126 : i32 to index
      %get3A_177 = arith.constant 112 : index
      %get3A_178 = tpu.vector_load %arg5[%get3A_176, %get3A_177] {strides = array<i32>} : memref<64x512xf32, #tpu.memory_space<vmem>>, vector<1x16xf32>,
      %get3A_179 = vector.shape_cast %get3A_178 : vector<1x16xf32> to vector<16xf32>
      %mul3A_180 = arith.mulf %get3A_179, %get3A_179 : vector<16xf32>
      %add3A_181 = arith.addf %add3A_157, %mul3A_180 : vector<16xf32>
      %get3A_182 = arith.index_cast %add3A_126 : i32 to index
      %get3A_183 = arith.constant 128 : index
      %get3A_184 = tpu.vector_load %arg5[%get3A_182, %get3A_183] {strides = array<i32>} : memref<64x512xf32, #tpu.memory_space<vmem>>, vector<1x16xf32>,
      %get3A_185 = vector.shape_cast %get3A_184 : vector<1x16xf32> to vector<16xf32>
      %mul3A_186 = arith.mulf %get3A_185, %get3A_185 : vector<16xf32>
      %add3A_187 = arith.addf %add3A_163, %mul3A_186 : vector<16xf32>
      %get3A_188 = arith.index_cast %add3A_126 : i32 to index
      %get3A_189 = arith.constant 144 : index
      %get3A_190 = tpu.vector_load %arg5[%get3A_188, %get3A_189] {strides = array<i32>} : memref<64x512xf32, #tpu.memory_space<vmem>>, vector<1x16xf32>,
      %get3A_191 = vector.shape_cast %get3A_190 : vector<1x16xf32> to vector<16xf32>
      %mul3A_192 = arith.mulf %get3A_191, %get3A_191 : vector<16xf32>
      %add3A_193 = arith.addf %add3A_169, %mul3A_192 : vector<16xf32>
      %get3A_194 = arith.index_cast %add3A_126 : i32 to index
      %get3A_195 = arith.constant 160 : index
      %get3A_196 = tpu.vector_load %arg5[%get3A_194, %get3A_195] {strides = array<i32>} : memref<64x512xf32, #tpu.memory_space<vmem>>, vector<1x16xf32>,
      %get3A_197 = vector.shape_cast %get3A_196 : vector<1x16xf32> to vector<16xf32>
      %mul3A_198 = arith.mulf %get3A_197, %get3A_197 : vector<16xf32>
      %add3A_199 = arith.addf %add3A_175, %mul3A_198 : vector<16xf32>
      %get3A_200 = arith.index_cast %add3A_126 : i32 to index
      %get3A_201 = arith.constant 176 : index
      %get3A_202 = tpu.vector_load %arg5[%get3A_200, %get3A_201] {strides = array<i32>} : memref<64x512xf32, #tpu.memory_space<vmem>>, vector<1x16xf32>,
      %get3A_203 = vector.shape_cast %get3A_202 : vector<1x16xf32> to vector<16xf32>
      %mul3A_204 = arith.mulf %get3A_203, %get3A_203 : vector<16xf32>
      %add3A_205 = arith.addf %add3A_181, %mul3A_204 : vector<16xf32>
      %get3A_206 = arith.index_cast %add3A_126 : i32 to index
      %get3A_207 = arith.constant 192 : index
      %get3A_208 = tpu.vector_load %arg5[%get3A_206, %get3A_207] {strides = array<i32>} : memref<64x512xf32, #tpu.memory_space<vmem>>, vector<1x16xf32>,
      %get3A_209 = vector.shape_cast %get3A_208 : vector<1x16xf32> to vector<16xf32>
      %mul3A_210 = arith.mulf %get3A_209, %get3A_209 : vector<16xf32>
      %add3A_211 = arith.addf %add3A_187, %mul3A_210 : vector<16xf32>
      %get3A_212 = arith.index_cast %add3A_126 : i32 to index
      %get3A_213 = arith.constant 208 : index
      %get3A_214 = tpu.vector_load %arg5[%get3A_212, %get3A_213] {strides = array<i32>} : memref<64x512xf32, #tpu.memory_space<vmem>>, vector<1x16xf32>,
      %get3A_215 = vector.shape_cast %get3A_214 : vector<1x16xf32> to vector<16xf32>
      %mul3A_216 = arith.mulf %get3A_215, %get3A_215 : vector<16xf32>
      %add3A_217 = arith.addf %add3A_193, %mul3A_216 : vector<16xf32>
      %get3A_218 = arith.index_cast %add3A_126 : i32 to index
      %get3A_219 = arith.constant 224 : index
      %get3A_220 = tpu.vector_load %arg5[%get3A_218, %get3A_219] {strides = array<i32>} : memref<64x512xf32, #tpu.memory_space<vmem>>, vector<1x16xf32>,
      %get3A_221 = vector.shape_cast %get3A_220 : vector<1x16xf32> to vector<16xf32>
      %mul3A_222 = arith.mulf %get3A_221, %get3A_221 : vector<16xf32>
      %add3A_223 = arith.addf %add3A_199, %mul3A_222 : vector<16xf32>
      %get3A_224 = arith.index_cast %add3A_126 : i32 to index
      %get3A_225 = arith.constant 240 : index
      %get3A_226 = tpu.vector_load %arg5[%get3A_224, %get3A_225] {strides = array<i32>} : memref<64x512xf32, #tpu.memory_space<vmem>>, vector<1x16xf32>,
      %get3A_227 = vector.shape_cast %get3A_226 : vector<1x16xf32> to vector<16xf32>
      %mul3A_228 = arith.mulf %get3A_227, %get3A_227 : vector<16xf32>
      %add3A_229 = arith.addf %add3A_205, %mul3A_228 : vector<16xf32>
      %get3A_230 = arith.index_cast %add3A_126 : i32 to index
      %get3A_231 = arith.constant 256 : index
      %get3A_232 = tpu.vector_load %arg5[%get3A_230, %get3A_231] {strides = array<i32>} : memref<64x512xf32, #tpu.memory_space<vmem>>, vector<1x16xf32>,
      %get3A_233 = vector.shape_cast %get3A_232 : vector<1x16xf32> to vector<16xf32>
      %mul3A_234 = arith.mulf %get3A_233, %get3A_233 : vector<16xf32>
      %add3A_235 = arith.addf %add3A_211, %mul3A_234 : vector<16xf32>
      %get3A_236 = arith.index_cast %add3A_126 : i32 to index
      %get3A_237 = arith.constant 272 : index
      %get3A_238 = tpu.vector_load %arg5[%get3A_236, %get3A_237] {strides = array<i32>} : memref<64x512xf32, #tpu.memory_space<vmem>>, vector<1x16xf32>,
      %get3A_239 = vector.shape_cast %get3A_238 : vector<1x16xf32> to vector<16xf32>
      %mul3A_240 = arith.mulf %get3A_239, %get3A_239 : vector<16xf32>
      %add3A_241 = arith.addf %add3A_217, %mul3A_240 : vector<16xf32>
      %get3A_242 = arith.index_cast %add3A_126 : i32 to index
      %get3A_243 = arith.constant 288 : index
      %get3A_244 = tpu.vector_load %arg5[%get3A_242, %get3A_243] {strides = array<i32>} : memref<64x512xf32, #tpu.memory_space<vmem>>, vector<1x16xf32>,
      %get3A_245 = vector.shape_cast %get3A_244 : vector<1x16xf32> to vector<16xf32>
      %mul3A_246 = arith.mulf %get3A_245, %get3A_245 : vector<16xf32>
      %add3A_247 = arith.addf %add3A_223, %mul3A_246 : vector<16xf32>
      %get3A_248 = arith.index_cast %add3A_126 : i32 to index
      %get3A_249 = arith.constant 304 : index
      %get3A_250 = tpu.vector_load %arg5[%get3A_248, %get3A_249] {strides = array<i32>} : memref<64x512xf32, #tpu.memory_space<vmem>>, vector<1x16xf32>,
      %get3A_251 = vector.shape_cast %get3A_250 : vector<1x16xf32> to vector<16xf32>
      %mul3A_252 = arith.mulf %get3A_251, %get3A_251 : vector<16xf32>
      %add3A_253 = arith.addf %add3A_229, %mul3A_252 : vector<16xf32>
      %get3A_254 = arith.index_cast %add3A_126 : i32 to index
      %get3A_255 = arith.constant 320 : index
      %get3A_256 = tpu.vector_load %arg5[%get3A_254, %get3A_255] {strides = array<i32>} : memref<64x512xf32, #tpu.memory_space<vmem>>, vector<1x16xf32>,
      %get3A_257 = vector.shape_cast %get3A_256 : vector<1x16xf32> to vector<16xf32>
      %mul3A_258 = arith.mulf %get3A_257, %get3A_257 : vector<16xf32>
      %add3A_259 = arith.addf %add3A_235, %mul3A_258 : vector<16xf32>
      %get3A_260 = arith.index_cast %add3A_126 : i32 to index
      %get3A_261 = arith.constant 336 : index
      %get3A_262 = tpu.vector_load %arg5[%get3A_260, %get3A_261] {strides = array<i32>} : memref<64x512xf32, #tpu.memory_space<vmem>>, vector<1x16xf32>,
      %get3A_263 = vector.shape_cast %get3A_262 : vector<1x16xf32> to vector<16xf32>
      %mul3A_264 = arith.mulf %get3A_263, %get3A_263 : vector<16xf32>
      %add3A_265 = arith.addf %add3A_241, %mul3A_264 : vector<16xf32>
      %get3A_266 = arith.index_cast %add3A_126 : i32 to index
      %get3A_267 = arith.constant 352 : index
      %get3A_268 = tpu.vector_load %arg5[%get3A_266, %get3A_267] {strides = array<i32>} : memref<64x512xf32, #tpu.memory_space<vmem>>, vector<1x16xf32>,
      %get3A_269 = vector.shape_cast %get3A_268 : vector<1x16xf32> to vector<16xf32>
      %mul3A_270 = arith.mulf %get3A_269, %get3A_269 : vector<16xf32>
      %add3A_271 = arith.addf %add3A_247, %mul3A_270 : vector<16xf32>
      %get3A_272 = arith.index_cast %add3A_126 : i32 to index
      %get3A_273 = arith.constant 368 : index
      %get3A_274 = tpu.vector_load %arg5[%get3A_272, %get3A_273] {strides = array<i32>} : memref<64x512xf32, #tpu.memory_space<vmem>>, vector<1x16xf32>,
      %get3A_275 = vector.shape_cast %get3A_274 : vector<1x16xf32> to vector<16xf32>
      %mul3A_276 = arith.mulf %get3A_275, %get3A_275 : vector<16xf32>
      %add3A_277 = arith.addf %add3A_253, %mul3A_276 : vector<16xf32>
      %get3A_278 = arith.index_cast %add3A_126 : i32 to index
      %get3A_279 = arith.constant 384 : index
      %get3A_280 = tpu.vector_load %arg5[%get3A_278, %get3A_279] {strides = array<i32>} : memref<64x512xf32, #tpu.memory_space<vmem>>, vector<1x16xf32>,
      %get3A_281 = vector.shape_cast %get3A_280 : vector<1x16xf32> to vector<16xf32>
      %mul3A_282 = arith.mulf %get3A_281, %get3A_281 : vector<16xf32>
      %add3A_283 = arith.addf %add3A_259, %mul3A_282 : vector<16xf32>
      %get3A_284 = arith.index_cast %add3A_126 : i32 to index
      %get3A_285 = arith.constant 400 : index
      %get3A_286 = tpu.vector_load %arg5[%get3A_284, %get3A_285] {strides = array<i32>} : memref<64x512xf32, #tpu.memory_space<vmem>>, vector<1x16xf32>,
      %get3A_287 = vector.shape_cast %get3A_286 : vector<1x16xf32> to vector<16xf32>
      %mul3A_288 = arith.mulf %get3A_287, %get3A_287 : vector<16xf32>
      %add3A_289 = arith.addf %add3A_265, %mul3A_288 : vector<16xf32>
      %get3A_290 = arith.index_cast %add3A_126 : i32 to index
      %get3A_291 = arith.constant 416 : index
      %get3A_292 = tpu.vector_load %arg5[%get3A_290, %get3A_291] {strides = array<i32>} : memref<64x512xf32, #tpu.memory_space<vmem>>, vector<1x16xf32>,
      %get3A_293 = vector.shape_cast %get3A_292 : vector<1x16xf32> to vector<16xf32>
      %mul3A_294 = arith.mulf %get3A_293, %get3A_293 : vector<16xf32>
      %add3A_295 = arith.addf %add3A_271, %mul3A_294 : vector<16xf32>
      %get3A_296 = arith.index_cast %add3A_126 : i32 to index
      %get3A_297 = arith.constant 432 : index
      %get3A_298 = tpu.vector_load %arg5[%get3A_296, %get3A_297] {strides = array<i32>} : memref<64x512xf32, #tpu.memory_space<vmem>>, vector<1x16xf32>,
      %get3A_299 = vector.shape_cast %get3A_298 : vector<1x16xf32> to vector<16xf32>
      %mul3A_300 = arith.mulf %get3A_299, %get3A_299 : vector<16xf32>
      %add3A_301 = arith.addf %add3A_277, %mul3A_300 : vector<16xf32>
      %get3A_302 = arith.index_cast %add3A_126 : i32 to index
      %get3A_303 = arith.constant 448 : index
      %get3A_304 = tpu.vector_load %arg5[%get3A_302, %get3A_303] {strides = array<i32>} : memref<64x512xf32, #tpu.memory_space<vmem>>, vector<1x16xf32>,
      %get3A_305 = vector.shape_cast %get3A_304 : vector<1x16xf32> to vector<16xf32>
      %mul3A_306 = arith.mulf %get3A_305, %get3A_305 : vector<16xf32>
      %add3A_307 = arith.addf %add3A_283, %mul3A_306 : vector<16xf32>
      %get3A_308 = arith.index_cast %add3A_126 : i32 to index
      %get3A_309 = arith.constant 464 : index
      %get3A_310 = tpu.vector_load %arg5[%get3A_308, %get3A_309] {strides = array<i32>} : memref<64x512xf32, #tpu.memory_space<vmem>>, vector<1x16xf32>,
      %get3A_311 = vector.shape_cast %get3A_310 : vector<1x16xf32> to vector<16xf32>
      %mul3A_312 = arith.mulf %get3A_311, %get3A_311 : vector<16xf32>
      %add3A_313 = arith.addf %add3A_289, %mul3A_312 : vector<16xf32>
      %get3A_314 = arith.index_cast %add3A_126 : i32 to index
      %get3A_315 = arith.constant 480 : index
      %get3A_316 = tpu.vector_load %arg5[%get3A_314, %get3A_315] {strides = array<i32>} : memref<64x512xf32, #tpu.memory_space<vmem>>, vector<1x16xf32>,
      %get3A_317 = vector.shape_cast %get3A_316 : vector<1x16xf32> to vector<16xf32>
      %mul3A_318 = arith.mulf %get3A_317, %get3A_317 : vector<16xf32>
      %add3A_319 = arith.addf %add3A_295, %mul3A_318 : vector<16xf32>
      %get3A_320 = arith.index_cast %add3A_126 : i32 to index
      %get3A_321 = arith.constant 496 : index
      %get3A_322 = tpu.vector_load %arg5[%get3A_320, %get3A_321] {strides = array<i32>} : memref<64x512xf32, #tpu.memory_space<vmem>>, vector<1x16xf32>,
      %get3A_323 = vector.shape_cast %get3A_322 : vector<1x16xf32> to vector<16xf32>
      %mul3A_324 = arith.mulf %get3A_323, %get3A_323 : vector<16xf32>
      %add3A_325 = arith.addf %add3A_301, %mul3A_324 : vector<16xf32>
      %get3A_326 = arith.constant 0 : index
      %get3A_327 = tpu.vector_load %arg6[%get3A_326] {strides = array<i32>} : memref<16xf32, #tpu.memory_space<vmem>>, vector<16xf32>,
      %get3A_328 = vector.shape_cast %get3A_327 : vector<16xf32> to vector<16xf32>
      %add3A_329 = arith.addf %add3A_307, %add3A_313 : vector<16xf32>
      %add3A_330 = arith.addf %add3A_319, %add3A_325 : vector<16xf32>
      %add3A_331 = arith.addf %add3A_329, %add3A_330 : vector<16xf32>
      %add3A_332 = arith.addf %get3A_328, %add3A_331 : vector<16xf32>
      %swap3A_333 = arith.constant 0 : index
      %swap3A_334 = tpu.vector_load %arg6[%swap3A_333] {strides = array<i32>} : memref<16xf32, #tpu.memory_space<vmem>>, vector<16xf32>,
      %swap3A_335 = vector.shape_cast %swap3A_334 : vector<16xf32> to vector<16xf32>
      %swap3A_336 = vector.shape_cast %add3A_332 : vector<16xf32> to vector<16xf32>
      tpu.vector_store %arg6[%swap3A_333], %swap3A_336 {strides = array<i32>} : memref<16xf32, #tpu.memory_space<vmem>>, vector<16xf32>,
    }
    %scan3A_97 = arith.constant 64 : i32
    %add3A_98 = arith.constant 448 : i32
    %add3A_99 = arith.addi %mul3A_2, %add3A_98 : i32
    %dma_start3A_100 = arith.constant 0 : i32
    %dma_start3A_101 = tpu.memref_slice %arg2[%add3A_99, %dma_start3A_100] : memref<16384x512xf32, #tpu.memory_space<hbm>> -> memref<64x512xf32, #tpu.memory_space<hbm>>
    %dma_start3A_102 = arith.constant 0 : i32
    %dma_start3A_103 = tpu.memref_slice %arg2[%add3A_99, %dma_start3A_102] : memref<16384x512xf32, #tpu.memory_space<hbm>> -> memref<64x512xf32, #tpu.memory_space<hbm>>
    tpu.enqueue_dma source(%dma_start3A_103 : memref<64x512xf32, #tpu.memory_space<hbm>>) target(%arg5 : memref<64x512xf32, #tpu.memory_space<vmem>>) target_semaphore(%arg8 : memref<!tpu.dma_semaphore, #tpu.memory_space<semaphore_mem>>)
    %dma_wait3A_104 = arith.constant 0 : i32
    %dma_wait3A_105 = tpu.memref_slice %arg2[%add3A_84, %dma_wait3A_104] : memref<16384x512xf32, #tpu.memory_space<hbm>> -> memref<64x512xf32, #tpu.memory_space<hbm>>
    %dma_wait3A_106 = arith.constant 0 : i32
    %dma_wait3A_107 = tpu.memref_slice %arg2[%add3A_84, %dma_wait3A_106] : memref<16384x512xf32, #tpu.memory_space<hbm>> -> memref<64x512xf32, #tpu.memory_space<hbm>>
    tpu.wait_dma2 semaphore(%arg7 : memref<!tpu.dma_semaphore, #tpu.memory_space<semaphore_mem>>) src(%dma_wait3A_107 : memref<64x512xf32, #tpu.memory_space<hbm>>) dst(%arg4 : memref<64x512xf32, #tpu.memory_space<vmem>>)
    %scan3A_108 = arith.constant 0 : i32
    %scan3A_109 = arith.constant 64 : i32
    %scan3A_110 = arith.addi %scan3A_108, %scan3A_109 : i32
    %scan3A_111 = arith.constant 1 : i32
    scf.for %scan3A_122 = %scan3A_108 to %scan3A_110 step %scan3A_111  : i32 {
      %mul3A_123 = arith.constant 1 : i32
      %mul3A_124 = arith.muli %scan3A_122, %mul3A_123 : i32
      %add3A_125 = arith.constant 0 : i32
      %add3A_126 = arith.addi %add3A_125, %mul3A_124 : i32
      %broadcast_in_dim3A_127 = arith.constant 0.000000e+00 : f32
      %broadcast_in_dim3A_128 = vector.broadcast %broadcast_in_dim3A_127 : f32 to vector<16xf32>
      %broadcast_in_dim3A_129 = arith.constant 0.000000e+00 : f32
      %broadcast_in_dim3A_130 = vector.broadcast %broadcast_in_dim3A_129 : f32 to vector<16xf32>
      %broadcast_in_dim3A_131 = arith.constant 0.000000e+00 : f32
      %broadcast_in_dim3A_132 = vector.broadcast %broadcast_in_dim3A_131 : f32 to vector<16xf32>
      %broadcast_in_dim3A_133 = arith.constant 0.000000e+00 : f32
      %broadcast_in_dim3A_134 = vector.broadcast %broadcast_in_dim3A_133 : f32 to vector<16xf32>
      %get3A = arith.index_cast %add3A_126 : i32 to index
      %get3A_135 = arith.constant 0 : index
      %get3A_136 = tpu.vector_load %arg4[%get3A, %get3A_135] {strides = array<i32>} : memref<64x512xf32, #tpu.memory_space<vmem>>, vector<1x16xf32>,
      %get3A_137 = vector.shape_cast %get3A_136 : vector<1x16xf32> to vector<16xf32>
      %mul3A_138 = arith.mulf %get3A_137, %get3A_137 : vector<16xf32>
      %add3A_139 = arith.addf %broadcast_in_dim3A_128, %mul3A_138 : vector<16xf32>
      %get3A_140 = arith.index_cast %add3A_126 : i32 to index
      %get3A_141 = arith.constant 16 : index
      %get3A_142 = tpu.vector_load %arg4[%get3A_140, %get3A_141] {strides = array<i32>} : memref<64x512xf32, #tpu.memory_space<vmem>>, vector<1x16xf32>,
      %get3A_143 = vector.shape_cast %get3A_142 : vector<1x16xf32> to vector<16xf32>
      %mul3A_144 = arith.mulf %get3A_143, %get3A_143 : vector<16xf32>
      %add3A_145 = arith.addf %broadcast_in_dim3A_130, %mul3A_144 : vector<16xf32>
      %get3A_146 = arith.index_cast %add3A_126 : i32 to index
      %get3A_147 = arith.constant 32 : index
      %get3A_148 = tpu.vector_load %arg4[%get3A_146, %get3A_147] {strides = array<i32>} : memref<64x512xf32, #tpu.memory_space<vmem>>, vector<1x16xf32>,
      %get3A_149 = vector.shape_cast %get3A_148 : vector<1x16xf32> to vector<16xf32>
      %mul3A_150 = arith.mulf %get3A_149, %get3A_149 : vector<16xf32>
      %add3A_151 = arith.addf %broadcast_in_dim3A_132, %mul3A_150 : vector<16xf32>
      %get3A_152 = arith.index_cast %add3A_126 : i32 to index
      %get3A_153 = arith.constant 48 : index
      %get3A_154 = tpu.vector_load %arg4[%get3A_152, %get3A_153] {strides = array<i32>} : memref<64x512xf32, #tpu.memory_space<vmem>>, vector<1x16xf32>,
      %get3A_155 = vector.shape_cast %get3A_154 : vector<1x16xf32> to vector<16xf32>
      %mul3A_156 = arith.mulf %get3A_155, %get3A_155 : vector<16xf32>
      %add3A_157 = arith.addf %broadcast_in_dim3A_134, %mul3A_156 : vector<16xf32>
      %get3A_158 = arith.index_cast %add3A_126 : i32 to index
      %get3A_159 = arith.constant 64 : index
      %get3A_160 = tpu.vector_load %arg4[%get3A_158, %get3A_159] {strides = array<i32>} : memref<64x512xf32, #tpu.memory_space<vmem>>, vector<1x16xf32>,
      %get3A_161 = vector.shape_cast %get3A_160 : vector<1x16xf32> to vector<16xf32>
      %mul3A_162 = arith.mulf %get3A_161, %get3A_161 : vector<16xf32>
      %add3A_163 = arith.addf %add3A_139, %mul3A_162 : vector<16xf32>
      %get3A_164 = arith.index_cast %add3A_126 : i32 to index
      %get3A_165 = arith.constant 80 : index
      %get3A_166 = tpu.vector_load %arg4[%get3A_164, %get3A_165] {strides = array<i32>} : memref<64x512xf32, #tpu.memory_space<vmem>>, vector<1x16xf32>,
      %get3A_167 = vector.shape_cast %get3A_166 : vector<1x16xf32> to vector<16xf32>
      %mul3A_168 = arith.mulf %get3A_167, %get3A_167 : vector<16xf32>
      %add3A_169 = arith.addf %add3A_145, %mul3A_168 : vector<16xf32>
      %get3A_170 = arith.index_cast %add3A_126 : i32 to index
      %get3A_171 = arith.constant 96 : index
      %get3A_172 = tpu.vector_load %arg4[%get3A_170, %get3A_171] {strides = array<i32>} : memref<64x512xf32, #tpu.memory_space<vmem>>, vector<1x16xf32>,
      %get3A_173 = vector.shape_cast %get3A_172 : vector<1x16xf32> to vector<16xf32>
      %mul3A_174 = arith.mulf %get3A_173, %get3A_173 : vector<16xf32>
      %add3A_175 = arith.addf %add3A_151, %mul3A_174 : vector<16xf32>
      %get3A_176 = arith.index_cast %add3A_126 : i32 to index
      %get3A_177 = arith.constant 112 : index
      %get3A_178 = tpu.vector_load %arg4[%get3A_176, %get3A_177] {strides = array<i32>} : memref<64x512xf32, #tpu.memory_space<vmem>>, vector<1x16xf32>,
      %get3A_179 = vector.shape_cast %get3A_178 : vector<1x16xf32> to vector<16xf32>
      %mul3A_180 = arith.mulf %get3A_179, %get3A_179 : vector<16xf32>
      %add3A_181 = arith.addf %add3A_157, %mul3A_180 : vector<16xf32>
      %get3A_182 = arith.index_cast %add3A_126 : i32 to index
      %get3A_183 = arith.constant 128 : index
      %get3A_184 = tpu.vector_load %arg4[%get3A_182, %get3A_183] {strides = array<i32>} : memref<64x512xf32, #tpu.memory_space<vmem>>, vector<1x16xf32>,
      %get3A_185 = vector.shape_cast %get3A_184 : vector<1x16xf32> to vector<16xf32>
      %mul3A_186 = arith.mulf %get3A_185, %get3A_185 : vector<16xf32>
      %add3A_187 = arith.addf %add3A_163, %mul3A_186 : vector<16xf32>
      %get3A_188 = arith.index_cast %add3A_126 : i32 to index
      %get3A_189 = arith.constant 144 : index
      %get3A_190 = tpu.vector_load %arg4[%get3A_188, %get3A_189] {strides = array<i32>} : memref<64x512xf32, #tpu.memory_space<vmem>>, vector<1x16xf32>,
      %get3A_191 = vector.shape_cast %get3A_190 : vector<1x16xf32> to vector<16xf32>
      %mul3A_192 = arith.mulf %get3A_191, %get3A_191 : vector<16xf32>
      %add3A_193 = arith.addf %add3A_169, %mul3A_192 : vector<16xf32>
      %get3A_194 = arith.index_cast %add3A_126 : i32 to index
      %get3A_195 = arith.constant 160 : index
      %get3A_196 = tpu.vector_load %arg4[%get3A_194, %get3A_195] {strides = array<i32>} : memref<64x512xf32, #tpu.memory_space<vmem>>, vector<1x16xf32>,
      %get3A_197 = vector.shape_cast %get3A_196 : vector<1x16xf32> to vector<16xf32>
      %mul3A_198 = arith.mulf %get3A_197, %get3A_197 : vector<16xf32>
      %add3A_199 = arith.addf %add3A_175, %mul3A_198 : vector<16xf32>
      %get3A_200 = arith.index_cast %add3A_126 : i32 to index
      %get3A_201 = arith.constant 176 : index
      %get3A_202 = tpu.vector_load %arg4[%get3A_200, %get3A_201] {strides = array<i32>} : memref<64x512xf32, #tpu.memory_space<vmem>>, vector<1x16xf32>,
      %get3A_203 = vector.shape_cast %get3A_202 : vector<1x16xf32> to vector<16xf32>
      %mul3A_204 = arith.mulf %get3A_203, %get3A_203 : vector<16xf32>
      %add3A_205 = arith.addf %add3A_181, %mul3A_204 : vector<16xf32>
      %get3A_206 = arith.index_cast %add3A_126 : i32 to index
      %get3A_207 = arith.constant 192 : index
      %get3A_208 = tpu.vector_load %arg4[%get3A_206, %get3A_207] {strides = array<i32>} : memref<64x512xf32, #tpu.memory_space<vmem>>, vector<1x16xf32>,
      %get3A_209 = vector.shape_cast %get3A_208 : vector<1x16xf32> to vector<16xf32>
      %mul3A_210 = arith.mulf %get3A_209, %get3A_209 : vector<16xf32>
      %add3A_211 = arith.addf %add3A_187, %mul3A_210 : vector<16xf32>
      %get3A_212 = arith.index_cast %add3A_126 : i32 to index
      %get3A_213 = arith.constant 208 : index
      %get3A_214 = tpu.vector_load %arg4[%get3A_212, %get3A_213] {strides = array<i32>} : memref<64x512xf32, #tpu.memory_space<vmem>>, vector<1x16xf32>,
      %get3A_215 = vector.shape_cast %get3A_214 : vector<1x16xf32> to vector<16xf32>
      %mul3A_216 = arith.mulf %get3A_215, %get3A_215 : vector<16xf32>
      %add3A_217 = arith.addf %add3A_193, %mul3A_216 : vector<16xf32>
      %get3A_218 = arith.index_cast %add3A_126 : i32 to index
      %get3A_219 = arith.constant 224 : index
      %get3A_220 = tpu.vector_load %arg4[%get3A_218, %get3A_219] {strides = array<i32>} : memref<64x512xf32, #tpu.memory_space<vmem>>, vector<1x16xf32>,
      %get3A_221 = vector.shape_cast %get3A_220 : vector<1x16xf32> to vector<16xf32>
      %mul3A_222 = arith.mulf %get3A_221, %get3A_221 : vector<16xf32>
      %add3A_223 = arith.addf %add3A_199, %mul3A_222 : vector<16xf32>
      %get3A_224 = arith.index_cast %add3A_126 : i32 to index
      %get3A_225 = arith.constant 240 : index
      %get3A_226 = tpu.vector_load %arg4[%get3A_224, %get3A_225] {strides = array<i32>} : memref<64x512xf32, #tpu.memory_space<vmem>>, vector<1x16xf32>,
      %get3A_227 = vector.shape_cast %get3A_226 : vector<1x16xf32> to vector<16xf32>
      %mul3A_228 = arith.mulf %get3A_227, %get3A_227 : vector<16xf32>
      %add3A_229 = arith.addf %add3A_205, %mul3A_228 : vector<16xf32>
      %get3A_230 = arith.index_cast %add3A_126 : i32 to index
      %get3A_231 = arith.constant 256 : index
      %get3A_232 = tpu.vector_load %arg4[%get3A_230, %get3A_231] {strides = array<i32>} : memref<64x512xf32, #tpu.memory_space<vmem>>, vector<1x16xf32>,
      %get3A_233 = vector.shape_cast %get3A_232 : vector<1x16xf32> to vector<16xf32>
      %mul3A_234 = arith.mulf %get3A_233, %get3A_233 : vector<16xf32>
      %add3A_235 = arith.addf %add3A_211, %mul3A_234 : vector<16xf32>
      %get3A_236 = arith.index_cast %add3A_126 : i32 to index
      %get3A_237 = arith.constant 272 : index
      %get3A_238 = tpu.vector_load %arg4[%get3A_236, %get3A_237] {strides = array<i32>} : memref<64x512xf32, #tpu.memory_space<vmem>>, vector<1x16xf32>,
      %get3A_239 = vector.shape_cast %get3A_238 : vector<1x16xf32> to vector<16xf32>
      %mul3A_240 = arith.mulf %get3A_239, %get3A_239 : vector<16xf32>
      %add3A_241 = arith.addf %add3A_217, %mul3A_240 : vector<16xf32>
      %get3A_242 = arith.index_cast %add3A_126 : i32 to index
      %get3A_243 = arith.constant 288 : index
      %get3A_244 = tpu.vector_load %arg4[%get3A_242, %get3A_243] {strides = array<i32>} : memref<64x512xf32, #tpu.memory_space<vmem>>, vector<1x16xf32>,
      %get3A_245 = vector.shape_cast %get3A_244 : vector<1x16xf32> to vector<16xf32>
      %mul3A_246 = arith.mulf %get3A_245, %get3A_245 : vector<16xf32>
      %add3A_247 = arith.addf %add3A_223, %mul3A_246 : vector<16xf32>
      %get3A_248 = arith.index_cast %add3A_126 : i32 to index
      %get3A_249 = arith.constant 304 : index
      %get3A_250 = tpu.vector_load %arg4[%get3A_248, %get3A_249] {strides = array<i32>} : memref<64x512xf32, #tpu.memory_space<vmem>>, vector<1x16xf32>,
      %get3A_251 = vector.shape_cast %get3A_250 : vector<1x16xf32> to vector<16xf32>
      %mul3A_252 = arith.mulf %get3A_251, %get3A_251 : vector<16xf32>
      %add3A_253 = arith.addf %add3A_229, %mul3A_252 : vector<16xf32>
      %get3A_254 = arith.index_cast %add3A_126 : i32 to index
      %get3A_255 = arith.constant 320 : index
      %get3A_256 = tpu.vector_load %arg4[%get3A_254, %get3A_255] {strides = array<i32>} : memref<64x512xf32, #tpu.memory_space<vmem>>, vector<1x16xf32>,
      %get3A_257 = vector.shape_cast %get3A_256 : vector<1x16xf32> to vector<16xf32>
      %mul3A_258 = arith.mulf %get3A_257, %get3A_257 : vector<16xf32>
      %add3A_259 = arith.addf %add3A_235, %mul3A_258 : vector<16xf32>
      %get3A_260 = arith.index_cast %add3A_126 : i32 to index
      %get3A_261 = arith.constant 336 : index
      %get3A_262 = tpu.vector_load %arg4[%get3A_260, %get3A_261] {strides = array<i32>} : memref<64x512xf32, #tpu.memory_space<vmem>>, vector<1x16xf32>,
      %get3A_263 = vector.shape_cast %get3A_262 : vector<1x16xf32> to vector<16xf32>
      %mul3A_264 = arith.mulf %get3A_263, %get3A_263 : vector<16xf32>
      %add3A_265 = arith.addf %add3A_241, %mul3A_264 : vector<16xf32>
      %get3A_266 = arith.index_cast %add3A_126 : i32 to index
      %get3A_267 = arith.constant 352 : index
      %get3A_268 = tpu.vector_load %arg4[%get3A_266, %get3A_267] {strides = array<i32>} : memref<64x512xf32, #tpu.memory_space<vmem>>, vector<1x16xf32>,
      %get3A_269 = vector.shape_cast %get3A_268 : vector<1x16xf32> to vector<16xf32>
      %mul3A_270 = arith.mulf %get3A_269, %get3A_269 : vector<16xf32>
      %add3A_271 = arith.addf %add3A_247, %mul3A_270 : vector<16xf32>
      %get3A_272 = arith.index_cast %add3A_126 : i32 to index
      %get3A_273 = arith.constant 368 : index
      %get3A_274 = tpu.vector_load %arg4[%get3A_272, %get3A_273] {strides = array<i32>} : memref<64x512xf32, #tpu.memory_space<vmem>>, vector<1x16xf32>,
      %get3A_275 = vector.shape_cast %get3A_274 : vector<1x16xf32> to vector<16xf32>
      %mul3A_276 = arith.mulf %get3A_275, %get3A_275 : vector<16xf32>
      %add3A_277 = arith.addf %add3A_253, %mul3A_276 : vector<16xf32>
      %get3A_278 = arith.index_cast %add3A_126 : i32 to index
      %get3A_279 = arith.constant 384 : index
      %get3A_280 = tpu.vector_load %arg4[%get3A_278, %get3A_279] {strides = array<i32>} : memref<64x512xf32, #tpu.memory_space<vmem>>, vector<1x16xf32>,
      %get3A_281 = vector.shape_cast %get3A_280 : vector<1x16xf32> to vector<16xf32>
      %mul3A_282 = arith.mulf %get3A_281, %get3A_281 : vector<16xf32>
      %add3A_283 = arith.addf %add3A_259, %mul3A_282 : vector<16xf32>
      %get3A_284 = arith.index_cast %add3A_126 : i32 to index
      %get3A_285 = arith.constant 400 : index
      %get3A_286 = tpu.vector_load %arg4[%get3A_284, %get3A_285] {strides = array<i32>} : memref<64x512xf32, #tpu.memory_space<vmem>>, vector<1x16xf32>,
      %get3A_287 = vector.shape_cast %get3A_286 : vector<1x16xf32> to vector<16xf32>
      %mul3A_288 = arith.mulf %get3A_287, %get3A_287 : vector<16xf32>
      %add3A_289 = arith.addf %add3A_265, %mul3A_288 : vector<16xf32>
      %get3A_290 = arith.index_cast %add3A_126 : i32 to index
      %get3A_291 = arith.constant 416 : index
      %get3A_292 = tpu.vector_load %arg4[%get3A_290, %get3A_291] {strides = array<i32>} : memref<64x512xf32, #tpu.memory_space<vmem>>, vector<1x16xf32>,
      %get3A_293 = vector.shape_cast %get3A_292 : vector<1x16xf32> to vector<16xf32>
      %mul3A_294 = arith.mulf %get3A_293, %get3A_293 : vector<16xf32>
      %add3A_295 = arith.addf %add3A_271, %mul3A_294 : vector<16xf32>
      %get3A_296 = arith.index_cast %add3A_126 : i32 to index
      %get3A_297 = arith.constant 432 : index
      %get3A_298 = tpu.vector_load %arg4[%get3A_296, %get3A_297] {strides = array<i32>} : memref<64x512xf32, #tpu.memory_space<vmem>>, vector<1x16xf32>,
      %get3A_299 = vector.shape_cast %get3A_298 : vector<1x16xf32> to vector<16xf32>
      %mul3A_300 = arith.mulf %get3A_299, %get3A_299 : vector<16xf32>
      %add3A_301 = arith.addf %add3A_277, %mul3A_300 : vector<16xf32>
      %get3A_302 = arith.index_cast %add3A_126 : i32 to index
      %get3A_303 = arith.constant 448 : index
      %get3A_304 = tpu.vector_load %arg4[%get3A_302, %get3A_303] {strides = array<i32>} : memref<64x512xf32, #tpu.memory_space<vmem>>, vector<1x16xf32>,
      %get3A_305 = vector.shape_cast %get3A_304 : vector<1x16xf32> to vector<16xf32>
      %mul3A_306 = arith.mulf %get3A_305, %get3A_305 : vector<16xf32>
      %add3A_307 = arith.addf %add3A_283, %mul3A_306 : vector<16xf32>
      %get3A_308 = arith.index_cast %add3A_126 : i32 to index
      %get3A_309 = arith.constant 464 : index
      %get3A_310 = tpu.vector_load %arg4[%get3A_308, %get3A_309] {strides = array<i32>} : memref<64x512xf32, #tpu.memory_space<vmem>>, vector<1x16xf32>,
      %get3A_311 = vector.shape_cast %get3A_310 : vector<1x16xf32> to vector<16xf32>
      %mul3A_312 = arith.mulf %get3A_311, %get3A_311 : vector<16xf32>
      %add3A_313 = arith.addf %add3A_289, %mul3A_312 : vector<16xf32>
      %get3A_314 = arith.index_cast %add3A_126 : i32 to index
      %get3A_315 = arith.constant 480 : index
      %get3A_316 = tpu.vector_load %arg4[%get3A_314, %get3A_315] {strides = array<i32>} : memref<64x512xf32, #tpu.memory_space<vmem>>, vector<1x16xf32>,
      %get3A_317 = vector.shape_cast %get3A_316 : vector<1x16xf32> to vector<16xf32>
      %mul3A_318 = arith.mulf %get3A_317, %get3A_317 : vector<16xf32>
      %add3A_319 = arith.addf %add3A_295, %mul3A_318 : vector<16xf32>
      %get3A_320 = arith.index_cast %add3A_126 : i32 to index
      %get3A_321 = arith.constant 496 : index
      %get3A_322 = tpu.vector_load %arg4[%get3A_320, %get3A_321] {strides = array<i32>} : memref<64x512xf32, #tpu.memory_space<vmem>>, vector<1x16xf32>,
      %get3A_323 = vector.shape_cast %get3A_322 : vector<1x16xf32> to vector<16xf32>
      %mul3A_324 = arith.mulf %get3A_323, %get3A_323 : vector<16xf32>
      %add3A_325 = arith.addf %add3A_301, %mul3A_324 : vector<16xf32>
      %get3A_326 = arith.constant 0 : index
      %get3A_327 = tpu.vector_load %arg6[%get3A_326] {strides = array<i32>} : memref<16xf32, #tpu.memory_space<vmem>>, vector<16xf32>,
      %get3A_328 = vector.shape_cast %get3A_327 : vector<16xf32> to vector<16xf32>
      %add3A_329 = arith.addf %add3A_307, %add3A_313 : vector<16xf32>
      %add3A_330 = arith.addf %add3A_319, %add3A_325 : vector<16xf32>
      %add3A_331 = arith.addf %add3A_329, %add3A_330 : vector<16xf32>
      %add3A_332 = arith.addf %get3A_328, %add3A_331 : vector<16xf32>
      %swap3A_333 = arith.constant 0 : index
      %swap3A_334 = tpu.vector_load %arg6[%swap3A_333] {strides = array<i32>} : memref<16xf32, #tpu.memory_space<vmem>>, vector<16xf32>,
      %swap3A_335 = vector.shape_cast %swap3A_334 : vector<16xf32> to vector<16xf32>
      %swap3A_336 = vector.shape_cast %add3A_332 : vector<16xf32> to vector<16xf32>
      tpu.vector_store %arg6[%swap3A_333], %swap3A_336 {strides = array<i32>} : memref<16xf32, #tpu.memory_space<vmem>>, vector<16xf32>,
    }
    %scan3A_112 = arith.constant 64 : i32
    %dma_wait3A_113 = arith.constant 0 : i32
    %dma_wait3A_114 = tpu.memref_slice %arg2[%add3A_99, %dma_wait3A_113] : memref<16384x512xf32, #tpu.memory_space<hbm>> -> memref<64x512xf32, #tpu.memory_space<hbm>>
    %dma_wait3A_115 = arith.constant 0 : i32
    %dma_wait3A_116 = tpu.memref_slice %arg2[%add3A_99, %dma_wait3A_115] : memref<16384x512xf32, #tpu.memory_space<hbm>> -> memref<64x512xf32, #tpu.memory_space<hbm>>
    tpu.wait_dma2 semaphore(%arg8 : memref<!tpu.dma_semaphore, #tpu.memory_space<semaphore_mem>>) src(%dma_wait3A_116 : memref<64x512xf32, #tpu.memory_space<hbm>>) dst(%arg5 : memref<64x512xf32, #tpu.memory_space<vmem>>)
    %scan3A_117 = arith.constant 0 : i32
    %scan3A_118 = arith.constant 64 : i32
    %scan3A_119 = arith.addi %scan3A_117, %scan3A_118 : i32
    %scan3A_120 = arith.constant 1 : i32
    scf.for %scan3A_122 = %scan3A_117 to %scan3A_119 step %scan3A_120  : i32 {
      %mul3A_123 = arith.constant 1 : i32
      %mul3A_124 = arith.muli %scan3A_122, %mul3A_123 : i32
      %add3A_125 = arith.constant 0 : i32
      %add3A_126 = arith.addi %add3A_125, %mul3A_124 : i32
      %broadcast_in_dim3A_127 = arith.constant 0.000000e+00 : f32
      %broadcast_in_dim3A_128 = vector.broadcast %broadcast_in_dim3A_127 : f32 to vector<16xf32>
      %broadcast_in_dim3A_129 = arith.constant 0.000000e+00 : f32
      %broadcast_in_dim3A_130 = vector.broadcast %broadcast_in_dim3A_129 : f32 to vector<16xf32>
      %broadcast_in_dim3A_131 = arith.constant 0.000000e+00 : f32
      %broadcast_in_dim3A_132 = vector.broadcast %broadcast_in_dim3A_131 : f32 to vector<16xf32>
      %broadcast_in_dim3A_133 = arith.constant 0.000000e+00 : f32
      %broadcast_in_dim3A_134 = vector.broadcast %broadcast_in_dim3A_133 : f32 to vector<16xf32>
      %get3A = arith.index_cast %add3A_126 : i32 to index
      %get3A_135 = arith.constant 0 : index
      %get3A_136 = tpu.vector_load %arg5[%get3A, %get3A_135] {strides = array<i32>} : memref<64x512xf32, #tpu.memory_space<vmem>>, vector<1x16xf32>,
      %get3A_137 = vector.shape_cast %get3A_136 : vector<1x16xf32> to vector<16xf32>
      %mul3A_138 = arith.mulf %get3A_137, %get3A_137 : vector<16xf32>
      %add3A_139 = arith.addf %broadcast_in_dim3A_128, %mul3A_138 : vector<16xf32>
      %get3A_140 = arith.index_cast %add3A_126 : i32 to index
      %get3A_141 = arith.constant 16 : index
      %get3A_142 = tpu.vector_load %arg5[%get3A_140, %get3A_141] {strides = array<i32>} : memref<64x512xf32, #tpu.memory_space<vmem>>, vector<1x16xf32>,
      %get3A_143 = vector.shape_cast %get3A_142 : vector<1x16xf32> to vector<16xf32>
      %mul3A_144 = arith.mulf %get3A_143, %get3A_143 : vector<16xf32>
      %add3A_145 = arith.addf %broadcast_in_dim3A_130, %mul3A_144 : vector<16xf32>
      %get3A_146 = arith.index_cast %add3A_126 : i32 to index
      %get3A_147 = arith.constant 32 : index
      %get3A_148 = tpu.vector_load %arg5[%get3A_146, %get3A_147] {strides = array<i32>} : memref<64x512xf32, #tpu.memory_space<vmem>>, vector<1x16xf32>,
      %get3A_149 = vector.shape_cast %get3A_148 : vector<1x16xf32> to vector<16xf32>
      %mul3A_150 = arith.mulf %get3A_149, %get3A_149 : vector<16xf32>
      %add3A_151 = arith.addf %broadcast_in_dim3A_132, %mul3A_150 : vector<16xf32>
      %get3A_152 = arith.index_cast %add3A_126 : i32 to index
      %get3A_153 = arith.constant 48 : index
      %get3A_154 = tpu.vector_load %arg5[%get3A_152, %get3A_153] {strides = array<i32>} : memref<64x512xf32, #tpu.memory_space<vmem>>, vector<1x16xf32>,
      %get3A_155 = vector.shape_cast %get3A_154 : vector<1x16xf32> to vector<16xf32>
      %mul3A_156 = arith.mulf %get3A_155, %get3A_155 : vector<16xf32>
      %add3A_157 = arith.addf %broadcast_in_dim3A_134, %mul3A_156 : vector<16xf32>
      %get3A_158 = arith.index_cast %add3A_126 : i32 to index
      %get3A_159 = arith.constant 64 : index
      %get3A_160 = tpu.vector_load %arg5[%get3A_158, %get3A_159] {strides = array<i32>} : memref<64x512xf32, #tpu.memory_space<vmem>>, vector<1x16xf32>,
      %get3A_161 = vector.shape_cast %get3A_160 : vector<1x16xf32> to vector<16xf32>
      %mul3A_162 = arith.mulf %get3A_161, %get3A_161 : vector<16xf32>
      %add3A_163 = arith.addf %add3A_139, %mul3A_162 : vector<16xf32>
      %get3A_164 = arith.index_cast %add3A_126 : i32 to index
      %get3A_165 = arith.constant 80 : index
      %get3A_166 = tpu.vector_load %arg5[%get3A_164, %get3A_165] {strides = array<i32>} : memref<64x512xf32, #tpu.memory_space<vmem>>, vector<1x16xf32>,
      %get3A_167 = vector.shape_cast %get3A_166 : vector<1x16xf32> to vector<16xf32>
      %mul3A_168 = arith.mulf %get3A_167, %get3A_167 : vector<16xf32>
      %add3A_169 = arith.addf %add3A_145, %mul3A_168 : vector<16xf32>
      %get3A_170 = arith.index_cast %add3A_126 : i32 to index
      %get3A_171 = arith.constant 96 : index
      %get3A_172 = tpu.vector_load %arg5[%get3A_170, %get3A_171] {strides = array<i32>} : memref<64x512xf32, #tpu.memory_space<vmem>>, vector<1x16xf32>,
      %get3A_173 = vector.shape_cast %get3A_172 : vector<1x16xf32> to vector<16xf32>
      %mul3A_174 = arith.mulf %get3A_173, %get3A_173 : vector<16xf32>
      %add3A_175 = arith.addf %add3A_151, %mul3A_174 : vector<16xf32>
      %get3A_176 = arith.index_cast %add3A_126 : i32 to index
      %get3A_177 = arith.constant 112 : index
      %get3A_178 = tpu.vector_load %arg5[%get3A_176, %get3A_177] {strides = array<i32>} : memref<64x512xf32, #tpu.memory_space<vmem>>, vector<1x16xf32>,
      %get3A_179 = vector.shape_cast %get3A_178 : vector<1x16xf32> to vector<16xf32>
      %mul3A_180 = arith.mulf %get3A_179, %get3A_179 : vector<16xf32>
      %add3A_181 = arith.addf %add3A_157, %mul3A_180 : vector<16xf32>
      %get3A_182 = arith.index_cast %add3A_126 : i32 to index
      %get3A_183 = arith.constant 128 : index
      %get3A_184 = tpu.vector_load %arg5[%get3A_182, %get3A_183] {strides = array<i32>} : memref<64x512xf32, #tpu.memory_space<vmem>>, vector<1x16xf32>,
      %get3A_185 = vector.shape_cast %get3A_184 : vector<1x16xf32> to vector<16xf32>
      %mul3A_186 = arith.mulf %get3A_185, %get3A_185 : vector<16xf32>
      %add3A_187 = arith.addf %add3A_163, %mul3A_186 : vector<16xf32>
      %get3A_188 = arith.index_cast %add3A_126 : i32 to index
      %get3A_189 = arith.constant 144 : index
      %get3A_190 = tpu.vector_load %arg5[%get3A_188, %get3A_189] {strides = array<i32>} : memref<64x512xf32, #tpu.memory_space<vmem>>, vector<1x16xf32>,
      %get3A_191 = vector.shape_cast %get3A_190 : vector<1x16xf32> to vector<16xf32>
      %mul3A_192 = arith.mulf %get3A_191, %get3A_191 : vector<16xf32>
      %add3A_193 = arith.addf %add3A_169, %mul3A_192 : vector<16xf32>
      %get3A_194 = arith.index_cast %add3A_126 : i32 to index
      %get3A_195 = arith.constant 160 : index
      %get3A_196 = tpu.vector_load %arg5[%get3A_194, %get3A_195] {strides = array<i32>} : memref<64x512xf32, #tpu.memory_space<vmem>>, vector<1x16xf32>,
      %get3A_197 = vector.shape_cast %get3A_196 : vector<1x16xf32> to vector<16xf32>
      %mul3A_198 = arith.mulf %get3A_197, %get3A_197 : vector<16xf32>
      %add3A_199 = arith.addf %add3A_175, %mul3A_198 : vector<16xf32>
      %get3A_200 = arith.index_cast %add3A_126 : i32 to index
      %get3A_201 = arith.constant 176 : index
      %get3A_202 = tpu.vector_load %arg5[%get3A_200, %get3A_201] {strides = array<i32>} : memref<64x512xf32, #tpu.memory_space<vmem>>, vector<1x16xf32>,
      %get3A_203 = vector.shape_cast %get3A_202 : vector<1x16xf32> to vector<16xf32>
      %mul3A_204 = arith.mulf %get3A_203, %get3A_203 : vector<16xf32>
      %add3A_205 = arith.addf %add3A_181, %mul3A_204 : vector<16xf32>
      %get3A_206 = arith.index_cast %add3A_126 : i32 to index
      %get3A_207 = arith.constant 192 : index
      %get3A_208 = tpu.vector_load %arg5[%get3A_206, %get3A_207] {strides = array<i32>} : memref<64x512xf32, #tpu.memory_space<vmem>>, vector<1x16xf32>,
      %get3A_209 = vector.shape_cast %get3A_208 : vector<1x16xf32> to vector<16xf32>
      %mul3A_210 = arith.mulf %get3A_209, %get3A_209 : vector<16xf32>
      %add3A_211 = arith.addf %add3A_187, %mul3A_210 : vector<16xf32>
      %get3A_212 = arith.index_cast %add3A_126 : i32 to index
      %get3A_213 = arith.constant 208 : index
      %get3A_214 = tpu.vector_load %arg5[%get3A_212, %get3A_213] {strides = array<i32>} : memref<64x512xf32, #tpu.memory_space<vmem>>, vector<1x16xf32>,
      %get3A_215 = vector.shape_cast %get3A_214 : vector<1x16xf32> to vector<16xf32>
      %mul3A_216 = arith.mulf %get3A_215, %get3A_215 : vector<16xf32>
      %add3A_217 = arith.addf %add3A_193, %mul3A_216 : vector<16xf32>
      %get3A_218 = arith.index_cast %add3A_126 : i32 to index
      %get3A_219 = arith.constant 224 : index
      %get3A_220 = tpu.vector_load %arg5[%get3A_218, %get3A_219] {strides = array<i32>} : memref<64x512xf32, #tpu.memory_space<vmem>>, vector<1x16xf32>,
      %get3A_221 = vector.shape_cast %get3A_220 : vector<1x16xf32> to vector<16xf32>
      %mul3A_222 = arith.mulf %get3A_221, %get3A_221 : vector<16xf32>
      %add3A_223 = arith.addf %add3A_199, %mul3A_222 : vector<16xf32>
      %get3A_224 = arith.index_cast %add3A_126 : i32 to index
      %get3A_225 = arith.constant 240 : index
      %get3A_226 = tpu.vector_load %arg5[%get3A_224, %get3A_225] {strides = array<i32>} : memref<64x512xf32, #tpu.memory_space<vmem>>, vector<1x16xf32>,
      %get3A_227 = vector.shape_cast %get3A_226 : vector<1x16xf32> to vector<16xf32>
      %mul3A_228 = arith.mulf %get3A_227, %get3A_227 : vector<16xf32>
      %add3A_229 = arith.addf %add3A_205, %mul3A_228 : vector<16xf32>
      %get3A_230 = arith.index_cast %add3A_126 : i32 to index
      %get3A_231 = arith.constant 256 : index
      %get3A_232 = tpu.vector_load %arg5[%get3A_230, %get3A_231] {strides = array<i32>} : memref<64x512xf32, #tpu.memory_space<vmem>>, vector<1x16xf32>,
      %get3A_233 = vector.shape_cast %get3A_232 : vector<1x16xf32> to vector<16xf32>
      %mul3A_234 = arith.mulf %get3A_233, %get3A_233 : vector<16xf32>
      %add3A_235 = arith.addf %add3A_211, %mul3A_234 : vector<16xf32>
      %get3A_236 = arith.index_cast %add3A_126 : i32 to index
      %get3A_237 = arith.constant 272 : index
      %get3A_238 = tpu.vector_load %arg5[%get3A_236, %get3A_237] {strides = array<i32>} : memref<64x512xf32, #tpu.memory_space<vmem>>, vector<1x16xf32>,
      %get3A_239 = vector.shape_cast %get3A_238 : vector<1x16xf32> to vector<16xf32>
      %mul3A_240 = arith.mulf %get3A_239, %get3A_239 : vector<16xf32>
      %add3A_241 = arith.addf %add3A_217, %mul3A_240 : vector<16xf32>
      %get3A_242 = arith.index_cast %add3A_126 : i32 to index
      %get3A_243 = arith.constant 288 : index
      %get3A_244 = tpu.vector_load %arg5[%get3A_242, %get3A_243] {strides = array<i32>} : memref<64x512xf32, #tpu.memory_space<vmem>>, vector<1x16xf32>,
      %get3A_245 = vector.shape_cast %get3A_244 : vector<1x16xf32> to vector<16xf32>
      %mul3A_246 = arith.mulf %get3A_245, %get3A_245 : vector<16xf32>
      %add3A_247 = arith.addf %add3A_223, %mul3A_246 : vector<16xf32>
      %get3A_248 = arith.index_cast %add3A_126 : i32 to index
      %get3A_249 = arith.constant 304 : index
      %get3A_250 = tpu.vector_load %arg5[%get3A_248, %get3A_249] {strides = array<i32>} : memref<64x512xf32, #tpu.memory_space<vmem>>, vector<1x16xf32>,
      %get3A_251 = vector.shape_cast %get3A_250 : vector<1x16xf32> to vector<16xf32>
      %mul3A_252 = arith.mulf %get3A_251, %get3A_251 : vector<16xf32>
      %add3A_253 = arith.addf %add3A_229, %mul3A_252 : vector<16xf32>
      %get3A_254 = arith.index_cast %add3A_126 : i32 to index
      %get3A_255 = arith.constant 320 : index
      %get3A_256 = tpu.vector_load %arg5[%get3A_254, %get3A_255] {strides = array<i32>} : memref<64x512xf32, #tpu.memory_space<vmem>>, vector<1x16xf32>,
      %get3A_257 = vector.shape_cast %get3A_256 : vector<1x16xf32> to vector<16xf32>
      %mul3A_258 = arith.mulf %get3A_257, %get3A_257 : vector<16xf32>
      %add3A_259 = arith.addf %add3A_235, %mul3A_258 : vector<16xf32>
      %get3A_260 = arith.index_cast %add3A_126 : i32 to index
      %get3A_261 = arith.constant 336 : index
      %get3A_262 = tpu.vector_load %arg5[%get3A_260, %get3A_261] {strides = array<i32>} : memref<64x512xf32, #tpu.memory_space<vmem>>, vector<1x16xf32>,
      %get3A_263 = vector.shape_cast %get3A_262 : vector<1x16xf32> to vector<16xf32>
      %mul3A_264 = arith.mulf %get3A_263, %get3A_263 : vector<16xf32>
      %add3A_265 = arith.addf %add3A_241, %mul3A_264 : vector<16xf32>
      %get3A_266 = arith.index_cast %add3A_126 : i32 to index
      %get3A_267 = arith.constant 352 : index
      %get3A_268 = tpu.vector_load %arg5[%get3A_266, %get3A_267] {strides = array<i32>} : memref<64x512xf32, #tpu.memory_space<vmem>>, vector<1x16xf32>,
      %get3A_269 = vector.shape_cast %get3A_268 : vector<1x16xf32> to vector<16xf32>
      %mul3A_270 = arith.mulf %get3A_269, %get3A_269 : vector<16xf32>
      %add3A_271 = arith.addf %add3A_247, %mul3A_270 : vector<16xf32>
      %get3A_272 = arith.index_cast %add3A_126 : i32 to index
      %get3A_273 = arith.constant 368 : index
      %get3A_274 = tpu.vector_load %arg5[%get3A_272, %get3A_273] {strides = array<i32>} : memref<64x512xf32, #tpu.memory_space<vmem>>, vector<1x16xf32>,
      %get3A_275 = vector.shape_cast %get3A_274 : vector<1x16xf32> to vector<16xf32>
      %mul3A_276 = arith.mulf %get3A_275, %get3A_275 : vector<16xf32>
      %add3A_277 = arith.addf %add3A_253, %mul3A_276 : vector<16xf32>
      %get3A_278 = arith.index_cast %add3A_126 : i32 to index
      %get3A_279 = arith.constant 384 : index
      %get3A_280 = tpu.vector_load %arg5[%get3A_278, %get3A_279] {strides = array<i32>} : memref<64x512xf32, #tpu.memory_space<vmem>>, vector<1x16xf32>,
      %get3A_281 = vector.shape_cast %get3A_280 : vector<1x16xf32> to vector<16xf32>
      %mul3A_282 = arith.mulf %get3A_281, %get3A_281 : vector<16xf32>
      %add3A_283 = arith.addf %add3A_259, %mul3A_282 : vector<16xf32>
      %get3A_284 = arith.index_cast %add3A_126 : i32 to index
      %get3A_285 = arith.constant 400 : index
      %get3A_286 = tpu.vector_load %arg5[%get3A_284, %get3A_285] {strides = array<i32>} : memref<64x512xf32, #tpu.memory_space<vmem>>, vector<1x16xf32>,
      %get3A_287 = vector.shape_cast %get3A_286 : vector<1x16xf32> to vector<16xf32>
      %mul3A_288 = arith.mulf %get3A_287, %get3A_287 : vector<16xf32>
      %add3A_289 = arith.addf %add3A_265, %mul3A_288 : vector<16xf32>
      %get3A_290 = arith.index_cast %add3A_126 : i32 to index
      %get3A_291 = arith.constant 416 : index
      %get3A_292 = tpu.vector_load %arg5[%get3A_290, %get3A_291] {strides = array<i32>} : memref<64x512xf32, #tpu.memory_space<vmem>>, vector<1x16xf32>,
      %get3A_293 = vector.shape_cast %get3A_292 : vector<1x16xf32> to vector<16xf32>
      %mul3A_294 = arith.mulf %get3A_293, %get3A_293 : vector<16xf32>
      %add3A_295 = arith.addf %add3A_271, %mul3A_294 : vector<16xf32>
      %get3A_296 = arith.index_cast %add3A_126 : i32 to index
      %get3A_297 = arith.constant 432 : index
      %get3A_298 = tpu.vector_load %arg5[%get3A_296, %get3A_297] {strides = array<i32>} : memref<64x512xf32, #tpu.memory_space<vmem>>, vector<1x16xf32>,
      %get3A_299 = vector.shape_cast %get3A_298 : vector<1x16xf32> to vector<16xf32>
      %mul3A_300 = arith.mulf %get3A_299, %get3A_299 : vector<16xf32>
      %add3A_301 = arith.addf %add3A_277, %mul3A_300 : vector<16xf32>
      %get3A_302 = arith.index_cast %add3A_126 : i32 to index
      %get3A_303 = arith.constant 448 : index
      %get3A_304 = tpu.vector_load %arg5[%get3A_302, %get3A_303] {strides = array<i32>} : memref<64x512xf32, #tpu.memory_space<vmem>>, vector<1x16xf32>,
      %get3A_305 = vector.shape_cast %get3A_304 : vector<1x16xf32> to vector<16xf32>
      %mul3A_306 = arith.mulf %get3A_305, %get3A_305 : vector<16xf32>
      %add3A_307 = arith.addf %add3A_283, %mul3A_306 : vector<16xf32>
      %get3A_308 = arith.index_cast %add3A_126 : i32 to index
      %get3A_309 = arith.constant 464 : index
      %get3A_310 = tpu.vector_load %arg5[%get3A_308, %get3A_309] {strides = array<i32>} : memref<64x512xf32, #tpu.memory_space<vmem>>, vector<1x16xf32>,
      %get3A_311 = vector.shape_cast %get3A_310 : vector<1x16xf32> to vector<16xf32>
      %mul3A_312 = arith.mulf %get3A_311, %get3A_311 : vector<16xf32>
      %add3A_313 = arith.addf %add3A_289, %mul3A_312 : vector<16xf32>
      %get3A_314 = arith.index_cast %add3A_126 : i32 to index
      %get3A_315 = arith.constant 480 : index
      %get3A_316 = tpu.vector_load %arg5[%get3A_314, %get3A_315] {strides = array<i32>} : memref<64x512xf32, #tpu.memory_space<vmem>>, vector<1x16xf32>,
      %get3A_317 = vector.shape_cast %get3A_316 : vector<1x16xf32> to vector<16xf32>
      %mul3A_318 = arith.mulf %get3A_317, %get3A_317 : vector<16xf32>
      %add3A_319 = arith.addf %add3A_295, %mul3A_318 : vector<16xf32>
      %get3A_320 = arith.index_cast %add3A_126 : i32 to index
      %get3A_321 = arith.constant 496 : index
      %get3A_322 = tpu.vector_load %arg5[%get3A_320, %get3A_321] {strides = array<i32>} : memref<64x512xf32, #tpu.memory_space<vmem>>, vector<1x16xf32>,
      %get3A_323 = vector.shape_cast %get3A_322 : vector<1x16xf32> to vector<16xf32>
      %mul3A_324 = arith.mulf %get3A_323, %get3A_323 : vector<16xf32>
      %add3A_325 = arith.addf %add3A_301, %mul3A_324 : vector<16xf32>
      %get3A_326 = arith.constant 0 : index
      %get3A_327 = tpu.vector_load %arg6[%get3A_326] {strides = array<i32>} : memref<16xf32, #tpu.memory_space<vmem>>, vector<16xf32>,
      %get3A_328 = vector.shape_cast %get3A_327 : vector<16xf32> to vector<16xf32>
      %add3A_329 = arith.addf %add3A_307, %add3A_313 : vector<16xf32>
      %add3A_330 = arith.addf %add3A_319, %add3A_325 : vector<16xf32>
      %add3A_331 = arith.addf %add3A_329, %add3A_330 : vector<16xf32>
      %add3A_332 = arith.addf %get3A_328, %add3A_331 : vector<16xf32>
      %swap3A_333 = arith.constant 0 : index
      %swap3A_334 = tpu.vector_load %arg6[%swap3A_333] {strides = array<i32>} : memref<16xf32, #tpu.memory_space<vmem>>, vector<16xf32>,
      %swap3A_335 = vector.shape_cast %swap3A_334 : vector<16xf32> to vector<16xf32>
      %swap3A_336 = vector.shape_cast %add3A_332 : vector<16xf32> to vector<16xf32>
      tpu.vector_store %arg6[%swap3A_333], %swap3A_336 {strides = array<i32>} : memref<16xf32, #tpu.memory_space<vmem>>, vector<16xf32>,
    }
    %scan3A_121 = arith.constant 64 : i32
    "tpu.region"() ({
      %run_scoped3A = tpu.sem_alloc : memref<!tpu.dma_semaphore, #tpu.memory_space<semaphore_mem>>
      %dma_start3A_122 = arith.constant 0 : i32
      %dma_start3A_123 = tpu.memref_slice %arg3[%add3A, %dma_start3A_122] : memref<32x16xf32, #tpu.memory_space<hbm>> -> memref<1x16xf32, #tpu.memory_space<hbm>>
      %dma_start3A_124 = tpu.memref_squeeze %dma_start3A_123 : memref<1x16xf32, #tpu.memory_space<hbm>> -> memref<16xf32, #tpu.memory_space<hbm>>
      %dma_start3A_125 = arith.constant 0 : i32
      %dma_start3A_126 = tpu.memref_slice %arg3[%add3A, %dma_start3A_125] : memref<32x16xf32, #tpu.memory_space<hbm>> -> memref<1x16xf32, #tpu.memory_space<hbm>>
      %dma_start3A_127 = tpu.memref_squeeze %dma_start3A_126 : memref<1x16xf32, #tpu.memory_space<hbm>> -> memref<16xf32, #tpu.memory_space<hbm>>
      tpu.enqueue_dma source(%arg6 : memref<16xf32, #tpu.memory_space<vmem>>) target(%dma_start3A_127 : memref<16xf32, #tpu.memory_space<hbm>>) target_semaphore(%run_scoped3A : memref<!tpu.dma_semaphore, #tpu.memory_space<semaphore_mem>>)
      %dma_wait3A_128 = arith.constant 0 : i32
      %dma_wait3A_129 = tpu.memref_slice %arg3[%add3A, %dma_wait3A_128] : memref<32x16xf32, #tpu.memory_space<hbm>> -> memref<1x16xf32, #tpu.memory_space<hbm>>
      %dma_wait3A_130 = tpu.memref_squeeze %dma_wait3A_129 : memref<1x16xf32, #tpu.memory_space<hbm>> -> memref<16xf32, #tpu.memory_space<hbm>>
      %dma_wait3A_131 = arith.constant 0 : i32
      %dma_wait3A_132 = tpu.memref_slice %arg3[%add3A, %dma_wait3A_131] : memref<32x16xf32, #tpu.memory_space<hbm>> -> memref<1x16xf32, #tpu.memory_space<hbm>>
      %dma_wait3A_133 = tpu.memref_squeeze %dma_wait3A_132 : memref<1x16xf32, #tpu.memory_space<hbm>> -> memref<16xf32, #tpu.memory_space<hbm>>
      tpu.wait_dma2 semaphore(%run_scoped3A : memref<!tpu.dma_semaphore, #tpu.memory_space<semaphore_mem>>) src(%arg6 : memref<16xf32, #tpu.memory_space<vmem>>) dst(%dma_wait3A_133 : memref<16xf32, #tpu.memory_space<hbm>>)
      tpu.yield
    }) : () -> ()
    return
  }
}

module attributes {stable_mosaic.version = 14 : i64} {
  func.func @_vq_kernel(%arg0: i32, %arg1: memref<2048x512xf32, #tpu.memory_space<vmem>>, %arg2: memref<512x512xbf16, #tpu.memory_space<vmem>>, %arg3: memref<16x256xf32, #tpu.memory_space<vmem>>, %arg4: memref<1x1xf32, #tpu.memory_space<vmem>>, %arg5: memref<16x256xf32, #tpu.memory_space<vmem>>, %arg6: memref<1xf32, #tpu.memory_space<smem>>) attributes {dimension_semantics = [#tpu.dimension_semantics<arbitrary>], iteration_bounds = array<i64: 8>, scalar_prefetch = 0 : i64, scratch_operands = 2 : i64, tpu.core_type = #tpu.core_type<tc>, window_params = [{transform_indices = @transform_0, window_bounds = array<i64: 2048, 512>}, {pipeline_mode = #tpu.pipeline_mode<synchronous>, transform_indices = @transform_1, window_bounds = array<i64: 512, 512>}, {pipeline_mode = #tpu.pipeline_mode<synchronous>, transform_indices = @transform_2, window_bounds = array<i64: 16, 256>}, {pipeline_mode = #tpu.pipeline_mode<synchronous>, transform_indices = @transform_3, window_bounds = array<i64: 1, 1>}]} {
    %eq3A = arith.constant 0 : i32
    %eq3A_0 = arith.cmpi eq, %arg0, %eq3A : i32
    %convert_element_type3A = arith.extui %eq3A_0 : i1 to i32
    %cond3A = arith.constant 0 : i32
    %cond3A_1 = arith.cmpi ne, %convert_element_type3A, %cond3A : i32
    scf.if %cond3A_1 {
      %swap3A_502 = arith.constant 0.000000e+00 : f32
      %swap3A_503 = arith.constant 0 : index
      %swap3A_504 = memref.load %arg6[%swap3A_503] : memref<1xf32, #tpu.memory_space<smem>>
      memref.store %swap3A_502, %arg6[%swap3A_503] : memref<1xf32, #tpu.memory_space<smem>>
      %get3A_505 = arith.constant 0 : index
      %get3A_506 = arith.constant 256 : index
      %get3A_507 = vector.load %arg2[%get3A_505, %get3A_506] : memref<512x512xbf16, #tpu.memory_space<vmem>>, vector<32x256xbf16>
      %convert_element_type3A_508 = arith.extf %get3A_507 : vector<32x256xbf16> to vector<32x256xf32>
      %mul3A = arith.mulf %convert_element_type3A_508, %convert_element_type3A_508 : vector<32x256xf32>
      %reduce_sum3A_509 = arith.constant dense<0.000000e+00> : vector<256xf32>
      %reduce_sum3A_510 = vector.multi_reduction <add>, %mul3A, %reduce_sum3A_509 [0] : vector<32x256xf32> to vector<256xf32>
      %broadcast_in_dim3A_511 = vector.shape_cast %reduce_sum3A_510 : vector<256xf32> to vector<1x256xf32>
      %mul3A_512 = arith.constant 2.500000e-01 : f32
      %mul3A_513 = vector.broadcast %mul3A_512 : f32 to vector<1x256xf32>
      %mul3A_514 = arith.mulf %mul3A_513, %broadcast_in_dim3A_511 : vector<1x256xf32>
      %swap3A_515 = arith.constant 0 : index
      %swap3A_516 = arith.constant 0 : index
      %swap3A_517 = vector.load %arg5[%swap3A_515, %swap3A_516] : memref<16x256xf32, #tpu.memory_space<vmem>>, vector<1x256xf32>
      tpu.vector_store %arg5[%swap3A_515, %swap3A_516], %mul3A_514 {strides = array<i32>} : memref<16x256xf32, #tpu.memory_space<vmem>>, vector<1x256xf32>,
      %get3A_518 = arith.constant 32 : index
      %get3A_519 = arith.constant 256 : index
      %get3A_520 = vector.load %arg2[%get3A_518, %get3A_519] : memref<512x512xbf16, #tpu.memory_space<vmem>>, vector<32x256xbf16>
      %convert_element_type3A_521 = arith.extf %get3A_520 : vector<32x256xbf16> to vector<32x256xf32>
      %mul3A_522 = arith.mulf %convert_element_type3A_521, %convert_element_type3A_521 : vector<32x256xf32>
      %reduce_sum3A_523 = arith.constant dense<0.000000e+00> : vector<256xf32>
      %reduce_sum3A_524 = vector.multi_reduction <add>, %mul3A_522, %reduce_sum3A_523 [0] : vector<32x256xf32> to vector<256xf32>
      %broadcast_in_dim3A_525 = vector.shape_cast %reduce_sum3A_524 : vector<256xf32> to vector<1x256xf32>
      %mul3A_526 = arith.constant 2.500000e-01 : f32
      %mul3A_527 = vector.broadcast %mul3A_526 : f32 to vector<1x256xf32>
      %mul3A_528 = arith.mulf %mul3A_527, %broadcast_in_dim3A_525 : vector<1x256xf32>
      %swap3A_529 = arith.constant 1 : index
      %swap3A_530 = arith.constant 0 : index
      %swap3A_531 = vector.load %arg5[%swap3A_529, %swap3A_530] : memref<16x256xf32, #tpu.memory_space<vmem>>, vector<1x256xf32>
      tpu.vector_store %arg5[%swap3A_529, %swap3A_530], %mul3A_528 {strides = array<i32>} : memref<16x256xf32, #tpu.memory_space<vmem>>, vector<1x256xf32>,
      %get3A_532 = arith.constant 64 : index
      %get3A_533 = arith.constant 256 : index
      %get3A_534 = vector.load %arg2[%get3A_532, %get3A_533] : memref<512x512xbf16, #tpu.memory_space<vmem>>, vector<32x256xbf16>
      %convert_element_type3A_535 = arith.extf %get3A_534 : vector<32x256xbf16> to vector<32x256xf32>
      %mul3A_536 = arith.mulf %convert_element_type3A_535, %convert_element_type3A_535 : vector<32x256xf32>
      %reduce_sum3A_537 = arith.constant dense<0.000000e+00> : vector<256xf32>
      %reduce_sum3A_538 = vector.multi_reduction <add>, %mul3A_536, %reduce_sum3A_537 [0] : vector<32x256xf32> to vector<256xf32>
      %broadcast_in_dim3A_539 = vector.shape_cast %reduce_sum3A_538 : vector<256xf32> to vector<1x256xf32>
      %mul3A_540 = arith.constant 2.500000e-01 : f32
      %mul3A_541 = vector.broadcast %mul3A_540 : f32 to vector<1x256xf32>
      %mul3A_542 = arith.mulf %mul3A_541, %broadcast_in_dim3A_539 : vector<1x256xf32>
      %swap3A_543 = arith.constant 2 : index
      %swap3A_544 = arith.constant 0 : index
      %swap3A_545 = vector.load %arg5[%swap3A_543, %swap3A_544] : memref<16x256xf32, #tpu.memory_space<vmem>>, vector<1x256xf32>
      tpu.vector_store %arg5[%swap3A_543, %swap3A_544], %mul3A_542 {strides = array<i32>} : memref<16x256xf32, #tpu.memory_space<vmem>>, vector<1x256xf32>,
      %get3A_546 = arith.constant 96 : index
      %get3A_547 = arith.constant 256 : index
      %get3A_548 = vector.load %arg2[%get3A_546, %get3A_547] : memref<512x512xbf16, #tpu.memory_space<vmem>>, vector<32x256xbf16>
      %convert_element_type3A_549 = arith.extf %get3A_548 : vector<32x256xbf16> to vector<32x256xf32>
      %mul3A_550 = arith.mulf %convert_element_type3A_549, %convert_element_type3A_549 : vector<32x256xf32>
      %reduce_sum3A_551 = arith.constant dense<0.000000e+00> : vector<256xf32>
      %reduce_sum3A_552 = vector.multi_reduction <add>, %mul3A_550, %reduce_sum3A_551 [0] : vector<32x256xf32> to vector<256xf32>
      %broadcast_in_dim3A_553 = vector.shape_cast %reduce_sum3A_552 : vector<256xf32> to vector<1x256xf32>
      %mul3A_554 = arith.constant 2.500000e-01 : f32
      %mul3A_555 = vector.broadcast %mul3A_554 : f32 to vector<1x256xf32>
      %mul3A_556 = arith.mulf %mul3A_555, %broadcast_in_dim3A_553 : vector<1x256xf32>
      %swap3A_557 = arith.constant 3 : index
      %swap3A_558 = arith.constant 0 : index
      %swap3A_559 = vector.load %arg5[%swap3A_557, %swap3A_558] : memref<16x256xf32, #tpu.memory_space<vmem>>, vector<1x256xf32>
      tpu.vector_store %arg5[%swap3A_557, %swap3A_558], %mul3A_556 {strides = array<i32>} : memref<16x256xf32, #tpu.memory_space<vmem>>, vector<1x256xf32>,
      %get3A_560 = arith.constant 128 : index
      %get3A_561 = arith.constant 256 : index
      %get3A_562 = vector.load %arg2[%get3A_560, %get3A_561] : memref<512x512xbf16, #tpu.memory_space<vmem>>, vector<32x256xbf16>
      %convert_element_type3A_563 = arith.extf %get3A_562 : vector<32x256xbf16> to vector<32x256xf32>
      %mul3A_564 = arith.mulf %convert_element_type3A_563, %convert_element_type3A_563 : vector<32x256xf32>
      %reduce_sum3A_565 = arith.constant dense<0.000000e+00> : vector<256xf32>
      %reduce_sum3A_566 = vector.multi_reduction <add>, %mul3A_564, %reduce_sum3A_565 [0] : vector<32x256xf32> to vector<256xf32>
      %broadcast_in_dim3A_567 = vector.shape_cast %reduce_sum3A_566 : vector<256xf32> to vector<1x256xf32>
      %mul3A_568 = arith.constant 2.500000e-01 : f32
      %mul3A_569 = vector.broadcast %mul3A_568 : f32 to vector<1x256xf32>
      %mul3A_570 = arith.mulf %mul3A_569, %broadcast_in_dim3A_567 : vector<1x256xf32>
      %swap3A_571 = arith.constant 4 : index
      %swap3A_572 = arith.constant 0 : index
      %swap3A_573 = vector.load %arg5[%swap3A_571, %swap3A_572] : memref<16x256xf32, #tpu.memory_space<vmem>>, vector<1x256xf32>
      tpu.vector_store %arg5[%swap3A_571, %swap3A_572], %mul3A_570 {strides = array<i32>} : memref<16x256xf32, #tpu.memory_space<vmem>>, vector<1x256xf32>,
      %get3A_574 = arith.constant 160 : index
      %get3A_575 = arith.constant 256 : index
      %get3A_576 = vector.load %arg2[%get3A_574, %get3A_575] : memref<512x512xbf16, #tpu.memory_space<vmem>>, vector<32x256xbf16>
      %convert_element_type3A_577 = arith.extf %get3A_576 : vector<32x256xbf16> to vector<32x256xf32>
      %mul3A_578 = arith.mulf %convert_element_type3A_577, %convert_element_type3A_577 : vector<32x256xf32>
      %reduce_sum3A_579 = arith.constant dense<0.000000e+00> : vector<256xf32>
      %reduce_sum3A_580 = vector.multi_reduction <add>, %mul3A_578, %reduce_sum3A_579 [0] : vector<32x256xf32> to vector<256xf32>
      %broadcast_in_dim3A_581 = vector.shape_cast %reduce_sum3A_580 : vector<256xf32> to vector<1x256xf32>
      %mul3A_582 = arith.constant 2.500000e-01 : f32
      %mul3A_583 = vector.broadcast %mul3A_582 : f32 to vector<1x256xf32>
      %mul3A_584 = arith.mulf %mul3A_583, %broadcast_in_dim3A_581 : vector<1x256xf32>
      %swap3A_585 = arith.constant 5 : index
      %swap3A_586 = arith.constant 0 : index
      %swap3A_587 = vector.load %arg5[%swap3A_585, %swap3A_586] : memref<16x256xf32, #tpu.memory_space<vmem>>, vector<1x256xf32>
      tpu.vector_store %arg5[%swap3A_585, %swap3A_586], %mul3A_584 {strides = array<i32>} : memref<16x256xf32, #tpu.memory_space<vmem>>, vector<1x256xf32>,
      %get3A_588 = arith.constant 192 : index
      %get3A_589 = arith.constant 256 : index
      %get3A_590 = vector.load %arg2[%get3A_588, %get3A_589] : memref<512x512xbf16, #tpu.memory_space<vmem>>, vector<32x256xbf16>
      %convert_element_type3A_591 = arith.extf %get3A_590 : vector<32x256xbf16> to vector<32x256xf32>
      %mul3A_592 = arith.mulf %convert_element_type3A_591, %convert_element_type3A_591 : vector<32x256xf32>
      %reduce_sum3A_593 = arith.constant dense<0.000000e+00> : vector<256xf32>
      %reduce_sum3A_594 = vector.multi_reduction <add>, %mul3A_592, %reduce_sum3A_593 [0] : vector<32x256xf32> to vector<256xf32>
      %broadcast_in_dim3A_595 = vector.shape_cast %reduce_sum3A_594 : vector<256xf32> to vector<1x256xf32>
      %mul3A_596 = arith.constant 2.500000e-01 : f32
      %mul3A_597 = vector.broadcast %mul3A_596 : f32 to vector<1x256xf32>
      %mul3A_598 = arith.mulf %mul3A_597, %broadcast_in_dim3A_595 : vector<1x256xf32>
      %swap3A_599 = arith.constant 6 : index
      %swap3A_600 = arith.constant 0 : index
      %swap3A_601 = vector.load %arg5[%swap3A_599, %swap3A_600] : memref<16x256xf32, #tpu.memory_space<vmem>>, vector<1x256xf32>
      tpu.vector_store %arg5[%swap3A_599, %swap3A_600], %mul3A_598 {strides = array<i32>} : memref<16x256xf32, #tpu.memory_space<vmem>>, vector<1x256xf32>,
      %get3A_602 = arith.constant 224 : index
      %get3A_603 = arith.constant 256 : index
      %get3A_604 = vector.load %arg2[%get3A_602, %get3A_603] : memref<512x512xbf16, #tpu.memory_space<vmem>>, vector<32x256xbf16>
      %convert_element_type3A_605 = arith.extf %get3A_604 : vector<32x256xbf16> to vector<32x256xf32>
      %mul3A_606 = arith.mulf %convert_element_type3A_605, %convert_element_type3A_605 : vector<32x256xf32>
      %reduce_sum3A_607 = arith.constant dense<0.000000e+00> : vector<256xf32>
      %reduce_sum3A_608 = vector.multi_reduction <add>, %mul3A_606, %reduce_sum3A_607 [0] : vector<32x256xf32> to vector<256xf32>
      %broadcast_in_dim3A_609 = vector.shape_cast %reduce_sum3A_608 : vector<256xf32> to vector<1x256xf32>
      %mul3A_610 = arith.constant 2.500000e-01 : f32
      %mul3A_611 = vector.broadcast %mul3A_610 : f32 to vector<1x256xf32>
      %mul3A_612 = arith.mulf %mul3A_611, %broadcast_in_dim3A_609 : vector<1x256xf32>
      %swap3A_613 = arith.constant 7 : index
      %swap3A_614 = arith.constant 0 : index
      %swap3A_615 = vector.load %arg5[%swap3A_613, %swap3A_614] : memref<16x256xf32, #tpu.memory_space<vmem>>, vector<1x256xf32>
      tpu.vector_store %arg5[%swap3A_613, %swap3A_614], %mul3A_612 {strides = array<i32>} : memref<16x256xf32, #tpu.memory_space<vmem>>, vector<1x256xf32>,
      %get3A_616 = arith.constant 256 : index
      %get3A_617 = arith.constant 256 : index
      %get3A_618 = vector.load %arg2[%get3A_616, %get3A_617] : memref<512x512xbf16, #tpu.memory_space<vmem>>, vector<32x256xbf16>
      %convert_element_type3A_619 = arith.extf %get3A_618 : vector<32x256xbf16> to vector<32x256xf32>
      %mul3A_620 = arith.mulf %convert_element_type3A_619, %convert_element_type3A_619 : vector<32x256xf32>
      %reduce_sum3A_621 = arith.constant dense<0.000000e+00> : vector<256xf32>
      %reduce_sum3A_622 = vector.multi_reduction <add>, %mul3A_620, %reduce_sum3A_621 [0] : vector<32x256xf32> to vector<256xf32>
      %broadcast_in_dim3A_623 = vector.shape_cast %reduce_sum3A_622 : vector<256xf32> to vector<1x256xf32>
      %mul3A_624 = arith.constant 2.500000e-01 : f32
      %mul3A_625 = vector.broadcast %mul3A_624 : f32 to vector<1x256xf32>
      %mul3A_626 = arith.mulf %mul3A_625, %broadcast_in_dim3A_623 : vector<1x256xf32>
      %swap3A_627 = arith.constant 8 : index
      %swap3A_628 = arith.constant 0 : index
      %swap3A_629 = vector.load %arg5[%swap3A_627, %swap3A_628] : memref<16x256xf32, #tpu.memory_space<vmem>>, vector<1x256xf32>
      tpu.vector_store %arg5[%swap3A_627, %swap3A_628], %mul3A_626 {strides = array<i32>} : memref<16x256xf32, #tpu.memory_space<vmem>>, vector<1x256xf32>,
      %get3A_630 = arith.constant 288 : index
      %get3A_631 = arith.constant 256 : index
      %get3A_632 = vector.load %arg2[%get3A_630, %get3A_631] : memref<512x512xbf16, #tpu.memory_space<vmem>>, vector<32x256xbf16>
      %convert_element_type3A_633 = arith.extf %get3A_632 : vector<32x256xbf16> to vector<32x256xf32>
      %mul3A_634 = arith.mulf %convert_element_type3A_633, %convert_element_type3A_633 : vector<32x256xf32>
      %reduce_sum3A_635 = arith.constant dense<0.000000e+00> : vector<256xf32>
      %reduce_sum3A_636 = vector.multi_reduction <add>, %mul3A_634, %reduce_sum3A_635 [0] : vector<32x256xf32> to vector<256xf32>
      %broadcast_in_dim3A_637 = vector.shape_cast %reduce_sum3A_636 : vector<256xf32> to vector<1x256xf32>
      %mul3A_638 = arith.constant 2.500000e-01 : f32
      %mul3A_639 = vector.broadcast %mul3A_638 : f32 to vector<1x256xf32>
      %mul3A_640 = arith.mulf %mul3A_639, %broadcast_in_dim3A_637 : vector<1x256xf32>
      %swap3A_641 = arith.constant 9 : index
      %swap3A_642 = arith.constant 0 : index
      %swap3A_643 = vector.load %arg5[%swap3A_641, %swap3A_642] : memref<16x256xf32, #tpu.memory_space<vmem>>, vector<1x256xf32>
      tpu.vector_store %arg5[%swap3A_641, %swap3A_642], %mul3A_640 {strides = array<i32>} : memref<16x256xf32, #tpu.memory_space<vmem>>, vector<1x256xf32>,
      %get3A_644 = arith.constant 320 : index
      %get3A_645 = arith.constant 256 : index
      %get3A_646 = vector.load %arg2[%get3A_644, %get3A_645] : memref<512x512xbf16, #tpu.memory_space<vmem>>, vector<32x256xbf16>
      %convert_element_type3A_647 = arith.extf %get3A_646 : vector<32x256xbf16> to vector<32x256xf32>
      %mul3A_648 = arith.mulf %convert_element_type3A_647, %convert_element_type3A_647 : vector<32x256xf32>
      %reduce_sum3A_649 = arith.constant dense<0.000000e+00> : vector<256xf32>
      %reduce_sum3A_650 = vector.multi_reduction <add>, %mul3A_648, %reduce_sum3A_649 [0] : vector<32x256xf32> to vector<256xf32>
      %broadcast_in_dim3A_651 = vector.shape_cast %reduce_sum3A_650 : vector<256xf32> to vector<1x256xf32>
      %mul3A_652 = arith.constant 2.500000e-01 : f32
      %mul3A_653 = vector.broadcast %mul3A_652 : f32 to vector<1x256xf32>
      %mul3A_654 = arith.mulf %mul3A_653, %broadcast_in_dim3A_651 : vector<1x256xf32>
      %swap3A_655 = arith.constant 10 : index
      %swap3A_656 = arith.constant 0 : index
      %swap3A_657 = vector.load %arg5[%swap3A_655, %swap3A_656] : memref<16x256xf32, #tpu.memory_space<vmem>>, vector<1x256xf32>
      tpu.vector_store %arg5[%swap3A_655, %swap3A_656], %mul3A_654 {strides = array<i32>} : memref<16x256xf32, #tpu.memory_space<vmem>>, vector<1x256xf32>,
      %get3A_658 = arith.constant 352 : index
      %get3A_659 = arith.constant 256 : index
      %get3A_660 = vector.load %arg2[%get3A_658, %get3A_659] : memref<512x512xbf16, #tpu.memory_space<vmem>>, vector<32x256xbf16>
      %convert_element_type3A_661 = arith.extf %get3A_660 : vector<32x256xbf16> to vector<32x256xf32>
      %mul3A_662 = arith.mulf %convert_element_type3A_661, %convert_element_type3A_661 : vector<32x256xf32>
      %reduce_sum3A_663 = arith.constant dense<0.000000e+00> : vector<256xf32>
      %reduce_sum3A_664 = vector.multi_reduction <add>, %mul3A_662, %reduce_sum3A_663 [0] : vector<32x256xf32> to vector<256xf32>
      %broadcast_in_dim3A_665 = vector.shape_cast %reduce_sum3A_664 : vector<256xf32> to vector<1x256xf32>
      %mul3A_666 = arith.constant 2.500000e-01 : f32
      %mul3A_667 = vector.broadcast %mul3A_666 : f32 to vector<1x256xf32>
      %mul3A_668 = arith.mulf %mul3A_667, %broadcast_in_dim3A_665 : vector<1x256xf32>
      %swap3A_669 = arith.constant 11 : index
      %swap3A_670 = arith.constant 0 : index
      %swap3A_671 = vector.load %arg5[%swap3A_669, %swap3A_670] : memref<16x256xf32, #tpu.memory_space<vmem>>, vector<1x256xf32>
      tpu.vector_store %arg5[%swap3A_669, %swap3A_670], %mul3A_668 {strides = array<i32>} : memref<16x256xf32, #tpu.memory_space<vmem>>, vector<1x256xf32>,
      %get3A_672 = arith.constant 384 : index
      %get3A_673 = arith.constant 256 : index
      %get3A_674 = vector.load %arg2[%get3A_672, %get3A_673] : memref<512x512xbf16, #tpu.memory_space<vmem>>, vector<32x256xbf16>
      %convert_element_type3A_675 = arith.extf %get3A_674 : vector<32x256xbf16> to vector<32x256xf32>
      %mul3A_676 = arith.mulf %convert_element_type3A_675, %convert_element_type3A_675 : vector<32x256xf32>
      %reduce_sum3A_677 = arith.constant dense<0.000000e+00> : vector<256xf32>
      %reduce_sum3A_678 = vector.multi_reduction <add>, %mul3A_676, %reduce_sum3A_677 [0] : vector<32x256xf32> to vector<256xf32>
      %broadcast_in_dim3A_679 = vector.shape_cast %reduce_sum3A_678 : vector<256xf32> to vector<1x256xf32>
      %mul3A_680 = arith.constant 2.500000e-01 : f32
      %mul3A_681 = vector.broadcast %mul3A_680 : f32 to vector<1x256xf32>
      %mul3A_682 = arith.mulf %mul3A_681, %broadcast_in_dim3A_679 : vector<1x256xf32>
      %swap3A_683 = arith.constant 12 : index
      %swap3A_684 = arith.constant 0 : index
      %swap3A_685 = vector.load %arg5[%swap3A_683, %swap3A_684] : memref<16x256xf32, #tpu.memory_space<vmem>>, vector<1x256xf32>
      tpu.vector_store %arg5[%swap3A_683, %swap3A_684], %mul3A_682 {strides = array<i32>} : memref<16x256xf32, #tpu.memory_space<vmem>>, vector<1x256xf32>,
      %get3A_686 = arith.constant 416 : index
      %get3A_687 = arith.constant 256 : index
      %get3A_688 = vector.load %arg2[%get3A_686, %get3A_687] : memref<512x512xbf16, #tpu.memory_space<vmem>>, vector<32x256xbf16>
      %convert_element_type3A_689 = arith.extf %get3A_688 : vector<32x256xbf16> to vector<32x256xf32>
      %mul3A_690 = arith.mulf %convert_element_type3A_689, %convert_element_type3A_689 : vector<32x256xf32>
      %reduce_sum3A_691 = arith.constant dense<0.000000e+00> : vector<256xf32>
      %reduce_sum3A_692 = vector.multi_reduction <add>, %mul3A_690, %reduce_sum3A_691 [0] : vector<32x256xf32> to vector<256xf32>
      %broadcast_in_dim3A_693 = vector.shape_cast %reduce_sum3A_692 : vector<256xf32> to vector<1x256xf32>
      %mul3A_694 = arith.constant 2.500000e-01 : f32
      %mul3A_695 = vector.broadcast %mul3A_694 : f32 to vector<1x256xf32>
      %mul3A_696 = arith.mulf %mul3A_695, %broadcast_in_dim3A_693 : vector<1x256xf32>
      %swap3A_697 = arith.constant 13 : index
      %swap3A_698 = arith.constant 0 : index
      %swap3A_699 = vector.load %arg5[%swap3A_697, %swap3A_698] : memref<16x256xf32, #tpu.memory_space<vmem>>, vector<1x256xf32>
      tpu.vector_store %arg5[%swap3A_697, %swap3A_698], %mul3A_696 {strides = array<i32>} : memref<16x256xf32, #tpu.memory_space<vmem>>, vector<1x256xf32>,
      %get3A_700 = arith.constant 448 : index
      %get3A_701 = arith.constant 256 : index
      %get3A_702 = vector.load %arg2[%get3A_700, %get3A_701] : memref<512x512xbf16, #tpu.memory_space<vmem>>, vector<32x256xbf16>
      %convert_element_type3A_703 = arith.extf %get3A_702 : vector<32x256xbf16> to vector<32x256xf32>
      %mul3A_704 = arith.mulf %convert_element_type3A_703, %convert_element_type3A_703 : vector<32x256xf32>
      %reduce_sum3A_705 = arith.constant dense<0.000000e+00> : vector<256xf32>
      %reduce_sum3A_706 = vector.multi_reduction <add>, %mul3A_704, %reduce_sum3A_705 [0] : vector<32x256xf32> to vector<256xf32>
      %broadcast_in_dim3A_707 = vector.shape_cast %reduce_sum3A_706 : vector<256xf32> to vector<1x256xf32>
      %mul3A_708 = arith.constant 2.500000e-01 : f32
      %mul3A_709 = vector.broadcast %mul3A_708 : f32 to vector<1x256xf32>
      %mul3A_710 = arith.mulf %mul3A_709, %broadcast_in_dim3A_707 : vector<1x256xf32>
      %swap3A_711 = arith.constant 14 : index
      %swap3A_712 = arith.constant 0 : index
      %swap3A_713 = vector.load %arg5[%swap3A_711, %swap3A_712] : memref<16x256xf32, #tpu.memory_space<vmem>>, vector<1x256xf32>
      tpu.vector_store %arg5[%swap3A_711, %swap3A_712], %mul3A_710 {strides = array<i32>} : memref<16x256xf32, #tpu.memory_space<vmem>>, vector<1x256xf32>,
      %get3A_714 = arith.constant 480 : index
      %get3A_715 = arith.constant 256 : index
      %get3A_716 = vector.load %arg2[%get3A_714, %get3A_715] : memref<512x512xbf16, #tpu.memory_space<vmem>>, vector<32x256xbf16>
      %convert_element_type3A_717 = arith.extf %get3A_716 : vector<32x256xbf16> to vector<32x256xf32>
      %mul3A_718 = arith.mulf %convert_element_type3A_717, %convert_element_type3A_717 : vector<32x256xf32>
      %reduce_sum3A_719 = arith.constant dense<0.000000e+00> : vector<256xf32>
      %reduce_sum3A_720 = vector.multi_reduction <add>, %mul3A_718, %reduce_sum3A_719 [0] : vector<32x256xf32> to vector<256xf32>
      %broadcast_in_dim3A_721 = vector.shape_cast %reduce_sum3A_720 : vector<256xf32> to vector<1x256xf32>
      %mul3A_722 = arith.constant 2.500000e-01 : f32
      %mul3A_723 = vector.broadcast %mul3A_722 : f32 to vector<1x256xf32>
      %mul3A_724 = arith.mulf %mul3A_723, %broadcast_in_dim3A_721 : vector<1x256xf32>
      %swap3A_725 = arith.constant 15 : index
      %swap3A_726 = arith.constant 0 : index
      %swap3A_727 = vector.load %arg5[%swap3A_725, %swap3A_726] : memref<16x256xf32, #tpu.memory_space<vmem>>, vector<1x256xf32>
      tpu.vector_store %arg5[%swap3A_725, %swap3A_726], %mul3A_724 {strides = array<i32>} : memref<16x256xf32, #tpu.memory_space<vmem>>, vector<1x256xf32>,
    } else {
    }
    %get3A = arith.constant 0 : index
    %get3A_2 = arith.constant 0 : index
    %get3A_3 = vector.load %arg1[%get3A, %get3A_2] : memref<2048x512xf32, #tpu.memory_space<vmem>>, vector<2048x512xf32>
    %convert_element_type3A_4 = arith.truncf %get3A_3 : vector<2048x512xf32> to vector<2048x512xbf16>
    %broadcast_in_dim3A = arith.constant 0.000000e+00 : f32
    %broadcast_in_dim3A_5 = vector.broadcast %broadcast_in_dim3A : f32 to vector<1x256xf32>
    %broadcast_in_dim3A_6 = arith.constant 0.000000e+00 : f32
    %broadcast_in_dim3A_7 = vector.broadcast %broadcast_in_dim3A_6 : f32 to vector<1x256xf32>
    %broadcast_in_dim3A_8 = arith.constant 0.000000e+00 : f32
    %broadcast_in_dim3A_9 = vector.broadcast %broadcast_in_dim3A_8 : f32 to vector<1x256xf32>
    %broadcast_in_dim3A_10 = arith.constant 0.000000e+00 : f32
    %broadcast_in_dim3A_11 = vector.broadcast %broadcast_in_dim3A_10 : f32 to vector<1x256xf32>
    %get3A_12 = arith.constant 0 : index
    %get3A_13 = arith.constant 0 : index
    %get3A_14 = vector.load %arg2[%get3A_12, %get3A_13] : memref<512x512xbf16, #tpu.memory_space<vmem>>, vector<32x512xbf16>
    %slice3A = vector.extract_strided_slice %convert_element_type3A_4 {offsets = [0, 0], sizes = [2048, 32], strides = [1, 1]} : vector<2048x512xbf16> to vector<2048x32xbf16>
    %dot_general3A = arith.constant dense<0.000000e+00> : vector<2048x512xf32>
    %dot_general3A_15 = tpu.matmul %slice3A, %get3A_14, %dot_general3A {dimension_numbers = #tpu.dot_dimension_numbers<[1], [0], [0], [1], [0, 0, 1, 1], [], []>, transpose_lhs_hint = false} : vector<2048x32xbf16>, vector<32x512xbf16>, vector<2048x512xf32> -> vector<2048x512xf32>
    %slice3A_16 = vector.extract_strided_slice %dot_general3A_15 {offsets = [0, 0], sizes = [2048, 256], strides = [1, 1]} : vector<2048x512xf32> to vector<2048x256xf32>
    %get3A_17 = arith.constant 0 : index
    %get3A_18 = arith.constant 0 : index
    %get3A_19 = vector.load %arg3[%get3A_17, %get3A_18] : memref<16x256xf32, #tpu.memory_space<vmem>>, vector<1x256xf32>
    %add3A = vector.broadcast %get3A_19 : vector<1x256xf32> to vector<2048x256xf32>
    %add3A_20 = arith.addf %slice3A_16, %add3A : vector<2048x256xf32>
    %reduce_max3A = arith.constant dense<0xFF800000> : vector<2048xf32>
    %reduce_max3A_21 = vector.multi_reduction <maximumf>, %add3A_20, %reduce_max3A [1] : vector<2048x256xf32> to vector<2048xf32>
    %broadcast_in_dim3A_22 = vector.shape_cast %reduce_max3A_21 : vector<2048xf32> to vector<2048x1xf32>
    %slice3A_23 = vector.extract_strided_slice %dot_general3A_15 {offsets = [0, 256], sizes = [2048, 256], strides = [1, 1]} : vector<2048x512xf32> to vector<2048x256xf32>
    %get3A_24 = arith.constant 0 : index
    %get3A_25 = arith.constant 0 : index
    %get3A_26 = vector.load %arg5[%get3A_24, %get3A_25] : memref<16x256xf32, #tpu.memory_space<vmem>>, vector<1x256xf32>
    %add3A_27 = vector.broadcast %get3A_26 : vector<1x256xf32> to vector<2048x256xf32>
    %add3A_28 = arith.addf %slice3A_23, %add3A_27 : vector<2048x256xf32>
    %eq3A_29 = vector.broadcast %broadcast_in_dim3A_22 : vector<2048x1xf32> to vector<2048x256xf32>
    %eq3A_30 = arith.cmpf oeq, %add3A_20, %eq3A_29 : vector<2048x256xf32>
    %jit3A = arith.constant 0.000000e+00 : f32
    %broadcast_in_dim3A_31 = vector.broadcast %jit3A : f32 to vector<2048x256xf32>
    %select_n3A = arith.select %eq3A_30, %add3A_28, %broadcast_in_dim3A_31 : vector<2048x256xi1>, vector<2048x256xf32>
    %reduce_sum3A = arith.constant dense<0.000000e+00> : vector<256xf32>
    %reduce_sum3A_32 = vector.multi_reduction <add>, %select_n3A, %reduce_sum3A [0] : vector<2048x256xf32> to vector<256xf32>
    %broadcast_in_dim3A_33 = vector.shape_cast %reduce_sum3A_32 : vector<256xf32> to vector<1x256xf32>
    %add3A_34 = arith.addf %broadcast_in_dim3A_5, %broadcast_in_dim3A_33 : vector<1x256xf32>
    %get3A_35 = arith.constant 32 : index
    %get3A_36 = arith.constant 0 : index
    %get3A_37 = vector.load %arg2[%get3A_35, %get3A_36] : memref<512x512xbf16, #tpu.memory_space<vmem>>, vector<32x512xbf16>
    %slice3A_38 = vector.extract_strided_slice %convert_element_type3A_4 {offsets = [0, 32], sizes = [2048, 32], strides = [1, 1]} : vector<2048x512xbf16> to vector<2048x32xbf16>
    %dot_general3A_39 = arith.constant dense<0.000000e+00> : vector<2048x512xf32>
    %dot_general3A_40 = tpu.matmul %slice3A_38, %get3A_37, %dot_general3A_39 {dimension_numbers = #tpu.dot_dimension_numbers<[1], [0], [0], [1], [0, 0, 1, 1], [], []>, transpose_lhs_hint = false} : vector<2048x32xbf16>, vector<32x512xbf16>, vector<2048x512xf32> -> vector<2048x512xf32>
    %slice3A_41 = vector.extract_strided_slice %dot_general3A_40 {offsets = [0, 0], sizes = [2048, 256], strides = [1, 1]} : vector<2048x512xf32> to vector<2048x256xf32>
    %get3A_42 = arith.constant 1 : index
    %get3A_43 = arith.constant 0 : index
    %get3A_44 = vector.load %arg3[%get3A_42, %get3A_43] : memref<16x256xf32, #tpu.memory_space<vmem>>, vector<1x256xf32>
    %add3A_45 = vector.broadcast %get3A_44 : vector<1x256xf32> to vector<2048x256xf32>
    %add3A_46 = arith.addf %slice3A_41, %add3A_45 : vector<2048x256xf32>
    %reduce_max3A_47 = arith.constant dense<0xFF800000> : vector<2048xf32>
    %reduce_max3A_48 = vector.multi_reduction <maximumf>, %add3A_46, %reduce_max3A_47 [1] : vector<2048x256xf32> to vector<2048xf32>
    %broadcast_in_dim3A_49 = vector.shape_cast %reduce_max3A_48 : vector<2048xf32> to vector<2048x1xf32>
    %slice3A_50 = vector.extract_strided_slice %dot_general3A_40 {offsets = [0, 256], sizes = [2048, 256], strides = [1, 1]} : vector<2048x512xf32> to vector<2048x256xf32>
    %get3A_51 = arith.constant 1 : index
    %get3A_52 = arith.constant 0 : index
    %get3A_53 = vector.load %arg5[%get3A_51, %get3A_52] : memref<16x256xf32, #tpu.memory_space<vmem>>, vector<1x256xf32>
    %add3A_54 = vector.broadcast %get3A_53 : vector<1x256xf32> to vector<2048x256xf32>
    %add3A_55 = arith.addf %slice3A_50, %add3A_54 : vector<2048x256xf32>
    %eq3A_56 = vector.broadcast %broadcast_in_dim3A_49 : vector<2048x1xf32> to vector<2048x256xf32>
    %eq3A_57 = arith.cmpf oeq, %add3A_46, %eq3A_56 : vector<2048x256xf32>
    %jit3A_58 = arith.constant 0.000000e+00 : f32
    %broadcast_in_dim3A_59 = vector.broadcast %jit3A_58 : f32 to vector<2048x256xf32>
    %select_n3A_60 = arith.select %eq3A_57, %add3A_55, %broadcast_in_dim3A_59 : vector<2048x256xi1>, vector<2048x256xf32>
    %reduce_sum3A_61 = arith.constant dense<0.000000e+00> : vector<256xf32>
    %reduce_sum3A_62 = vector.multi_reduction <add>, %select_n3A_60, %reduce_sum3A_61 [0] : vector<2048x256xf32> to vector<256xf32>
    %broadcast_in_dim3A_63 = vector.shape_cast %reduce_sum3A_62 : vector<256xf32> to vector<1x256xf32>
    %add3A_64 = arith.addf %broadcast_in_dim3A_7, %broadcast_in_dim3A_63 : vector<1x256xf32>
    %get3A_65 = arith.constant 64 : index
    %get3A_66 = arith.constant 0 : index
    %get3A_67 = vector.load %arg2[%get3A_65, %get3A_66] : memref<512x512xbf16, #tpu.memory_space<vmem>>, vector<32x512xbf16>
    %slice3A_68 = vector.extract_strided_slice %convert_element_type3A_4 {offsets = [0, 64], sizes = [2048, 32], strides = [1, 1]} : vector<2048x512xbf16> to vector<2048x32xbf16>
    %dot_general3A_69 = arith.constant dense<0.000000e+00> : vector<2048x512xf32>
    %dot_general3A_70 = tpu.matmul %slice3A_68, %get3A_67, %dot_general3A_69 {dimension_numbers = #tpu.dot_dimension_numbers<[1], [0], [0], [1], [0, 0, 1, 1], [], []>, transpose_lhs_hint = false} : vector<2048x32xbf16>, vector<32x512xbf16>, vector<2048x512xf32> -> vector<2048x512xf32>
    %slice3A_71 = vector.extract_strided_slice %dot_general3A_70 {offsets = [0, 0], sizes = [2048, 256], strides = [1, 1]} : vector<2048x512xf32> to vector<2048x256xf32>
    %get3A_72 = arith.constant 2 : index
    %get3A_73 = arith.constant 0 : index
    %get3A_74 = vector.load %arg3[%get3A_72, %get3A_73] : memref<16x256xf32, #tpu.memory_space<vmem>>, vector<1x256xf32>
    %add3A_75 = vector.broadcast %get3A_74 : vector<1x256xf32> to vector<2048x256xf32>
    %add3A_76 = arith.addf %slice3A_71, %add3A_75 : vector<2048x256xf32>
    %reduce_max3A_77 = arith.constant dense<0xFF800000> : vector<2048xf32>
    %reduce_max3A_78 = vector.multi_reduction <maximumf>, %add3A_76, %reduce_max3A_77 [1] : vector<2048x256xf32> to vector<2048xf32>
    %broadcast_in_dim3A_79 = vector.shape_cast %reduce_max3A_78 : vector<2048xf32> to vector<2048x1xf32>
    %slice3A_80 = vector.extract_strided_slice %dot_general3A_70 {offsets = [0, 256], sizes = [2048, 256], strides = [1, 1]} : vector<2048x512xf32> to vector<2048x256xf32>
    %get3A_81 = arith.constant 2 : index
    %get3A_82 = arith.constant 0 : index
    %get3A_83 = vector.load %arg5[%get3A_81, %get3A_82] : memref<16x256xf32, #tpu.memory_space<vmem>>, vector<1x256xf32>
    %add3A_84 = vector.broadcast %get3A_83 : vector<1x256xf32> to vector<2048x256xf32>
    %add3A_85 = arith.addf %slice3A_80, %add3A_84 : vector<2048x256xf32>
    %eq3A_86 = vector.broadcast %broadcast_in_dim3A_79 : vector<2048x1xf32> to vector<2048x256xf32>
    %eq3A_87 = arith.cmpf oeq, %add3A_76, %eq3A_86 : vector<2048x256xf32>
    %jit3A_88 = arith.constant 0.000000e+00 : f32
    %broadcast_in_dim3A_89 = vector.broadcast %jit3A_88 : f32 to vector<2048x256xf32>
    %select_n3A_90 = arith.select %eq3A_87, %add3A_85, %broadcast_in_dim3A_89 : vector<2048x256xi1>, vector<2048x256xf32>
    %reduce_sum3A_91 = arith.constant dense<0.000000e+00> : vector<256xf32>
    %reduce_sum3A_92 = vector.multi_reduction <add>, %select_n3A_90, %reduce_sum3A_91 [0] : vector<2048x256xf32> to vector<256xf32>
    %broadcast_in_dim3A_93 = vector.shape_cast %reduce_sum3A_92 : vector<256xf32> to vector<1x256xf32>
    %add3A_94 = arith.addf %broadcast_in_dim3A_9, %broadcast_in_dim3A_93 : vector<1x256xf32>
    %get3A_95 = arith.constant 96 : index
    %get3A_96 = arith.constant 0 : index
    %get3A_97 = vector.load %arg2[%get3A_95, %get3A_96] : memref<512x512xbf16, #tpu.memory_space<vmem>>, vector<32x512xbf16>
    %slice3A_98 = vector.extract_strided_slice %convert_element_type3A_4 {offsets = [0, 96], sizes = [2048, 32], strides = [1, 1]} : vector<2048x512xbf16> to vector<2048x32xbf16>
    %dot_general3A_99 = arith.constant dense<0.000000e+00> : vector<2048x512xf32>
    %dot_general3A_100 = tpu.matmul %slice3A_98, %get3A_97, %dot_general3A_99 {dimension_numbers = #tpu.dot_dimension_numbers<[1], [0], [0], [1], [0, 0, 1, 1], [], []>, transpose_lhs_hint = false} : vector<2048x32xbf16>, vector<32x512xbf16>, vector<2048x512xf32> -> vector<2048x512xf32>
    %slice3A_101 = vector.extract_strided_slice %dot_general3A_100 {offsets = [0, 0], sizes = [2048, 256], strides = [1, 1]} : vector<2048x512xf32> to vector<2048x256xf32>
    %get3A_102 = arith.constant 3 : index
    %get3A_103 = arith.constant 0 : index
    %get3A_104 = vector.load %arg3[%get3A_102, %get3A_103] : memref<16x256xf32, #tpu.memory_space<vmem>>, vector<1x256xf32>
    %add3A_105 = vector.broadcast %get3A_104 : vector<1x256xf32> to vector<2048x256xf32>
    %add3A_106 = arith.addf %slice3A_101, %add3A_105 : vector<2048x256xf32>
    %reduce_max3A_107 = arith.constant dense<0xFF800000> : vector<2048xf32>
    %reduce_max3A_108 = vector.multi_reduction <maximumf>, %add3A_106, %reduce_max3A_107 [1] : vector<2048x256xf32> to vector<2048xf32>
    %broadcast_in_dim3A_109 = vector.shape_cast %reduce_max3A_108 : vector<2048xf32> to vector<2048x1xf32>
    %slice3A_110 = vector.extract_strided_slice %dot_general3A_100 {offsets = [0, 256], sizes = [2048, 256], strides = [1, 1]} : vector<2048x512xf32> to vector<2048x256xf32>
    %get3A_111 = arith.constant 3 : index
    %get3A_112 = arith.constant 0 : index
    %get3A_113 = vector.load %arg5[%get3A_111, %get3A_112] : memref<16x256xf32, #tpu.memory_space<vmem>>, vector<1x256xf32>
    %add3A_114 = vector.broadcast %get3A_113 : vector<1x256xf32> to vector<2048x256xf32>
    %add3A_115 = arith.addf %slice3A_110, %add3A_114 : vector<2048x256xf32>
    %eq3A_116 = vector.broadcast %broadcast_in_dim3A_109 : vector<2048x1xf32> to vector<2048x256xf32>
    %eq3A_117 = arith.cmpf oeq, %add3A_106, %eq3A_116 : vector<2048x256xf32>
    %jit3A_118 = arith.constant 0.000000e+00 : f32
    %broadcast_in_dim3A_119 = vector.broadcast %jit3A_118 : f32 to vector<2048x256xf32>
    %select_n3A_120 = arith.select %eq3A_117, %add3A_115, %broadcast_in_dim3A_119 : vector<2048x256xi1>, vector<2048x256xf32>
    %reduce_sum3A_121 = arith.constant dense<0.000000e+00> : vector<256xf32>
    %reduce_sum3A_122 = vector.multi_reduction <add>, %select_n3A_120, %reduce_sum3A_121 [0] : vector<2048x256xf32> to vector<256xf32>
    %broadcast_in_dim3A_123 = vector.shape_cast %reduce_sum3A_122 : vector<256xf32> to vector<1x256xf32>
    %add3A_124 = arith.addf %broadcast_in_dim3A_11, %broadcast_in_dim3A_123 : vector<1x256xf32>
    %get3A_125 = arith.constant 128 : index
    %get3A_126 = arith.constant 0 : index
    %get3A_127 = vector.load %arg2[%get3A_125, %get3A_126] : memref<512x512xbf16, #tpu.memory_space<vmem>>, vector<32x512xbf16>
    %slice3A_128 = vector.extract_strided_slice %convert_element_type3A_4 {offsets = [0, 128], sizes = [2048, 32], strides = [1, 1]} : vector<2048x512xbf16> to vector<2048x32xbf16>
    %dot_general3A_129 = arith.constant dense<0.000000e+00> : vector<2048x512xf32>
    %dot_general3A_130 = tpu.matmul %slice3A_128, %get3A_127, %dot_general3A_129 {dimension_numbers = #tpu.dot_dimension_numbers<[1], [0], [0], [1], [0, 0, 1, 1], [], []>, transpose_lhs_hint = false} : vector<2048x32xbf16>, vector<32x512xbf16>, vector<2048x512xf32> -> vector<2048x512xf32>
    %slice3A_131 = vector.extract_strided_slice %dot_general3A_130 {offsets = [0, 0], sizes = [2048, 256], strides = [1, 1]} : vector<2048x512xf32> to vector<2048x256xf32>
    %get3A_132 = arith.constant 4 : index
    %get3A_133 = arith.constant 0 : index
    %get3A_134 = vector.load %arg3[%get3A_132, %get3A_133] : memref<16x256xf32, #tpu.memory_space<vmem>>, vector<1x256xf32>
    %add3A_135 = vector.broadcast %get3A_134 : vector<1x256xf32> to vector<2048x256xf32>
    %add3A_136 = arith.addf %slice3A_131, %add3A_135 : vector<2048x256xf32>
    %reduce_max3A_137 = arith.constant dense<0xFF800000> : vector<2048xf32>
    %reduce_max3A_138 = vector.multi_reduction <maximumf>, %add3A_136, %reduce_max3A_137 [1] : vector<2048x256xf32> to vector<2048xf32>
    %broadcast_in_dim3A_139 = vector.shape_cast %reduce_max3A_138 : vector<2048xf32> to vector<2048x1xf32>
    %slice3A_140 = vector.extract_strided_slice %dot_general3A_130 {offsets = [0, 256], sizes = [2048, 256], strides = [1, 1]} : vector<2048x512xf32> to vector<2048x256xf32>
    %get3A_141 = arith.constant 4 : index
    %get3A_142 = arith.constant 0 : index
    %get3A_143 = vector.load %arg5[%get3A_141, %get3A_142] : memref<16x256xf32, #tpu.memory_space<vmem>>, vector<1x256xf32>
    %add3A_144 = vector.broadcast %get3A_143 : vector<1x256xf32> to vector<2048x256xf32>
    %add3A_145 = arith.addf %slice3A_140, %add3A_144 : vector<2048x256xf32>
    %eq3A_146 = vector.broadcast %broadcast_in_dim3A_139 : vector<2048x1xf32> to vector<2048x256xf32>
    %eq3A_147 = arith.cmpf oeq, %add3A_136, %eq3A_146 : vector<2048x256xf32>
    %jit3A_148 = arith.constant 0.000000e+00 : f32
    %broadcast_in_dim3A_149 = vector.broadcast %jit3A_148 : f32 to vector<2048x256xf32>
    %select_n3A_150 = arith.select %eq3A_147, %add3A_145, %broadcast_in_dim3A_149 : vector<2048x256xi1>, vector<2048x256xf32>
    %reduce_sum3A_151 = arith.constant dense<0.000000e+00> : vector<256xf32>
    %reduce_sum3A_152 = vector.multi_reduction <add>, %select_n3A_150, %reduce_sum3A_151 [0] : vector<2048x256xf32> to vector<256xf32>
    %broadcast_in_dim3A_153 = vector.shape_cast %reduce_sum3A_152 : vector<256xf32> to vector<1x256xf32>
    %add3A_154 = arith.addf %add3A_34, %broadcast_in_dim3A_153 : vector<1x256xf32>
    %get3A_155 = arith.constant 160 : index
    %get3A_156 = arith.constant 0 : index
    %get3A_157 = vector.load %arg2[%get3A_155, %get3A_156] : memref<512x512xbf16, #tpu.memory_space<vmem>>, vector<32x512xbf16>
    %slice3A_158 = vector.extract_strided_slice %convert_element_type3A_4 {offsets = [0, 160], sizes = [2048, 32], strides = [1, 1]} : vector<2048x512xbf16> to vector<2048x32xbf16>
    %dot_general3A_159 = arith.constant dense<0.000000e+00> : vector<2048x512xf32>
    %dot_general3A_160 = tpu.matmul %slice3A_158, %get3A_157, %dot_general3A_159 {dimension_numbers = #tpu.dot_dimension_numbers<[1], [0], [0], [1], [0, 0, 1, 1], [], []>, transpose_lhs_hint = false} : vector<2048x32xbf16>, vector<32x512xbf16>, vector<2048x512xf32> -> vector<2048x512xf32>
    %slice3A_161 = vector.extract_strided_slice %dot_general3A_160 {offsets = [0, 0], sizes = [2048, 256], strides = [1, 1]} : vector<2048x512xf32> to vector<2048x256xf32>
    %get3A_162 = arith.constant 5 : index
    %get3A_163 = arith.constant 0 : index
    %get3A_164 = vector.load %arg3[%get3A_162, %get3A_163] : memref<16x256xf32, #tpu.memory_space<vmem>>, vector<1x256xf32>
    %add3A_165 = vector.broadcast %get3A_164 : vector<1x256xf32> to vector<2048x256xf32>
    %add3A_166 = arith.addf %slice3A_161, %add3A_165 : vector<2048x256xf32>
    %reduce_max3A_167 = arith.constant dense<0xFF800000> : vector<2048xf32>
    %reduce_max3A_168 = vector.multi_reduction <maximumf>, %add3A_166, %reduce_max3A_167 [1] : vector<2048x256xf32> to vector<2048xf32>
    %broadcast_in_dim3A_169 = vector.shape_cast %reduce_max3A_168 : vector<2048xf32> to vector<2048x1xf32>
    %slice3A_170 = vector.extract_strided_slice %dot_general3A_160 {offsets = [0, 256], sizes = [2048, 256], strides = [1, 1]} : vector<2048x512xf32> to vector<2048x256xf32>
    %get3A_171 = arith.constant 5 : index
    %get3A_172 = arith.constant 0 : index
    %get3A_173 = vector.load %arg5[%get3A_171, %get3A_172] : memref<16x256xf32, #tpu.memory_space<vmem>>, vector<1x256xf32>
    %add3A_174 = vector.broadcast %get3A_173 : vector<1x256xf32> to vector<2048x256xf32>
    %add3A_175 = arith.addf %slice3A_170, %add3A_174 : vector<2048x256xf32>
    %eq3A_176 = vector.broadcast %broadcast_in_dim3A_169 : vector<2048x1xf32> to vector<2048x256xf32>
    %eq3A_177 = arith.cmpf oeq, %add3A_166, %eq3A_176 : vector<2048x256xf32>
    %jit3A_178 = arith.constant 0.000000e+00 : f32
    %broadcast_in_dim3A_179 = vector.broadcast %jit3A_178 : f32 to vector<2048x256xf32>
    %select_n3A_180 = arith.select %eq3A_177, %add3A_175, %broadcast_in_dim3A_179 : vector<2048x256xi1>, vector<2048x256xf32>
    %reduce_sum3A_181 = arith.constant dense<0.000000e+00> : vector<256xf32>
    %reduce_sum3A_182 = vector.multi_reduction <add>, %select_n3A_180, %reduce_sum3A_181 [0] : vector<2048x256xf32> to vector<256xf32>
    %broadcast_in_dim3A_183 = vector.shape_cast %reduce_sum3A_182 : vector<256xf32> to vector<1x256xf32>
    %add3A_184 = arith.addf %add3A_64, %broadcast_in_dim3A_183 : vector<1x256xf32>
    %get3A_185 = arith.constant 192 : index
    %get3A_186 = arith.constant 0 : index
    %get3A_187 = vector.load %arg2[%get3A_185, %get3A_186] : memref<512x512xbf16, #tpu.memory_space<vmem>>, vector<32x512xbf16>
    %slice3A_188 = vector.extract_strided_slice %convert_element_type3A_4 {offsets = [0, 192], sizes = [2048, 32], strides = [1, 1]} : vector<2048x512xbf16> to vector<2048x32xbf16>
    %dot_general3A_189 = arith.constant dense<0.000000e+00> : vector<2048x512xf32>
    %dot_general3A_190 = tpu.matmul %slice3A_188, %get3A_187, %dot_general3A_189 {dimension_numbers = #tpu.dot_dimension_numbers<[1], [0], [0], [1], [0, 0, 1, 1], [], []>, transpose_lhs_hint = false} : vector<2048x32xbf16>, vector<32x512xbf16>, vector<2048x512xf32> -> vector<2048x512xf32>
    %slice3A_191 = vector.extract_strided_slice %dot_general3A_190 {offsets = [0, 0], sizes = [2048, 256], strides = [1, 1]} : vector<2048x512xf32> to vector<2048x256xf32>
    %get3A_192 = arith.constant 6 : index
    %get3A_193 = arith.constant 0 : index
    %get3A_194 = vector.load %arg3[%get3A_192, %get3A_193] : memref<16x256xf32, #tpu.memory_space<vmem>>, vector<1x256xf32>
    %add3A_195 = vector.broadcast %get3A_194 : vector<1x256xf32> to vector<2048x256xf32>
    %add3A_196 = arith.addf %slice3A_191, %add3A_195 : vector<2048x256xf32>
    %reduce_max3A_197 = arith.constant dense<0xFF800000> : vector<2048xf32>
    %reduce_max3A_198 = vector.multi_reduction <maximumf>, %add3A_196, %reduce_max3A_197 [1] : vector<2048x256xf32> to vector<2048xf32>
    %broadcast_in_dim3A_199 = vector.shape_cast %reduce_max3A_198 : vector<2048xf32> to vector<2048x1xf32>
    %slice3A_200 = vector.extract_strided_slice %dot_general3A_190 {offsets = [0, 256], sizes = [2048, 256], strides = [1, 1]} : vector<2048x512xf32> to vector<2048x256xf32>
    %get3A_201 = arith.constant 6 : index
    %get3A_202 = arith.constant 0 : index
    %get3A_203 = vector.load %arg5[%get3A_201, %get3A_202] : memref<16x256xf32, #tpu.memory_space<vmem>>, vector<1x256xf32>
    %add3A_204 = vector.broadcast %get3A_203 : vector<1x256xf32> to vector<2048x256xf32>
    %add3A_205 = arith.addf %slice3A_200, %add3A_204 : vector<2048x256xf32>
    %eq3A_206 = vector.broadcast %broadcast_in_dim3A_199 : vector<2048x1xf32> to vector<2048x256xf32>
    %eq3A_207 = arith.cmpf oeq, %add3A_196, %eq3A_206 : vector<2048x256xf32>
    %jit3A_208 = arith.constant 0.000000e+00 : f32
    %broadcast_in_dim3A_209 = vector.broadcast %jit3A_208 : f32 to vector<2048x256xf32>
    %select_n3A_210 = arith.select %eq3A_207, %add3A_205, %broadcast_in_dim3A_209 : vector<2048x256xi1>, vector<2048x256xf32>
    %reduce_sum3A_211 = arith.constant dense<0.000000e+00> : vector<256xf32>
    %reduce_sum3A_212 = vector.multi_reduction <add>, %select_n3A_210, %reduce_sum3A_211 [0] : vector<2048x256xf32> to vector<256xf32>
    %broadcast_in_dim3A_213 = vector.shape_cast %reduce_sum3A_212 : vector<256xf32> to vector<1x256xf32>
    %add3A_214 = arith.addf %add3A_94, %broadcast_in_dim3A_213 : vector<1x256xf32>
    %get3A_215 = arith.constant 224 : index
    %get3A_216 = arith.constant 0 : index
    %get3A_217 = vector.load %arg2[%get3A_215, %get3A_216] : memref<512x512xbf16, #tpu.memory_space<vmem>>, vector<32x512xbf16>
    %slice3A_218 = vector.extract_strided_slice %convert_element_type3A_4 {offsets = [0, 224], sizes = [2048, 32], strides = [1, 1]} : vector<2048x512xbf16> to vector<2048x32xbf16>
    %dot_general3A_219 = arith.constant dense<0.000000e+00> : vector<2048x512xf32>
    %dot_general3A_220 = tpu.matmul %slice3A_218, %get3A_217, %dot_general3A_219 {dimension_numbers = #tpu.dot_dimension_numbers<[1], [0], [0], [1], [0, 0, 1, 1], [], []>, transpose_lhs_hint = false} : vector<2048x32xbf16>, vector<32x512xbf16>, vector<2048x512xf32> -> vector<2048x512xf32>
    %slice3A_221 = vector.extract_strided_slice %dot_general3A_220 {offsets = [0, 0], sizes = [2048, 256], strides = [1, 1]} : vector<2048x512xf32> to vector<2048x256xf32>
    %get3A_222 = arith.constant 7 : index
    %get3A_223 = arith.constant 0 : index
    %get3A_224 = vector.load %arg3[%get3A_222, %get3A_223] : memref<16x256xf32, #tpu.memory_space<vmem>>, vector<1x256xf32>
    %add3A_225 = vector.broadcast %get3A_224 : vector<1x256xf32> to vector<2048x256xf32>
    %add3A_226 = arith.addf %slice3A_221, %add3A_225 : vector<2048x256xf32>
    %reduce_max3A_227 = arith.constant dense<0xFF800000> : vector<2048xf32>
    %reduce_max3A_228 = vector.multi_reduction <maximumf>, %add3A_226, %reduce_max3A_227 [1] : vector<2048x256xf32> to vector<2048xf32>
    %broadcast_in_dim3A_229 = vector.shape_cast %reduce_max3A_228 : vector<2048xf32> to vector<2048x1xf32>
    %slice3A_230 = vector.extract_strided_slice %dot_general3A_220 {offsets = [0, 256], sizes = [2048, 256], strides = [1, 1]} : vector<2048x512xf32> to vector<2048x256xf32>
    %get3A_231 = arith.constant 7 : index
    %get3A_232 = arith.constant 0 : index
    %get3A_233 = vector.load %arg5[%get3A_231, %get3A_232] : memref<16x256xf32, #tpu.memory_space<vmem>>, vector<1x256xf32>
    %add3A_234 = vector.broadcast %get3A_233 : vector<1x256xf32> to vector<2048x256xf32>
    %add3A_235 = arith.addf %slice3A_230, %add3A_234 : vector<2048x256xf32>
    %eq3A_236 = vector.broadcast %broadcast_in_dim3A_229 : vector<2048x1xf32> to vector<2048x256xf32>
    %eq3A_237 = arith.cmpf oeq, %add3A_226, %eq3A_236 : vector<2048x256xf32>
    %jit3A_238 = arith.constant 0.000000e+00 : f32
    %broadcast_in_dim3A_239 = vector.broadcast %jit3A_238 : f32 to vector<2048x256xf32>
    %select_n3A_240 = arith.select %eq3A_237, %add3A_235, %broadcast_in_dim3A_239 : vector<2048x256xi1>, vector<2048x256xf32>
    %reduce_sum3A_241 = arith.constant dense<0.000000e+00> : vector<256xf32>
    %reduce_sum3A_242 = vector.multi_reduction <add>, %select_n3A_240, %reduce_sum3A_241 [0] : vector<2048x256xf32> to vector<256xf32>
    %broadcast_in_dim3A_243 = vector.shape_cast %reduce_sum3A_242 : vector<256xf32> to vector<1x256xf32>
    %add3A_244 = arith.addf %add3A_124, %broadcast_in_dim3A_243 : vector<1x256xf32>
    %get3A_245 = arith.constant 256 : index
    %get3A_246 = arith.constant 0 : index
    %get3A_247 = vector.load %arg2[%get3A_245, %get3A_246] : memref<512x512xbf16, #tpu.memory_space<vmem>>, vector<32x512xbf16>
    %slice3A_248 = vector.extract_strided_slice %convert_element_type3A_4 {offsets = [0, 256], sizes = [2048, 32], strides = [1, 1]} : vector<2048x512xbf16> to vector<2048x32xbf16>
    %dot_general3A_249 = arith.constant dense<0.000000e+00> : vector<2048x512xf32>
    %dot_general3A_250 = tpu.matmul %slice3A_248, %get3A_247, %dot_general3A_249 {dimension_numbers = #tpu.dot_dimension_numbers<[1], [0], [0], [1], [0, 0, 1, 1], [], []>, transpose_lhs_hint = false} : vector<2048x32xbf16>, vector<32x512xbf16>, vector<2048x512xf32> -> vector<2048x512xf32>
    %slice3A_251 = vector.extract_strided_slice %dot_general3A_250 {offsets = [0, 0], sizes = [2048, 256], strides = [1, 1]} : vector<2048x512xf32> to vector<2048x256xf32>
    %get3A_252 = arith.constant 8 : index
    %get3A_253 = arith.constant 0 : index
    %get3A_254 = vector.load %arg3[%get3A_252, %get3A_253] : memref<16x256xf32, #tpu.memory_space<vmem>>, vector<1x256xf32>
    %add3A_255 = vector.broadcast %get3A_254 : vector<1x256xf32> to vector<2048x256xf32>
    %add3A_256 = arith.addf %slice3A_251, %add3A_255 : vector<2048x256xf32>
    %reduce_max3A_257 = arith.constant dense<0xFF800000> : vector<2048xf32>
    %reduce_max3A_258 = vector.multi_reduction <maximumf>, %add3A_256, %reduce_max3A_257 [1] : vector<2048x256xf32> to vector<2048xf32>
    %broadcast_in_dim3A_259 = vector.shape_cast %reduce_max3A_258 : vector<2048xf32> to vector<2048x1xf32>
    %slice3A_260 = vector.extract_strided_slice %dot_general3A_250 {offsets = [0, 256], sizes = [2048, 256], strides = [1, 1]} : vector<2048x512xf32> to vector<2048x256xf32>
    %get3A_261 = arith.constant 8 : index
    %get3A_262 = arith.constant 0 : index
    %get3A_263 = vector.load %arg5[%get3A_261, %get3A_262] : memref<16x256xf32, #tpu.memory_space<vmem>>, vector<1x256xf32>
    %add3A_264 = vector.broadcast %get3A_263 : vector<1x256xf32> to vector<2048x256xf32>
    %add3A_265 = arith.addf %slice3A_260, %add3A_264 : vector<2048x256xf32>
    %eq3A_266 = vector.broadcast %broadcast_in_dim3A_259 : vector<2048x1xf32> to vector<2048x256xf32>
    %eq3A_267 = arith.cmpf oeq, %add3A_256, %eq3A_266 : vector<2048x256xf32>
    %jit3A_268 = arith.constant 0.000000e+00 : f32
    %broadcast_in_dim3A_269 = vector.broadcast %jit3A_268 : f32 to vector<2048x256xf32>
    %select_n3A_270 = arith.select %eq3A_267, %add3A_265, %broadcast_in_dim3A_269 : vector<2048x256xi1>, vector<2048x256xf32>
    %reduce_sum3A_271 = arith.constant dense<0.000000e+00> : vector<256xf32>
    %reduce_sum3A_272 = vector.multi_reduction <add>, %select_n3A_270, %reduce_sum3A_271 [0] : vector<2048x256xf32> to vector<256xf32>
    %broadcast_in_dim3A_273 = vector.shape_cast %reduce_sum3A_272 : vector<256xf32> to vector<1x256xf32>
    %add3A_274 = arith.addf %add3A_154, %broadcast_in_dim3A_273 : vector<1x256xf32>
    %get3A_275 = arith.constant 288 : index
    %get3A_276 = arith.constant 0 : index
    %get3A_277 = vector.load %arg2[%get3A_275, %get3A_276] : memref<512x512xbf16, #tpu.memory_space<vmem>>, vector<32x512xbf16>
    %slice3A_278 = vector.extract_strided_slice %convert_element_type3A_4 {offsets = [0, 288], sizes = [2048, 32], strides = [1, 1]} : vector<2048x512xbf16> to vector<2048x32xbf16>
    %dot_general3A_279 = arith.constant dense<0.000000e+00> : vector<2048x512xf32>
    %dot_general3A_280 = tpu.matmul %slice3A_278, %get3A_277, %dot_general3A_279 {dimension_numbers = #tpu.dot_dimension_numbers<[1], [0], [0], [1], [0, 0, 1, 1], [], []>, transpose_lhs_hint = false} : vector<2048x32xbf16>, vector<32x512xbf16>, vector<2048x512xf32> -> vector<2048x512xf32>
    %slice3A_281 = vector.extract_strided_slice %dot_general3A_280 {offsets = [0, 0], sizes = [2048, 256], strides = [1, 1]} : vector<2048x512xf32> to vector<2048x256xf32>
    %get3A_282 = arith.constant 9 : index
    %get3A_283 = arith.constant 0 : index
    %get3A_284 = vector.load %arg3[%get3A_282, %get3A_283] : memref<16x256xf32, #tpu.memory_space<vmem>>, vector<1x256xf32>
    %add3A_285 = vector.broadcast %get3A_284 : vector<1x256xf32> to vector<2048x256xf32>
    %add3A_286 = arith.addf %slice3A_281, %add3A_285 : vector<2048x256xf32>
    %reduce_max3A_287 = arith.constant dense<0xFF800000> : vector<2048xf32>
    %reduce_max3A_288 = vector.multi_reduction <maximumf>, %add3A_286, %reduce_max3A_287 [1] : vector<2048x256xf32> to vector<2048xf32>
    %broadcast_in_dim3A_289 = vector.shape_cast %reduce_max3A_288 : vector<2048xf32> to vector<2048x1xf32>
    %slice3A_290 = vector.extract_strided_slice %dot_general3A_280 {offsets = [0, 256], sizes = [2048, 256], strides = [1, 1]} : vector<2048x512xf32> to vector<2048x256xf32>
    %get3A_291 = arith.constant 9 : index
    %get3A_292 = arith.constant 0 : index
    %get3A_293 = vector.load %arg5[%get3A_291, %get3A_292] : memref<16x256xf32, #tpu.memory_space<vmem>>, vector<1x256xf32>
    %add3A_294 = vector.broadcast %get3A_293 : vector<1x256xf32> to vector<2048x256xf32>
    %add3A_295 = arith.addf %slice3A_290, %add3A_294 : vector<2048x256xf32>
    %eq3A_296 = vector.broadcast %broadcast_in_dim3A_289 : vector<2048x1xf32> to vector<2048x256xf32>
    %eq3A_297 = arith.cmpf oeq, %add3A_286, %eq3A_296 : vector<2048x256xf32>
    %jit3A_298 = arith.constant 0.000000e+00 : f32
    %broadcast_in_dim3A_299 = vector.broadcast %jit3A_298 : f32 to vector<2048x256xf32>
    %select_n3A_300 = arith.select %eq3A_297, %add3A_295, %broadcast_in_dim3A_299 : vector<2048x256xi1>, vector<2048x256xf32>
    %reduce_sum3A_301 = arith.constant dense<0.000000e+00> : vector<256xf32>
    %reduce_sum3A_302 = vector.multi_reduction <add>, %select_n3A_300, %reduce_sum3A_301 [0] : vector<2048x256xf32> to vector<256xf32>
    %broadcast_in_dim3A_303 = vector.shape_cast %reduce_sum3A_302 : vector<256xf32> to vector<1x256xf32>
    %add3A_304 = arith.addf %add3A_184, %broadcast_in_dim3A_303 : vector<1x256xf32>
    %get3A_305 = arith.constant 320 : index
    %get3A_306 = arith.constant 0 : index
    %get3A_307 = vector.load %arg2[%get3A_305, %get3A_306] : memref<512x512xbf16, #tpu.memory_space<vmem>>, vector<32x512xbf16>
    %slice3A_308 = vector.extract_strided_slice %convert_element_type3A_4 {offsets = [0, 320], sizes = [2048, 32], strides = [1, 1]} : vector<2048x512xbf16> to vector<2048x32xbf16>
    %dot_general3A_309 = arith.constant dense<0.000000e+00> : vector<2048x512xf32>
    %dot_general3A_310 = tpu.matmul %slice3A_308, %get3A_307, %dot_general3A_309 {dimension_numbers = #tpu.dot_dimension_numbers<[1], [0], [0], [1], [0, 0, 1, 1], [], []>, transpose_lhs_hint = false} : vector<2048x32xbf16>, vector<32x512xbf16>, vector<2048x512xf32> -> vector<2048x512xf32>
    %slice3A_311 = vector.extract_strided_slice %dot_general3A_310 {offsets = [0, 0], sizes = [2048, 256], strides = [1, 1]} : vector<2048x512xf32> to vector<2048x256xf32>
    %get3A_312 = arith.constant 10 : index
    %get3A_313 = arith.constant 0 : index
    %get3A_314 = vector.load %arg3[%get3A_312, %get3A_313] : memref<16x256xf32, #tpu.memory_space<vmem>>, vector<1x256xf32>
    %add3A_315 = vector.broadcast %get3A_314 : vector<1x256xf32> to vector<2048x256xf32>
    %add3A_316 = arith.addf %slice3A_311, %add3A_315 : vector<2048x256xf32>
    %reduce_max3A_317 = arith.constant dense<0xFF800000> : vector<2048xf32>
    %reduce_max3A_318 = vector.multi_reduction <maximumf>, %add3A_316, %reduce_max3A_317 [1] : vector<2048x256xf32> to vector<2048xf32>
    %broadcast_in_dim3A_319 = vector.shape_cast %reduce_max3A_318 : vector<2048xf32> to vector<2048x1xf32>
    %slice3A_320 = vector.extract_strided_slice %dot_general3A_310 {offsets = [0, 256], sizes = [2048, 256], strides = [1, 1]} : vector<2048x512xf32> to vector<2048x256xf32>
    %get3A_321 = arith.constant 10 : index
    %get3A_322 = arith.constant 0 : index
    %get3A_323 = vector.load %arg5[%get3A_321, %get3A_322] : memref<16x256xf32, #tpu.memory_space<vmem>>, vector<1x256xf32>
    %add3A_324 = vector.broadcast %get3A_323 : vector<1x256xf32> to vector<2048x256xf32>
    %add3A_325 = arith.addf %slice3A_320, %add3A_324 : vector<2048x256xf32>
    %eq3A_326 = vector.broadcast %broadcast_in_dim3A_319 : vector<2048x1xf32> to vector<2048x256xf32>
    %eq3A_327 = arith.cmpf oeq, %add3A_316, %eq3A_326 : vector<2048x256xf32>
    %jit3A_328 = arith.constant 0.000000e+00 : f32
    %broadcast_in_dim3A_329 = vector.broadcast %jit3A_328 : f32 to vector<2048x256xf32>
    %select_n3A_330 = arith.select %eq3A_327, %add3A_325, %broadcast_in_dim3A_329 : vector<2048x256xi1>, vector<2048x256xf32>
    %reduce_sum3A_331 = arith.constant dense<0.000000e+00> : vector<256xf32>
    %reduce_sum3A_332 = vector.multi_reduction <add>, %select_n3A_330, %reduce_sum3A_331 [0] : vector<2048x256xf32> to vector<256xf32>
    %broadcast_in_dim3A_333 = vector.shape_cast %reduce_sum3A_332 : vector<256xf32> to vector<1x256xf32>
    %add3A_334 = arith.addf %add3A_214, %broadcast_in_dim3A_333 : vector<1x256xf32>
    %get3A_335 = arith.constant 352 : index
    %get3A_336 = arith.constant 0 : index
    %get3A_337 = vector.load %arg2[%get3A_335, %get3A_336] : memref<512x512xbf16, #tpu.memory_space<vmem>>, vector<32x512xbf16>
    %slice3A_338 = vector.extract_strided_slice %convert_element_type3A_4 {offsets = [0, 352], sizes = [2048, 32], strides = [1, 1]} : vector<2048x512xbf16> to vector<2048x32xbf16>
    %dot_general3A_339 = arith.constant dense<0.000000e+00> : vector<2048x512xf32>
    %dot_general3A_340 = tpu.matmul %slice3A_338, %get3A_337, %dot_general3A_339 {dimension_numbers = #tpu.dot_dimension_numbers<[1], [0], [0], [1], [0, 0, 1, 1], [], []>, transpose_lhs_hint = false} : vector<2048x32xbf16>, vector<32x512xbf16>, vector<2048x512xf32> -> vector<2048x512xf32>
    %slice3A_341 = vector.extract_strided_slice %dot_general3A_340 {offsets = [0, 0], sizes = [2048, 256], strides = [1, 1]} : vector<2048x512xf32> to vector<2048x256xf32>
    %get3A_342 = arith.constant 11 : index
    %get3A_343 = arith.constant 0 : index
    %get3A_344 = vector.load %arg3[%get3A_342, %get3A_343] : memref<16x256xf32, #tpu.memory_space<vmem>>, vector<1x256xf32>
    %add3A_345 = vector.broadcast %get3A_344 : vector<1x256xf32> to vector<2048x256xf32>
    %add3A_346 = arith.addf %slice3A_341, %add3A_345 : vector<2048x256xf32>
    %reduce_max3A_347 = arith.constant dense<0xFF800000> : vector<2048xf32>
    %reduce_max3A_348 = vector.multi_reduction <maximumf>, %add3A_346, %reduce_max3A_347 [1] : vector<2048x256xf32> to vector<2048xf32>
    %broadcast_in_dim3A_349 = vector.shape_cast %reduce_max3A_348 : vector<2048xf32> to vector<2048x1xf32>
    %slice3A_350 = vector.extract_strided_slice %dot_general3A_340 {offsets = [0, 256], sizes = [2048, 256], strides = [1, 1]} : vector<2048x512xf32> to vector<2048x256xf32>
    %get3A_351 = arith.constant 11 : index
    %get3A_352 = arith.constant 0 : index
    %get3A_353 = vector.load %arg5[%get3A_351, %get3A_352] : memref<16x256xf32, #tpu.memory_space<vmem>>, vector<1x256xf32>
    %add3A_354 = vector.broadcast %get3A_353 : vector<1x256xf32> to vector<2048x256xf32>
    %add3A_355 = arith.addf %slice3A_350, %add3A_354 : vector<2048x256xf32>
    %eq3A_356 = vector.broadcast %broadcast_in_dim3A_349 : vector<2048x1xf32> to vector<2048x256xf32>
    %eq3A_357 = arith.cmpf oeq, %add3A_346, %eq3A_356 : vector<2048x256xf32>
    %jit3A_358 = arith.constant 0.000000e+00 : f32
    %broadcast_in_dim3A_359 = vector.broadcast %jit3A_358 : f32 to vector<2048x256xf32>
    %select_n3A_360 = arith.select %eq3A_357, %add3A_355, %broadcast_in_dim3A_359 : vector<2048x256xi1>, vector<2048x256xf32>
    %reduce_sum3A_361 = arith.constant dense<0.000000e+00> : vector<256xf32>
    %reduce_sum3A_362 = vector.multi_reduction <add>, %select_n3A_360, %reduce_sum3A_361 [0] : vector<2048x256xf32> to vector<256xf32>
    %broadcast_in_dim3A_363 = vector.shape_cast %reduce_sum3A_362 : vector<256xf32> to vector<1x256xf32>
    %add3A_364 = arith.addf %add3A_244, %broadcast_in_dim3A_363 : vector<1x256xf32>
    %get3A_365 = arith.constant 384 : index
    %get3A_366 = arith.constant 0 : index
    %get3A_367 = vector.load %arg2[%get3A_365, %get3A_366] : memref<512x512xbf16, #tpu.memory_space<vmem>>, vector<32x512xbf16>
    %slice3A_368 = vector.extract_strided_slice %convert_element_type3A_4 {offsets = [0, 384], sizes = [2048, 32], strides = [1, 1]} : vector<2048x512xbf16> to vector<2048x32xbf16>
    %dot_general3A_369 = arith.constant dense<0.000000e+00> : vector<2048x512xf32>
    %dot_general3A_370 = tpu.matmul %slice3A_368, %get3A_367, %dot_general3A_369 {dimension_numbers = #tpu.dot_dimension_numbers<[1], [0], [0], [1], [0, 0, 1, 1], [], []>, transpose_lhs_hint = false} : vector<2048x32xbf16>, vector<32x512xbf16>, vector<2048x512xf32> -> vector<2048x512xf32>
    %slice3A_371 = vector.extract_strided_slice %dot_general3A_370 {offsets = [0, 0], sizes = [2048, 256], strides = [1, 1]} : vector<2048x512xf32> to vector<2048x256xf32>
    %get3A_372 = arith.constant 12 : index
    %get3A_373 = arith.constant 0 : index
    %get3A_374 = vector.load %arg3[%get3A_372, %get3A_373] : memref<16x256xf32, #tpu.memory_space<vmem>>, vector<1x256xf32>
    %add3A_375 = vector.broadcast %get3A_374 : vector<1x256xf32> to vector<2048x256xf32>
    %add3A_376 = arith.addf %slice3A_371, %add3A_375 : vector<2048x256xf32>
    %reduce_max3A_377 = arith.constant dense<0xFF800000> : vector<2048xf32>
    %reduce_max3A_378 = vector.multi_reduction <maximumf>, %add3A_376, %reduce_max3A_377 [1] : vector<2048x256xf32> to vector<2048xf32>
    %broadcast_in_dim3A_379 = vector.shape_cast %reduce_max3A_378 : vector<2048xf32> to vector<2048x1xf32>
    %slice3A_380 = vector.extract_strided_slice %dot_general3A_370 {offsets = [0, 256], sizes = [2048, 256], strides = [1, 1]} : vector<2048x512xf32> to vector<2048x256xf32>
    %get3A_381 = arith.constant 12 : index
    %get3A_382 = arith.constant 0 : index
    %get3A_383 = vector.load %arg5[%get3A_381, %get3A_382] : memref<16x256xf32, #tpu.memory_space<vmem>>, vector<1x256xf32>
    %add3A_384 = vector.broadcast %get3A_383 : vector<1x256xf32> to vector<2048x256xf32>
    %add3A_385 = arith.addf %slice3A_380, %add3A_384 : vector<2048x256xf32>
    %eq3A_386 = vector.broadcast %broadcast_in_dim3A_379 : vector<2048x1xf32> to vector<2048x256xf32>
    %eq3A_387 = arith.cmpf oeq, %add3A_376, %eq3A_386 : vector<2048x256xf32>
    %jit3A_388 = arith.constant 0.000000e+00 : f32
    %broadcast_in_dim3A_389 = vector.broadcast %jit3A_388 : f32 to vector<2048x256xf32>
    %select_n3A_390 = arith.select %eq3A_387, %add3A_385, %broadcast_in_dim3A_389 : vector<2048x256xi1>, vector<2048x256xf32>
    %reduce_sum3A_391 = arith.constant dense<0.000000e+00> : vector<256xf32>
    %reduce_sum3A_392 = vector.multi_reduction <add>, %select_n3A_390, %reduce_sum3A_391 [0] : vector<2048x256xf32> to vector<256xf32>
    %broadcast_in_dim3A_393 = vector.shape_cast %reduce_sum3A_392 : vector<256xf32> to vector<1x256xf32>
    %add3A_394 = arith.addf %add3A_274, %broadcast_in_dim3A_393 : vector<1x256xf32>
    %get3A_395 = arith.constant 416 : index
    %get3A_396 = arith.constant 0 : index
    %get3A_397 = vector.load %arg2[%get3A_395, %get3A_396] : memref<512x512xbf16, #tpu.memory_space<vmem>>, vector<32x512xbf16>
    %slice3A_398 = vector.extract_strided_slice %convert_element_type3A_4 {offsets = [0, 416], sizes = [2048, 32], strides = [1, 1]} : vector<2048x512xbf16> to vector<2048x32xbf16>
    %dot_general3A_399 = arith.constant dense<0.000000e+00> : vector<2048x512xf32>
    %dot_general3A_400 = tpu.matmul %slice3A_398, %get3A_397, %dot_general3A_399 {dimension_numbers = #tpu.dot_dimension_numbers<[1], [0], [0], [1], [0, 0, 1, 1], [], []>, transpose_lhs_hint = false} : vector<2048x32xbf16>, vector<32x512xbf16>, vector<2048x512xf32> -> vector<2048x512xf32>
    %slice3A_401 = vector.extract_strided_slice %dot_general3A_400 {offsets = [0, 0], sizes = [2048, 256], strides = [1, 1]} : vector<2048x512xf32> to vector<2048x256xf32>
    %get3A_402 = arith.constant 13 : index
    %get3A_403 = arith.constant 0 : index
    %get3A_404 = vector.load %arg3[%get3A_402, %get3A_403] : memref<16x256xf32, #tpu.memory_space<vmem>>, vector<1x256xf32>
    %add3A_405 = vector.broadcast %get3A_404 : vector<1x256xf32> to vector<2048x256xf32>
    %add3A_406 = arith.addf %slice3A_401, %add3A_405 : vector<2048x256xf32>
    %reduce_max3A_407 = arith.constant dense<0xFF800000> : vector<2048xf32>
    %reduce_max3A_408 = vector.multi_reduction <maximumf>, %add3A_406, %reduce_max3A_407 [1] : vector<2048x256xf32> to vector<2048xf32>
    %broadcast_in_dim3A_409 = vector.shape_cast %reduce_max3A_408 : vector<2048xf32> to vector<2048x1xf32>
    %slice3A_410 = vector.extract_strided_slice %dot_general3A_400 {offsets = [0, 256], sizes = [2048, 256], strides = [1, 1]} : vector<2048x512xf32> to vector<2048x256xf32>
    %get3A_411 = arith.constant 13 : index
    %get3A_412 = arith.constant 0 : index
    %get3A_413 = vector.load %arg5[%get3A_411, %get3A_412] : memref<16x256xf32, #tpu.memory_space<vmem>>, vector<1x256xf32>
    %add3A_414 = vector.broadcast %get3A_413 : vector<1x256xf32> to vector<2048x256xf32>
    %add3A_415 = arith.addf %slice3A_410, %add3A_414 : vector<2048x256xf32>
    %eq3A_416 = vector.broadcast %broadcast_in_dim3A_409 : vector<2048x1xf32> to vector<2048x256xf32>
    %eq3A_417 = arith.cmpf oeq, %add3A_406, %eq3A_416 : vector<2048x256xf32>
    %jit3A_418 = arith.constant 0.000000e+00 : f32
    %broadcast_in_dim3A_419 = vector.broadcast %jit3A_418 : f32 to vector<2048x256xf32>
    %select_n3A_420 = arith.select %eq3A_417, %add3A_415, %broadcast_in_dim3A_419 : vector<2048x256xi1>, vector<2048x256xf32>
    %reduce_sum3A_421 = arith.constant dense<0.000000e+00> : vector<256xf32>
    %reduce_sum3A_422 = vector.multi_reduction <add>, %select_n3A_420, %reduce_sum3A_421 [0] : vector<2048x256xf32> to vector<256xf32>
    %broadcast_in_dim3A_423 = vector.shape_cast %reduce_sum3A_422 : vector<256xf32> to vector<1x256xf32>
    %add3A_424 = arith.addf %add3A_304, %broadcast_in_dim3A_423 : vector<1x256xf32>
    %get3A_425 = arith.constant 448 : index
    %get3A_426 = arith.constant 0 : index
    %get3A_427 = vector.load %arg2[%get3A_425, %get3A_426] : memref<512x512xbf16, #tpu.memory_space<vmem>>, vector<32x512xbf16>
    %slice3A_428 = vector.extract_strided_slice %convert_element_type3A_4 {offsets = [0, 448], sizes = [2048, 32], strides = [1, 1]} : vector<2048x512xbf16> to vector<2048x32xbf16>
    %dot_general3A_429 = arith.constant dense<0.000000e+00> : vector<2048x512xf32>
    %dot_general3A_430 = tpu.matmul %slice3A_428, %get3A_427, %dot_general3A_429 {dimension_numbers = #tpu.dot_dimension_numbers<[1], [0], [0], [1], [0, 0, 1, 1], [], []>, transpose_lhs_hint = false} : vector<2048x32xbf16>, vector<32x512xbf16>, vector<2048x512xf32> -> vector<2048x512xf32>
    %slice3A_431 = vector.extract_strided_slice %dot_general3A_430 {offsets = [0, 0], sizes = [2048, 256], strides = [1, 1]} : vector<2048x512xf32> to vector<2048x256xf32>
    %get3A_432 = arith.constant 14 : index
    %get3A_433 = arith.constant 0 : index
    %get3A_434 = vector.load %arg3[%get3A_432, %get3A_433] : memref<16x256xf32, #tpu.memory_space<vmem>>, vector<1x256xf32>
    %add3A_435 = vector.broadcast %get3A_434 : vector<1x256xf32> to vector<2048x256xf32>
    %add3A_436 = arith.addf %slice3A_431, %add3A_435 : vector<2048x256xf32>
    %reduce_max3A_437 = arith.constant dense<0xFF800000> : vector<2048xf32>
    %reduce_max3A_438 = vector.multi_reduction <maximumf>, %add3A_436, %reduce_max3A_437 [1] : vector<2048x256xf32> to vector<2048xf32>
    %broadcast_in_dim3A_439 = vector.shape_cast %reduce_max3A_438 : vector<2048xf32> to vector<2048x1xf32>
    %slice3A_440 = vector.extract_strided_slice %dot_general3A_430 {offsets = [0, 256], sizes = [2048, 256], strides = [1, 1]} : vector<2048x512xf32> to vector<2048x256xf32>
    %get3A_441 = arith.constant 14 : index
    %get3A_442 = arith.constant 0 : index
    %get3A_443 = vector.load %arg5[%get3A_441, %get3A_442] : memref<16x256xf32, #tpu.memory_space<vmem>>, vector<1x256xf32>
    %add3A_444 = vector.broadcast %get3A_443 : vector<1x256xf32> to vector<2048x256xf32>
    %add3A_445 = arith.addf %slice3A_440, %add3A_444 : vector<2048x256xf32>
    %eq3A_446 = vector.broadcast %broadcast_in_dim3A_439 : vector<2048x1xf32> to vector<2048x256xf32>
    %eq3A_447 = arith.cmpf oeq, %add3A_436, %eq3A_446 : vector<2048x256xf32>
    %jit3A_448 = arith.constant 0.000000e+00 : f32
    %broadcast_in_dim3A_449 = vector.broadcast %jit3A_448 : f32 to vector<2048x256xf32>
    %select_n3A_450 = arith.select %eq3A_447, %add3A_445, %broadcast_in_dim3A_449 : vector<2048x256xi1>, vector<2048x256xf32>
    %reduce_sum3A_451 = arith.constant dense<0.000000e+00> : vector<256xf32>
    %reduce_sum3A_452 = vector.multi_reduction <add>, %select_n3A_450, %reduce_sum3A_451 [0] : vector<2048x256xf32> to vector<256xf32>
    %broadcast_in_dim3A_453 = vector.shape_cast %reduce_sum3A_452 : vector<256xf32> to vector<1x256xf32>
    %add3A_454 = arith.addf %add3A_334, %broadcast_in_dim3A_453 : vector<1x256xf32>
    %get3A_455 = arith.constant 480 : index
    %get3A_456 = arith.constant 0 : index
    %get3A_457 = vector.load %arg2[%get3A_455, %get3A_456] : memref<512x512xbf16, #tpu.memory_space<vmem>>, vector<32x512xbf16>
    %slice3A_458 = vector.extract_strided_slice %convert_element_type3A_4 {offsets = [0, 480], sizes = [2048, 32], strides = [1, 1]} : vector<2048x512xbf16> to vector<2048x32xbf16>
    %dot_general3A_459 = arith.constant dense<0.000000e+00> : vector<2048x512xf32>
    %dot_general3A_460 = tpu.matmul %slice3A_458, %get3A_457, %dot_general3A_459 {dimension_numbers = #tpu.dot_dimension_numbers<[1], [0], [0], [1], [0, 0, 1, 1], [], []>, transpose_lhs_hint = false} : vector<2048x32xbf16>, vector<32x512xbf16>, vector<2048x512xf32> -> vector<2048x512xf32>
    %slice3A_461 = vector.extract_strided_slice %dot_general3A_460 {offsets = [0, 0], sizes = [2048, 256], strides = [1, 1]} : vector<2048x512xf32> to vector<2048x256xf32>
    %get3A_462 = arith.constant 15 : index
    %get3A_463 = arith.constant 0 : index
    %get3A_464 = vector.load %arg3[%get3A_462, %get3A_463] : memref<16x256xf32, #tpu.memory_space<vmem>>, vector<1x256xf32>
    %add3A_465 = vector.broadcast %get3A_464 : vector<1x256xf32> to vector<2048x256xf32>
    %add3A_466 = arith.addf %slice3A_461, %add3A_465 : vector<2048x256xf32>
    %reduce_max3A_467 = arith.constant dense<0xFF800000> : vector<2048xf32>
    %reduce_max3A_468 = vector.multi_reduction <maximumf>, %add3A_466, %reduce_max3A_467 [1] : vector<2048x256xf32> to vector<2048xf32>
    %broadcast_in_dim3A_469 = vector.shape_cast %reduce_max3A_468 : vector<2048xf32> to vector<2048x1xf32>
    %slice3A_470 = vector.extract_strided_slice %dot_general3A_460 {offsets = [0, 256], sizes = [2048, 256], strides = [1, 1]} : vector<2048x512xf32> to vector<2048x256xf32>
    %get3A_471 = arith.constant 15 : index
    %get3A_472 = arith.constant 0 : index
    %get3A_473 = vector.load %arg5[%get3A_471, %get3A_472] : memref<16x256xf32, #tpu.memory_space<vmem>>, vector<1x256xf32>
    %add3A_474 = vector.broadcast %get3A_473 : vector<1x256xf32> to vector<2048x256xf32>
    %add3A_475 = arith.addf %slice3A_470, %add3A_474 : vector<2048x256xf32>
    %eq3A_476 = vector.broadcast %broadcast_in_dim3A_469 : vector<2048x1xf32> to vector<2048x256xf32>
    %eq3A_477 = arith.cmpf oeq, %add3A_466, %eq3A_476 : vector<2048x256xf32>
    %jit3A_478 = arith.constant 0.000000e+00 : f32
    %broadcast_in_dim3A_479 = vector.broadcast %jit3A_478 : f32 to vector<2048x256xf32>
    %select_n3A_480 = arith.select %eq3A_477, %add3A_475, %broadcast_in_dim3A_479 : vector<2048x256xi1>, vector<2048x256xf32>
    %reduce_sum3A_481 = arith.constant dense<0.000000e+00> : vector<256xf32>
    %reduce_sum3A_482 = vector.multi_reduction <add>, %select_n3A_480, %reduce_sum3A_481 [0] : vector<2048x256xf32> to vector<256xf32>
    %broadcast_in_dim3A_483 = vector.shape_cast %reduce_sum3A_482 : vector<256xf32> to vector<1x256xf32>
    %add3A_484 = arith.addf %add3A_364, %broadcast_in_dim3A_483 : vector<1x256xf32>
    %add3A_485 = arith.addf %add3A_394, %add3A_424 : vector<1x256xf32>
    %add3A_486 = arith.addf %add3A_454, %add3A_484 : vector<1x256xf32>
    %add3A_487 = arith.addf %add3A_485, %add3A_486 : vector<1x256xf32>
    %get3A_488 = arith.constant 0 : index
    %get3A_489 = memref.load %arg6[%get3A_488] : memref<1xf32, #tpu.memory_space<smem>>
    %reduce_sum3A_490 = vector.shape_cast %add3A_487 : vector<1x256xf32> to vector<1x1x256xf32>
    %reduce_sum3A_491 = arith.constant dense<0.000000e+00> : vector<1xf32>
    %reduce_sum3A_492 = vector.multi_reduction <add>, %reduce_sum3A_490, %reduce_sum3A_491 [1, 2] : vector<1x1x256xf32> to vector<1xf32>
    %reduce_sum3A_493 = vector.shape_cast %reduce_sum3A_492 : vector<1xf32> to vector<1x1x1xf32>
    %reduce_sum3A_494 = vector.extract %reduce_sum3A_493[0, 0, 0] : f32 from vector<1x1x1xf32>
    %add3A_495 = arith.addf %get3A_489, %reduce_sum3A_494 : f32
    %swap3A = arith.constant 0 : index
    %swap3A_496 = memref.load %arg6[%swap3A] : memref<1xf32, #tpu.memory_space<smem>>
    memref.store %add3A_495, %arg6[%swap3A] : memref<1xf32, #tpu.memory_space<smem>>
    %eq3A_497 = arith.constant 7 : i32
    %eq3A_498 = arith.cmpi eq, %arg0, %eq3A_497 : i32
    %convert_element_type3A_499 = arith.extui %eq3A_498 : i1 to i32
    %cond3A_500 = arith.constant 0 : i32
    %cond3A_501 = arith.cmpi ne, %convert_element_type3A_499, %cond3A_500 : i32
    scf.if %cond3A_501 {
      %get3A_502 = arith.constant 0 : index
      %get3A_503 = memref.load %arg6[%get3A_502] : memref<1xf32, #tpu.memory_space<smem>>
      %broadcast_in_dim3A_504 = vector.broadcast %get3A_503 : f32 to vector<1x1xf32>
      %swap3A_505 = arith.constant 0 : index
      %swap3A_506 = arith.constant 0 : index
      %swap3A_507 = vector.load %arg4[%swap3A_505, %swap3A_506] : memref<1x1xf32, #tpu.memory_space<vmem>>, vector<1x1xf32>
      tpu.vector_store %arg4[%swap3A_505, %swap3A_506], %broadcast_in_dim3A_504 {strides = array<i32>} : memref<1x1xf32, #tpu.memory_space<vmem>>, vector<1x1xf32>,
    } else {
    }
    return
  }
  func.func @transform_0(%arg0: i32) -> (i32, i32) {
    %c0_i32 = arith.constant 0 : i32
    %c0_i32_0 = arith.constant 0 : i32
    return %arg0, %c0_i32 : i32, i32
  }
  func.func @transform_1(%arg0: i32) -> (i32, i32) {
    %c0_i32 = arith.constant 0 : i32
    %c0_i32_0 = arith.constant 0 : i32
    %c0_i32_1 = arith.constant 0 : i32
    return %c0_i32, %c0_i32_0 : i32, i32
  }
  func.func @transform_2(%arg0: i32) -> (i32, i32) {
    %c0_i32 = arith.constant 0 : i32
    %c0_i32_0 = arith.constant 0 : i32
    %c0_i32_1 = arith.constant 0 : i32
    return %c0_i32, %c0_i32_0 : i32, i32
  }
  func.func @transform_3(%arg0: i32) -> (i32, i32) {
    %c0_i32 = arith.constant 0 : i32
    %c0_i32_0 = arith.constant 0 : i32
    %c0_i32_1 = arith.constant 0 : i32
    return %c0_i32, %c0_i32_0 : i32, i32
  }
}

</mosaic_0001>

<sc_bundles>
// kernel: kernel.4.cloned.1.call-start
scs
__scs_entry_jumppad:
0x0: {  	(pc) =	sbr.rel $0x88, $3  }
0x1: {  	(tag) =	ssettag $0x0;
	lr =	simm.s32 $0x1  }
0x2: {  	[smem:$0x3F9D] =	sst lr;
	_ =	strace $0xD0000000  }
0x3: {  	_ = 	snop  }
0x4: {  	_ = 	snop  }
0x5: {  	_ = 	snop  }
0x6: {  	_ = 	snop  }
0x7: {  	_ = 	snop  }
__scs_overlays_trampoline_lowered:
0x8: {  	[smem:$0x3FAC] =	sst s0  }
0x9: {  	[smem:$0x3FAD] =	sst s1  }
0xa: {  	[smem:$0x3FAE] =	sst s2  }
0xb: {  	[smem:$0x3FAF] =	sst s3  }
0xc: {  	[smem:$0x3FB0] =	sst s4  }
0xd: {  	[smem:$0x3FB1] =	sst s5  }
0xe: {  	[smem:$0x3FB2] =	sst s6  }
0xf: {  	[smem:$0x3FB3] =	sst s7  }
0x10: {  	[smem:$0x3FB4] =	sst s8  }
0x11: {  	[smem:$0x3FB5] =	sst s9;
	s0 =	simm.s32 @!p0 $0x0  }
0x12: {  	s1 =	sld [smem:$0x3F9B];
	s0 =	simm.s32 @p0 $0x1  }
0x13: {  	[smem:$0x3FB6] =	sst s0;
	s0 =	simm.s32 @!p1 $0x0  }
0x14: {  	s2 =	sld [smem:$0x3F9A];
	s0 =	simm.s32 @p1 $0x1  }
0x15: {  	[smem:$0x3FB7] =	sst s0;
	s0 =	simm.s32 @!p2 $0x0  }
0x16: {  	s3 =	sld [smem:$0x3FDB];
	s0 =	simm.s32 @p2 $0x1  }
0x17: {  	s4 =	simm.s32 $0x1BF5;
	[smem:$0x3FB9] =	sst s0  }
0x18: {  	s0 =	sld [smem:$0x3F9C];
	_ =	swait.ge [sflag:s4], $0x0  }
0x19: {  	s7 =	sld [smem:$0x3F9D]  }
0x1a: {  	s8 =	sadd.s32 $0xFFFFE003, lr  }
0x1b: {  	s9 =	sadd.s32 $0xFFFFFEF7, lr;
	s5 =	simm.s32 $0xFFFFFFFF;
	p2 =	slt.u32 s8, $0xFFFFF086  }
0x1c: {  	p1 =	slt.u32 s9, $0xF7A;
	s5 =	simm.s32 @!p2 $0x0  }
0x1d: {  	s5 =	simm.s32 @p1 $0x1;
	p0 =	seq.s32 s7, s2  }
0x1e: {  	s7 =	smul.u32 @!p0 $0xF7A, s2;
	p2 =	seq.s32 @!p0 s5, $0x0  }
0x1f: {  	s9 =	smul.u32 $0xF7A, s1;
	s8 =	simm.s32 @!p0 $0x1BF5;
	p2 =	por !p2, p0  }
0x20: {  	[sflag:s8] =	ssyncset.s32 @!p0 $0xFFFFF086;
	s6 =	sadd.s32 @!p0 s3, s7;
	s7 =	simm.s32 @!p0 $0x108  }
0x21: {  	s3 =	sadd.s32 s3, s9;
	s6 =	sadd.s32 @!p0 $0x88, s6;
	s7 =	simm.s32 @p2 $0x1082  }
0x22: {  	[simem:s7], [sflag:s8] =	dma.local @!p0 [hbm:s6], $0xF7A  }
0x23: {  	s9 =	sor.u32 $0xD0000000, s2;
	s6 =	simm.s32 $0x108;
	_ =	swait.ge @!p0 [sflag:s8], $0x0  }
0x24: {  	s3 =	sadd.s32 $0x88, s3;
	s6 =	simm.s32 @!p1 $0x1082;
	[sflag:s4] =	ssyncset.s32 $0xFFFFF086  }
0x25: {  	[simem:s6], [sflag:s4] =	dma.local [hbm:s3], $0xF7A  }
0x26: {  	[smem:$0x3F9D] =	sst s1;
	(tag) =	ssettag s2;
	_ =	strace s9  }
0x27: {  	s1 =	sld [smem:$0x3FAD]  }
0x28: {  	s2 =	sld [smem:$0x3FAE]  }
0x29: {  	s4 =	sld [smem:$0x3FB0]  }
0x2a: {  	p0 =	seq.s32 s5, $0x0;
	s5 =	sld [smem:$0x3FB1]  }
0x2b: {  	s6 =	sld [smem:$0x3FB2]  }
0x2c: {  	s7 =	sld [smem:$0x3FB3]  }
0x2d: {  	s3 =	simm.s32 $0x108;
	s8 =	sld [smem:$0x3FB4]  }
0x2e: {  	s3 =	simm.s32 @!p0 $0x1082;
	s9 =	sld [smem:$0x3FB5]  }
0x2f: {  	lr =	sadd.s32 s0, s3;
	s0 =	sld [smem:$0x3FAC]  }
0x30: {  	s3 =	sld [smem:$0x3FAF]  }
0x31: {  	[smem:$0x3FB8] =	sst s10  }
0x32: {  	s10 =	sld [smem:$0x3FB6];
	_ =	sdelay $0x3  }
0x33: {  	p0 =	seq.s32 s10, $0x1;
	s10 =	sld [smem:$0x3FB8];
	_ =	sdelay $0x3  }
0x34: {  	[smem:$0x3FB8] =	sst s10  }
0x35: {  	s10 =	sld [smem:$0x3FB7];
	_ =	sdelay $0x3  }
0x36: {  	p1 =	seq.s32 s10, $0x1;
	s10 =	sld [smem:$0x3FB8];
	_ =	sdelay $0x3  }
0x37: {  	[smem:$0x3FB8] =	sst s10  }
0x38: {  	s10 =	sld [smem:$0x3FB9]  }
0x39: {  	_ = 	snop;
	(pc) =	sbr.ind lr, $3  }
0x3a: {  	_ = 	snop  }
0x3b: {  	_ = 	snop  }
0x3c: {  	p2 =	seq.s32 s10, $0x1;
	s10 =	sld [smem:$0x3FB8]  }
0x3d: {  	_ =	shalt  }
0x3e: {  	_ =	shalt  }
0x3f: {  	_ =	shalt  }
0x40: {  	_ =	shalt  }
0x41: {  	_ =	shalt  }
0x42: {  	_ =	shalt  }
0x43: {  	_ =	shalt  }
0x44: {  	_ =	shalt  }
0x45: {  	_ =	shalt  }
0x46: {  	_ =	shalt  }
0x47: {  	_ =	shalt  }
0x48: {  	_ =	shalt  }
0x49: {  	_ =	shalt  }
0x4a: {  	_ =	shalt  }
0x4b: {  	_ =	shalt  }
0x4c: {  	_ =	shalt  }
0x4d: {  	_ =	shalt  }
0x4e: {  	_ =	shalt  }
0x4f: {  	_ =	shalt  }
0x50: {  	_ =	shalt  }
0x51: {  	_ =	shalt  }
0x52: {  	_ =	shalt  }
0x53: {  	_ =	shalt  }
0x54: {  	_ =	shalt  }
0x55: {  	_ =	shalt  }
0x56: {  	_ =	shalt  }
0x57: {  	_ =	shalt  }
0x58: {  	_ =	shalt  }
0x59: {  	_ =	shalt  }
0x5a: {  	_ =	shalt  }
0x5b: {  	_ =	shalt  }
0x5c: {  	_ =	shalt  }
0x5d: {  	_ =	shalt  }
0x5e: {  	_ =	shalt  }
0x5f: {  	_ =	shalt  }
0x60: {  	_ =	shalt  }
0x61: {  	_ =	shalt  }
0x62: {  	_ =	shalt  }
0x63: {  	_ =	shalt  }
0x64: {  	_ =	shalt  }
0x65: {  	_ =	shalt  }
0x66: {  	_ =	shalt  }
0x67: {  	_ =	shalt  }
0x68: {  	_ =	shalt  }
0x69: {  	_ =	shalt  }
0x6a: {  	_ =	shalt  }
0x6b: {  	_ =	shalt  }
0x6c: {  	_ =	shalt  }
0x6d: {  	_ =	shalt  }
0x6e: {  	_ =	shalt  }
0x6f: {  	_ =	shalt  }
0x70: {  	_ =	shalt  }
0x71: {  	_ =	shalt  }
0x72: {  	_ =	shalt  }
0x73: {  	_ =	shalt  }
0x74: {  	_ =	shalt  }
0x75: {  	_ =	shalt  }
0x76: {  	_ =	shalt  }
0x77: {  	_ =	shalt  }
0x78: {  	_ =	shalt  }
0x79: {  	_ =	shalt  }
0x7a: {  	_ =	shalt  }
0x7b: {  	_ =	shalt  }
0x7c: {  	_ =	shalt  }
0x7d: {  	_ =	shalt  }
0x7e: {  	_ =	shalt  }
0x7f: {  	_ =	shalt  }
0x80: {  	_ =	shalt  }
0x81: {  	_ =	shalt  }
0x82: {  	_ =	shalt  }
0x83: {  	_ =	shalt  }
0x84: {  	_ =	shalt  }
0x85: {  	_ =	shalt  }
0x86: {  	_ =	shalt  }
0x87: {  	_ =	shalt  }
.Lfunc_end0:
.L_simem_size_0:
called_computation_lowered:
.L_overlay_start_0:
0x88: {  	s2 =	sld [smem:$0x3FD9]  }
0x89: {  	s3 =	sld [smem:$0x3FFE];
	_ =	sdelay $0x1  }
0x8a: {  	s1 =	srdreg.scid  }
0x8b: {  	s0 =	sand.u32 $0x1, s1  }
0x8c: {  	s17 =	sshll.u32 s0, $0xA;
	s2 =	sadd.s32 s3, s2  }
0x8d: {  	s2 =	sadd.s32 s2, s17  }
0x8e: {  	[smem:$0x3FC4] =	sst s2  }
0x8f: {  	_ = 	snop  }
0x90: {  	s2 =	sld [smem:$0x3FC9];
	(tm) =	ssettm $0x1  }
0x91: {  	s18 =	sld [smem:$0x3FFB];
	_ =	sdelay $0x3  }
0x92: {  	_ =	strace s18  }
0x93: {  	s3 =	sld [smem:$0x3FFC];
	_ =	sdelay $0x3  }
0x94: {  	_ =	strace s3  }
0x95: {  	s3 =	sld [smem:$0x3FFD];
	_ =	sdelay $0x3  }
0x96: {  	_ =	strace s3  }
0x97: {  	_ =	strace $0x8FFFFFFF  }
0x98: {  	s19 =	sld [smem:$0x3FDB];
	_ =	sdelay $0x1  }
0x99: {  	s4 =	simm.s32 $_scs_section_size  }
0x9a: {  	s5 =	simm.s32 $_size__tile_overlayer_lowered;
	s6 =	simm.s32 $_tile_overlayer_lowered  }
0x9b: {  	s22 =	simm.s32 $0x1BFF;
	s21 =	sshll.u32 s6, $0x1;
	s3 =	sadd.s32 s4, s19  }
0x9c: {  	s7 =	simm.s32 $0x0;
	s20 =	sshll.u32 s5, $0x1;
	s5 =	sadd.s32 s21, s3  }
0x9d: {  	[timem:s7], [sflag:s22] =	dma.local [hbm:s5], s20  }
0x9e: {  	_ =	swait.ge [sflag:s22], s20  }
0x9f: {  	s4 =	ssub.s32 $0x0, s20;
	[sflag:s22] =	ssyncset.done $0x0  }
0xa0: {  	[sflag:s22] =	ssyncadd.s32 s4;
	_ =	sdelay $0x1  }
0xa1: {  	s23 =	simm.s32 $0x1B8B  }
0xa2: {  	_ =	swait.ge [sflag:s23], $0x1  }
0xa3: {  	[sflag:s23] =	ssyncset.done $0x0  }
0xa4: {  	s25 =	simm.s32 $0x1B8E;
	s24 =	sld [smem:$0x3FFE];
	[sflag:s23] =	ssyncadd.s32 $0xFFFFFFFF  }
0xa5: {  	s26 =	simm.s32 $execute0_lowered;
	[smem:$0x3FD2] =	sst s25  }
0xa6: {  	s5 =	sshll.u32 s26, $0x1;
	_ =	strace $0x80000046;
	[dreg:$0x1] =	wrdreg $0xFFFFFFFF  }
0xa7: {  	s28 =	simm.s32 $_size_execute0_lowered;
	s3 =	sadd.s32 s3, s5;
	[dreg:$0x0] =	wrdreg $0x0  }
0xa8: {  	s5 =	sshll.u32 s28, $0x1;
	[dreg:$0x2] =	wrdreg s3  }
0xa9: {  	[dreg:$0x3] =	wrdreg s5  }
0xaa: {  	[dreg:$0x4] =	wrdreg $0xC0  }
0xab: {  	_ =	task [dreg:s7], $0x5FFFF  }
0xac: {  	[dreg:$0x1] =	wrdreg $0xFFFFFFFF  }
0xad: {  	[dreg:$0x0] =	wrdreg $0x60  }
0xae: {  	[dreg:$0x2] =	wrdreg s2  }
0xaf: {  	[dreg:$0x3] =	wrdreg s24  }
0xb0: {  	[dreg:$0x4] =	wrdreg $0x9  }
0xb1: {  	_ =	task.clear_ibuf [dreg:s7], $0x5FFFF;
	_ =	strace $0x90000046  }
0xb2: {  	s29 =	simm.s32 $0x9;
	_ =	strace $0x80000048  }
0xb3: {  	_ =	swait.ge [sflag:s29], $0x1  }
0xb4: {  	[sflag:s29] =	ssyncadd.s32 $0xFFFFFFFF  }
0xb5: {  	_ =	strace $0x90000048  }
0xb6: {  	_ =	sfence  }
0xb7: {  	s30 =	sld [smem:$0x0];
	_ =	sdelay $0x2  }
0xb8: {  	s31 =	sshll.u32 s1, $0xD;
	s1 =	sshrl.u32 s1, $0x2  }
0xb9: {  	s3 =	sand.u32 $0x4000, s31;
	s1 =	sadd.s32 s1, s30  }
0xba: {  	s0 =	sor.u32 s3, s0;
	s1 =	sshll.u32 s1, $0x11  }
0xbb: {  	s0 =	sor.u32 s1, s0  }
0xbc: {  	s0 =	sadd.s32 $0x8F2B, s0  }
0xbd: {  	[sflag:s0] =	ssyncadd.remote.s32 $0x1  }
0xbe: {  	_ =	sfence.sel $0xFFFF  }
0xbf: {  	[dreg:$0x0] =	wrdreg $0xFFFFFFFF;
	(pc) =	sbr.abs _section_cstart, $3  }
0xc0: {  	[dreg:$0x1] =	wrdreg $0xFFFFFFFF  }
0xc1: {  	_ =	task.clear_ibuf [dreg:s7], $0x2FFFF;
	_ =	strace $0x9FFFFFFF  }
0xc2: {  	(tm) =	ssettm $0x7FFFFFFF  }
0xc3: {  	_ =	shalt  }
tec
execute0_lowered:
.L_overlay_start_1:
0x0: {  	(tag) =	ssettag $0x1  }
0x1: {  	s3 =	rddreg [dreg:$0x0]  }
0x2: {  	s4 =	rddreg [dreg:$0x1]  }
0x3: {  	s0 =	rddreg [dreg:$0x2]  }
0x4: {  	s2 =	simm.s32 $0x0;
	s5 =	srdreg.scid;
	s1 =	stileid.u32  }
0x5: {  	s13 =	simm.s32 $0x8000;
	s14 =	simm.s32 $0x1;
	s15 =	simm.s32 $0x2  }
0x6: {  	s16 =	simm.s32 $0x10000;
	s17 =	simm.s32 $0x3;
	s18 =	simm.s32 $0x0  }
0x7: {  	[smem:$0x7FF] =	sst s2;
	s5 =	sand.u32 $0x1, s5;
	s6 =	sshll.u32 s1, $0x1  }
0x8: {  	_ =	strace $0x80000047;
	s6 =	sor.u32 s5, s6;
	s5 =	ssub.s32 $0x2, s5  }
0x9: {  	s7 =	sshll.u32 s6, $0x4;
	s8 =	sshrl.u32 s5, $0x1;
	s6 =	sshll.u32 s6, $0xF  }
0xa: {  	s11 =	sadd.s32 s7, s4;
	s12 =	ssub.s32 s5, s8;
	s3 =	sadd.s32 s3, s6  }
0xb: {  	s4 =	sadd.s32 $0x1000, s3;
	s5 =	sadd.s32 $0x2000, s3;
	s6 =	sadd.s32 $0x3000, s3  }
0xc: {  	s7 =	sadd.s32 $0x4000, s3;
	s8 =	sadd.s32 $0x5000, s3;
	s9 =	sadd.s32 $0x6000, s3  }
0xd: {  	v0 =	vimm.f32 $0.0e+00;
	s10 =	sadd.s32 $0x7000, s3;
	s11 =	sadd.s32 $0xC00, s11;
	s12 =	smax.u32 s12, $0x1  }
.LBB2_1:
0xe: {  	[tilespmem:$0x10000] =	vst v0  }
0xf: {  	[tilespmem:s2], [sflag:$0x1] =	stream.linear.gather [hbm4b:s3+s2], $0x8000, $0x38;
	[tilespmem:$0x10080] =	vst v63  }
0x10: {  	_ = 	snop  }
0x11: {  	[tilespmem:s13], [sflag:$0x2] =	stream.linear.gather [hbm4b:s4+s2], $0x8000, $0x38;
	[tilespmem:$0x10080] =	vst v63  }
0x12: {  	_ =	swait.ge [sflag:s14], $0x8000  }
0x13: {  	[sflag:s14] =	ssyncset.done $0x0  }
0x14: {  	s19 =	sand.u32 $0x7000, s2;
	s20 =	sand.u32 $0x380, s2;
	[sflag:s14] =	ssyncadd.s32 $0xFFFF8000  }
0x15: {  	s19 =	sor.u32 s20, s19;
	v1 =	vld [tilespmem:$0x10000]  }
0x16: {  	v2 =	vld [tilespmem:s19+$0xC40]  }
0x17: {  	v3 =	vld [tilespmem:s19+$0xC50]  }
0x18: {  	v4 =	vld [tilespmem:s19+$0xC00]  }
0x19: {  	v5 =	vld [tilespmem:s19+$0xC10]  }
0x1a: {  	v6 =	vld [tilespmem:s19+$0x840]  }
0x1b: {  	v7 =	vld [tilespmem:s19+$0x850]  }
0x1c: {  	v12 =	vld [tilespmem:s19+$0x800]  }
0x1d: {  	v16 =	vld [tilespmem:s19+$0x810]  }
0x1e: {  	v9 =	vld [tilespmem:s19+$0x440]  }
0x1f: {  	v13 =	vld [tilespmem:s19+$0x450]  }
0x20: {  	v14 =	vld [tilespmem:s19+$0x400]  }
0x21: {  	v17 =	vld [tilespmem:s19+$0x410]  }
0x22: {  	v10 =	vld [tilespmem:s19+$0x0]  }
0x23: {  	v15 =	vld [tilespmem:s19+$0x40]  }
0x24: {  	v8 =	vld [tilespmem:s19+$0x10]  }
0x25: {  	v11 =	vld [tilespmem:s19+$0x50];
	v2 =	vmul.f32 v2, v2;
	v3 =	vmul.f32 v3, v3  }
0x26: {  	v18 =	vld [tilespmem:s19+$0x20];
	v4 =	vmul.f32 v4, v4;
	v5 =	vmul.f32 v5, v5  }
0x27: {  	s21 =	simm.s32 $0x0;
	s20 =	simm.s32 $0x200;
	v19 =	vld [tilespmem:s19+$0x60];
	v6 =	vmul.f32 v6, v6;
	v7 =	vmul.f32 v7, v7  }
.LBB2_2:
0x28: {  	p0 =	sne.s32 s20, $0x7E00;
	v20 =	vld [tilespmem:s19+$0x30];
	v12 =	vmul.f32 v12, v12;
	v16 =	vmul.f32 v16, v16  }
0x29: {  	v9 =	vmul.f32 v9, v9;
	v13 =	vmul.f32 v13, v13;
	v21 =	vld [tilespmem:s19+$0x70]  }
0x2a: {  	v14 =	vmul.f32 v14, v14;
	v17 =	vmul.f32 v17, v17;
	v22 =	vld [tilespmem:s19+$0x420]  }
0x2b: {  	v10 =	vmul.f32 v10, v10;
	v15 =	vmul.f32 v15, v15;
	v23 =	vld [tilespmem:s19+$0x430]  }
0x2c: {  	v8 =	vmul.f32 v8, v8;
	v11 =	vmul.f32 v11, v11;
	v24 =	vld [tilespmem:s19+$0x460]  }
0x2d: {  	v18 =	vmul.f32 v18, v18;
	v19 =	vmul.f32 v19, v19;
	v25 =	vld [tilespmem:s19+$0x470]  }
0x2e: {  	v20 =	vmul.f32 v20, v20;
	v21 =	vmul.f32 v21, v21;
	v26 =	vld [tilespmem:s19+$0x820]  }
0x2f: {  	v10 =	vadd.f32 v15, v10;
	v8 =	vadd.f32 v11, v8;
	v11 =	vmul.f32 v22, v22;
	v15 =	vld [tilespmem:s19+$0x830]  }
0x30: {  	v18 =	vadd.f32 v19, v18;
	v19 =	vadd.f32 v21, v20;
	v20 =	vmul.f32 v23, v23;
	v21 =	vld [tilespmem:s19+$0x860]  }
0x31: {  	v10 =	vadd.f32 v14, v10;
	v8 =	vadd.f32 v17, v8;
	v14 =	vmul.f32 v24, v24;
	v17 =	vld [tilespmem:s19+$0x870]  }
0x32: {  	v11 =	vadd.f32 v11, v18;
	v18 =	vadd.f32 v20, v19;
	v19 =	vmul.f32 v25, v25;
	v20 =	vld [tilespmem:s19+$0xC20]  }
0x33: {  	v9 =	vadd.f32 v9, v10;
	v8 =	vadd.f32 v13, v8;
	v10 =	vmul.f32 v26, v26;
	v13 =	vld [tilespmem:s19+$0xC30]  }
0x34: {  	v11 =	vadd.f32 v14, v11;
	v14 =	vadd.f32 v19, v18;
	v15 =	vmul.f32 v15, v15;
	v18 =	vld [tilespmem:s19+$0xC60]  }
0x35: {  	v9 =	vadd.f32 v12, v9;
	v8 =	vadd.f32 v16, v8;
	v12 =	vmul.f32 v21, v21;
	v16 =	vld [tilespmem:s19+$0xC70]  }
0x36: {  	v10 =	vadd.f32 v10, v11;
	v11 =	vadd.f32 v15, v14;
	v14 =	vmul.f32 v17, v17  }
0x37: {  	v6 =	vadd.f32 v6, v9;
	v7 =	vadd.f32 v7, v8;
	v8 =	vmul.f32 v20, v20  }
0x38: {  	v9 =	vadd.f32 v12, v10;
	v10 =	vadd.f32 v14, v11;
	v11 =	vmul.f32 v13, v13  }
0x39: {  	v4 =	vadd.f32 v4, v6;
	v5 =	vadd.f32 v5, v7;
	v6 =	vmul.f32 v18, v18  }
0x3a: {  	v7 =	vadd.f32 v8, v9;
	v8 =	vadd.f32 v11, v10;
	v9 =	vmul.f32 v16, v16  }
0x3b: {  	v2 =	vadd.f32 v2, v4;
	v3 =	vadd.f32 v3, v5  }
0x3c: {  	v4 =	vadd.f32 v6, v7;
	v5 =	vadd.f32 v9, v8;
	_ =	sdelay $0x1  }
0x3d: {  	v2 =	vadd.f32 v3, v2;
	v3 =	vadd.f32 v5, v4;
	_ =	sdelay $0x1  }
0x3e: {  	v2 =	vadd.f32 v3, v2;
	_ =	sdelay $0x1  }
0x3f: {  	s21 =	sadd.s32 $0x80, s21;
	v1 =	vadd.f32 v2, v1  }
0x40: {  	s22 =	sand.u32 $0x380, s21;
	s19 =	sand.u32 $0x7000, s20  }
0x41: {  	s19 =	sor.u32 s22, s19;
	[tilespmem:$0x10000] =	vst v1  }
0x42: {  	v2 =	vld [tilespmem:s19+$0xC40]  }
0x43: {  	v3 =	vld [tilespmem:s19+$0xC50]  }
0x44: {  	v4 =	vld [tilespmem:s19+$0xC00]  }
0x45: {  	v5 =	vld [tilespmem:s19+$0xC10]  }
0x46: {  	v6 =	vld [tilespmem:s19+$0x840]  }
0x47: {  	v7 =	vld [tilespmem:s19+$0x850]  }
0x48: {  	v12 =	vld [tilespmem:s19+$0x800]  }
0x49: {  	v16 =	vld [tilespmem:s19+$0x810]  }
0x4a: {  	v9 =	vld [tilespmem:s19+$0x440]  }
0x4b: {  	v13 =	vld [tilespmem:s19+$0x450]  }
0x4c: {  	v14 =	vld [tilespmem:s19+$0x400]  }
0x4d: {  	v17 =	vld [tilespmem:s19+$0x410]  }
0x4e: {  	v10 =	vld [tilespmem:s19+$0x0]  }
.Ltmp0:
0x4f: {  	v15 =	vld [tilespmem:s19+$0x40];
	(pc) =	sbr.rel @p0 .LBB2_2-.Ltmp0, $4  }
0x50: {  	v8 =	vld [tilespmem:s19+$0x10]  }
0x51: {  	v2 =	vmul.f32 v2, v2;
	v3 =	vmul.f32 v3, v3;
	v11 =	vld [tilespmem:s19+$0x50]  }
0x52: {  	v4 =	vmul.f32 v4, v4;
	v5 =	vmul.f32 v5, v5;
	v18 =	vld [tilespmem:s19+$0x20]  }
0x53: {  	s20 =	sadd.s32 $0x200, s20;
	v6 =	vmul.f32 v6, v6;
	v7 =	vmul.f32 v7, v7;
	v19 =	vld [tilespmem:s19+$0x60]  }
0x54: {  	v20 =	vld [tilespmem:s19+$0x30];
	v12 =	vmul.f32 v12, v12;
	v16 =	vmul.f32 v16, v16  }
0x55: {  	v21 =	vld [tilespmem:s19+$0x70];
	v9 =	vmul.f32 v9, v9;
	v13 =	vmul.f32 v13, v13  }
0x56: {  	v14 =	vmul.f32 v14, v14;
	v17 =	vmul.f32 v17, v17;
	v22 =	vld [tilespmem:s19+$0x420]  }
0x57: {  	v10 =	vmul.f32 v10, v10;
	v15 =	vmul.f32 v15, v15;
	v23 =	vld [tilespmem:s19+$0x430]  }
0x58: {  	v24 =	vld [tilespmem:s19+$0x460];
	v8 =	vmul.f32 v8, v8;
	v11 =	vmul.f32 v11, v11  }
0x59: {  	v25 =	vld [tilespmem:s19+$0x470];
	v18 =	vmul.f32 v18, v18;
	v19 =	vmul.f32 v19, v19  }
0x5a: {  	v26 =	vld [tilespmem:s19+$0x820];
	v20 =	vmul.f32 v20, v20;
	v21 =	vmul.f32 v21, v21  }
0x5b: {  	v10 =	vadd.f32 v15, v10;
	v15 =	vld [tilespmem:s19+$0x830];
	v8 =	vadd.f32 v11, v8;
	v11 =	vmul.f32 v22, v22  }
0x5c: {  	v63 =	vld [tilespmem:s19+$0x860];
	v18 =	vadd.f32 v19, v18;
	v19 =	vadd.f32 v21, v20;
	v20 =	vmul.f32 v23, v23  }
0x5d: {  	v10 =	vadd.f32 v14, v10;
	v14 =	vmul.f32 v24, v24;
	v8 =	vadd.f32 v17, v8;
	v17 =	vld [tilespmem:s19+$0x870]  }
0x5e: {  	v11 =	vadd.f32 v11, v18;
	v18 =	vadd.f32 v20, v19;
	v19 =	vmul.f32 v25, v25;
	v20 =	vld [tilespmem:s19+$0xC20]  }
0x5f: {  	v9 =	vadd.f32 v9, v10;
	v10 =	vmul.f32 v26, v26;
	v8 =	vadd.f32 v13, v8;
	v13 =	vld [tilespmem:s19+$0xC30]  }
0x60: {  	v15 =	vmul.f32 v15, v15;
	v11 =	vadd.f32 v14, v11;
	v14 =	vadd.f32 v19, v18;
	v18 =	vld [tilespmem:s19+$0xC60]  }
0x61: {  	v9 =	vadd.f32 v12, v9;
	v12 =	vmul.f32 v63, v63;
	v8 =	vadd.f32 v16, v8;
	v16 =	vld [tilespmem:s19+$0xC70]  }
0x62: {  	v10 =	vadd.f32 v10, v11;
	v11 =	vadd.f32 v15, v14;
	v14 =	vmul.f32 v17, v17  }
0x63: {  	v6 =	vadd.f32 v6, v9;
	v7 =	vadd.f32 v7, v8;
	v8 =	vmul.f32 v20, v20  }
0x64: {  	v9 =	vadd.f32 v12, v10;
	v10 =	vadd.f32 v14, v11;
	v11 =	vmul.f32 v13, v13  }
0x65: {  	v4 =	vadd.f32 v4, v6;
	v5 =	vadd.f32 v5, v7;
	v6 =	vmul.f32 v18, v18  }
0x66: {  	v7 =	vadd.f32 v8, v9;
	v9 =	vmul.f32 v16, v16;
	v8 =	vadd.f32 v11, v10  }
0x67: {  	v2 =	vadd.f32 v2, v4;
	v3 =	vadd.f32 v3, v5  }
0x68: {  	v4 =	vadd.f32 v6, v7;
	v5 =	vadd.f32 v9, v8;
	_ =	sdelay $0x1  }
0x69: {  	v2 =	vadd.f32 v3, v2;
	v3 =	vadd.f32 v5, v4;
	_ =	sdelay $0x1  }
0x6a: {  	v2 =	vadd.f32 v3, v2;
	_ =	sdelay $0x1  }
0x6b: {  	v1 =	vadd.f32 v2, v1;
	_ =	sdelay $0x1  }
0x6c: {  	s19 =	simm.s32 $0x0;
	[tilespmem:$0x10000] =	vst v1  }
0x6d: {  	[tilespmem:s19], [sflag:$0x1] =	stream.linear.gather [hbm4b:s5+s19], $0x8000, $0x38;
	[tilespmem:$0x10080] =	vst v63  }
0x6e: {  	_ =	swait.ge [sflag:s15], $0x8000  }
0x6f: {  	[sflag:s15] =	ssyncset.done $0x0  }
0x70: {  	s20 =	sand.u32 $0x7000, s19;
	s21 =	sand.u32 $0x380, s19;
	[sflag:s15] =	ssyncadd.s32 $0xFFFF8000  }
0x71: {  	s20 =	sor.u32 s21, s20;
	v1 =	vld [tilespmem:$0x10000]  }
0x72: {  	v2 =	vld [tilespmem:s20+$0x8C40]  }
0x73: {  	v3 =	vld [tilespmem:s20+$0x8C50]  }
0x74: {  	v4 =	vld [tilespmem:s20+$0x8C00]  }
0x75: {  	v5 =	vld [tilespmem:s20+$0x8C10]  }
0x76: {  	v6 =	vld [tilespmem:s20+$0x8840]  }
0x77: {  	v7 =	vld [tilespmem:s20+$0x8850]  }
0x78: {  	v12 =	vld [tilespmem:s20+$0x8800]  }
0x79: {  	v16 =	vld [tilespmem:s20+$0x8810]  }
0x7a: {  	v9 =	vld [tilespmem:s20+$0x8440]  }
0x7b: {  	v13 =	vld [tilespmem:s20+$0x8450]  }
0x7c: {  	v14 =	vld [tilespmem:s20+$0x8400]  }
0x7d: {  	v17 =	vld [tilespmem:s20+$0x8410]  }
0x7e: {  	v10 =	vld [tilespmem:s20+$0x8000]  }
0x7f: {  	v15 =	vld [tilespmem:s20+$0x8040]  }
0x80: {  	v8 =	vld [tilespmem:s20+$0x8010]  }
0x81: {  	v11 =	vld [tilespmem:s20+$0x8050];
	v2 =	vmul.f32 v2, v2;
	v3 =	vmul.f32 v3, v3  }
0x82: {  	v18 =	vld [tilespmem:s20+$0x8020];
	v4 =	vmul.f32 v4, v4;
	v5 =	vmul.f32 v5, v5  }
0x83: {  	s21 =	simm.s32 $0x200;
	v19 =	vld [tilespmem:s20+$0x8060];
	v6 =	vmul.f32 v6, v6;
	v7 =	vmul.f32 v7, v7  }
.LBB2_4:
0x84: {  	p0 =	sne.s32 s21, $0x7E00;
	v20 =	vld [tilespmem:s20+$0x8030];
	v12 =	vmul.f32 v12, v12;
	v16 =	vmul.f32 v16, v16  }
0x85: {  	v9 =	vmul.f32 v9, v9;
	v13 =	vmul.f32 v13, v13;
	v21 =	vld [tilespmem:s20+$0x8070]  }
0x86: {  	v14 =	vmul.f32 v14, v14;
	v17 =	vmul.f32 v17, v17;
	v22 =	vld [tilespmem:s20+$0x8420]  }
0x87: {  	v10 =	vmul.f32 v10, v10;
	v15 =	vmul.f32 v15, v15;
	v23 =	vld [tilespmem:s20+$0x8430]  }
0x88: {  	v8 =	vmul.f32 v8, v8;
	v11 =	vmul.f32 v11, v11;
	v24 =	vld [tilespmem:s20+$0x8460]  }
0x89: {  	v18 =	vmul.f32 v18, v18;
	v19 =	vmul.f32 v19, v19;
	v25 =	vld [tilespmem:s20+$0x8470]  }
0x8a: {  	v20 =	vmul.f32 v20, v20;
	v21 =	vmul.f32 v21, v21;
	v26 =	vld [tilespmem:s20+$0x8820]  }
0x8b: {  	v10 =	vadd.f32 v15, v10;
	v8 =	vadd.f32 v11, v8;
	v11 =	vmul.f32 v22, v22;
	v15 =	vld [tilespmem:s20+$0x8830]  }
0x8c: {  	v18 =	vadd.f32 v19, v18;
	v19 =	vadd.f32 v21, v20;
	v20 =	vmul.f32 v23, v23;
	v21 =	vld [tilespmem:s20+$0x8860]  }
0x8d: {  	v10 =	vadd.f32 v14, v10;
	v8 =	vadd.f32 v17, v8;
	v14 =	vmul.f32 v24, v24;
	v17 =	vld [tilespmem:s20+$0x8870]  }
0x8e: {  	v11 =	vadd.f32 v11, v18;
	v18 =	vadd.f32 v20, v19;
	v19 =	vmul.f32 v25, v25;
	v20 =	vld [tilespmem:s20+$0x8C20]  }
0x8f: {  	v9 =	vadd.f32 v9, v10;
	v8 =	vadd.f32 v13, v8;
	v10 =	vmul.f32 v26, v26;
	v13 =	vld [tilespmem:s20+$0x8C30]  }
0x90: {  	v11 =	vadd.f32 v14, v11;
	v14 =	vadd.f32 v19, v18;
	v15 =	vmul.f32 v15, v15;
	v18 =	vld [tilespmem:s20+$0x8C60]  }
0x91: {  	v9 =	vadd.f32 v12, v9;
	v8 =	vadd.f32 v16, v8;
	v12 =	vmul.f32 v21, v21;
	v16 =	vld [tilespmem:s20+$0x8C70]  }
0x92: {  	v10 =	vadd.f32 v10, v11;
	v11 =	vadd.f32 v15, v14;
	v14 =	vmul.f32 v17, v17  }
0x93: {  	v6 =	vadd.f32 v6, v9;
	v7 =	vadd.f32 v7, v8;
	v8 =	vmul.f32 v20, v20  }
0x94: {  	v9 =	vadd.f32 v12, v10;
	v10 =	vadd.f32 v14, v11;
	v11 =	vmul.f32 v13, v13  }
0x95: {  	v4 =	vadd.f32 v4, v6;
	v5 =	vadd.f32 v5, v7;
	v6 =	vmul.f32 v18, v18  }
0x96: {  	v7 =	vadd.f32 v8, v9;
	v8 =	vadd.f32 v11, v10;
	v9 =	vmul.f32 v16, v16  }
0x97: {  	v2 =	vadd.f32 v2, v4;
	v3 =	vadd.f32 v3, v5  }
0x98: {  	v4 =	vadd.f32 v6, v7;
	v5 =	vadd.f32 v9, v8;
	_ =	sdelay $0x1  }
0x99: {  	v2 =	vadd.f32 v3, v2;
	v3 =	vadd.f32 v5, v4;
	_ =	sdelay $0x1  }
0x9a: {  	v2 =	vadd.f32 v3, v2;
	_ =	sdelay $0x1  }
0x9b: {  	s19 =	sadd.s32 $0x80, s19;
	v1 =	vadd.f32 v2, v1  }
0x9c: {  	s22 =	sand.u32 $0x380, s19;
	s20 =	sand.u32 $0x7000, s21  }
0x9d: {  	s20 =	sor.u32 s22, s20;
	[tilespmem:$0x10000] =	vst v1  }
0x9e: {  	v2 =	vld [tilespmem:s20+$0x8C40]  }
0x9f: {  	v3 =	vld [tilespmem:s20+$0x8C50]  }
0xa0: {  	v4 =	vld [tilespmem:s20+$0x8C00]  }
0xa1: {  	v5 =	vld [tilespmem:s20+$0x8C10]  }
0xa2: {  	v6 =	vld [tilespmem:s20+$0x8840]  }
0xa3: {  	v7 =	vld [tilespmem:s20+$0x8850]  }
0xa4: {  	v12 =	vld [tilespmem:s20+$0x8800]  }
0xa5: {  	v16 =	vld [tilespmem:s20+$0x8810]  }
0xa6: {  	v9 =	vld [tilespmem:s20+$0x8440]  }
0xa7: {  	v13 =	vld [tilespmem:s20+$0x8450]  }
0xa8: {  	v14 =	vld [tilespmem:s20+$0x8400]  }
0xa9: {  	v17 =	vld [tilespmem:s20+$0x8410]  }
0xaa: {  	v10 =	vld [tilespmem:s20+$0x8000]  }
.Ltmp1:
0xab: {  	v15 =	vld [tilespmem:s20+$0x8040];
	(pc) =	sbr.rel @p0 .LBB2_4-.Ltmp1, $4  }
0xac: {  	v8 =	vld [tilespmem:s20+$0x8010]  }
0xad: {  	v2 =	vmul.f32 v2, v2;
	v3 =	vmul.f32 v3, v3;
	v11 =	vld [tilespmem:s20+$0x8050]  }
0xae: {  	v4 =	vmul.f32 v4, v4;
	v5 =	vmul.f32 v5, v5;
	v18 =	vld [tilespmem:s20+$0x8020]  }
0xaf: {  	s21 =	sadd.s32 $0x200, s21;
	v6 =	vmul.f32 v6, v6;
	v7 =	vmul.f32 v7, v7;
	v19 =	vld [tilespmem:s20+$0x8060]  }
0xb0: {  	v20 =	vld [tilespmem:s20+$0x8030];
	v12 =	vmul.f32 v12, v12;
	v16 =	vmul.f32 v16, v16  }
0xb1: {  	v21 =	vld [tilespmem:s20+$0x8070];
	v9 =	vmul.f32 v9, v9;
	v13 =	vmul.f32 v13, v13  }
0xb2: {  	v14 =	vmul.f32 v14, v14;
	v17 =	vmul.f32 v17, v17;
	v22 =	vld [tilespmem:s20+$0x8420]  }
0xb3: {  	v10 =	vmul.f32 v10, v10;
	v15 =	vmul.f32 v15, v15;
	v23 =	vld [tilespmem:s20+$0x8430]  }
0xb4: {  	v24 =	vld [tilespmem:s20+$0x8460];
	v8 =	vmul.f32 v8, v8;
	v11 =	vmul.f32 v11, v11  }
0xb5: {  	v25 =	vld [tilespmem:s20+$0x8470];
	v18 =	vmul.f32 v18, v18;
	v19 =	vmul.f32 v19, v19  }
0xb6: {  	v26 =	vld [tilespmem:s20+$0x8820];
	v20 =	vmul.f32 v20, v20;
	v21 =	vmul.f32 v21, v21  }
0xb7: {  	v10 =	vadd.f32 v15, v10;
	v15 =	vld [tilespmem:s20+$0x8830];
	v8 =	vadd.f32 v11, v8;
	v11 =	vmul.f32 v22, v22  }
0xb8: {  	v63 =	vld [tilespmem:s20+$0x8860];
	v18 =	vadd.f32 v19, v18;
	v19 =	vadd.f32 v21, v20;
	v20 =	vmul.f32 v23, v23  }
0xb9: {  	v10 =	vadd.f32 v14, v10;
	v14 =	vmul.f32 v24, v24;
	v8 =	vadd.f32 v17, v8;
	v17 =	vld [tilespmem:s20+$0x8870]  }
0xba: {  	v11 =	vadd.f32 v11, v18;
	v18 =	vadd.f32 v20, v19;
	v19 =	vmul.f32 v25, v25;
	v20 =	vld [tilespmem:s20+$0x8C20]  }
0xbb: {  	v9 =	vadd.f32 v9, v10;
	v10 =	vmul.f32 v26, v26;
	v8 =	vadd.f32 v13, v8;
	v13 =	vld [tilespmem:s20+$0x8C30]  }
0xbc: {  	v15 =	vmul.f32 v15, v15;
	v11 =	vadd.f32 v14, v11;
	v14 =	vadd.f32 v19, v18;
	v18 =	vld [tilespmem:s20+$0x8C60]  }
0xbd: {  	v9 =	vadd.f32 v12, v9;
	v12 =	vmul.f32 v63, v63;
	v8 =	vadd.f32 v16, v8;
	v16 =	vld [tilespmem:s20+$0x8C70]  }
0xbe: {  	v10 =	vadd.f32 v10, v11;
	v11 =	vadd.f32 v15, v14;
	v14 =	vmul.f32 v17, v17  }
0xbf: {  	v6 =	vadd.f32 v6, v9;
	v7 =	vadd.f32 v7, v8;
	v8 =	vmul.f32 v20, v20  }
0xc0: {  	v9 =	vadd.f32 v12, v10;
	v10 =	vadd.f32 v14, v11;
	v11 =	vmul.f32 v13, v13  }
0xc1: {  	v4 =	vadd.f32 v4, v6;
	v5 =	vadd.f32 v5, v7;
	v6 =	vmul.f32 v18, v18  }
0xc2: {  	v7 =	vadd.f32 v8, v9;
	v9 =	vmul.f32 v16, v16;
	v8 =	vadd.f32 v11, v10  }
0xc3: {  	v2 =	vadd.f32 v2, v4;
	v3 =	vadd.f32 v3, v5  }
0xc4: {  	v4 =	vadd.f32 v6, v7;
	v5 =	vadd.f32 v9, v8;
	_ =	sdelay $0x1  }
0xc5: {  	v2 =	vadd.f32 v3, v2;
	v3 =	vadd.f32 v5, v4;
	_ =	sdelay $0x1  }
0xc6: {  	v2 =	vadd.f32 v3, v2;
	_ =	sdelay $0x1  }
0xc7: {  	v1 =	vadd.f32 v2, v1;
	_ =	sdelay $0x1  }
0xc8: {  	s19 =	simm.s32 $0x0;
	[tilespmem:$0x10000] =	vst v1  }
0xc9: {  	[tilespmem:s13], [sflag:$0x2] =	stream.linear.gather [hbm4b:s6+s19], $0x8000, $0x38;
	[tilespmem:$0x10080] =	vst v63  }
0xca: {  	_ =	swait.ge [sflag:s14], $0x8000  }
0xcb: {  	[sflag:s14] =	ssyncset.done $0x0  }
0xcc: {  	s31 =	sand.u32 $0x7000, s19;
	s21 =	sand.u32 $0x380, s19;
	[sflag:s14] =	ssyncadd.s32 $0xFFFF8000  }
0xcd: {  	s20 =	sor.u32 s21, s31;
	v1 =	vld [tilespmem:$0x10000]  }
0xce: {  	v2 =	vld [tilespmem:s20+$0xC40]  }
0xcf: {  	v3 =	vld [tilespmem:s20+$0xC50]  }
0xd0: {  	v4 =	vld [tilespmem:s20+$0xC00]  }
0xd1: {  	v5 =	vld [tilespmem:s20+$0xC10]  }
0xd2: {  	v6 =	vld [tilespmem:s20+$0x840]  }
0xd3: {  	v7 =	vld [tilespmem:s20+$0x850]  }
0xd4: {  	v12 =	vld [tilespmem:s20+$0x800]  }
0xd5: {  	v16 =	vld [tilespmem:s20+$0x810]  }
0xd6: {  	v9 =	vld [tilespmem:s20+$0x440]  }
0xd7: {  	v13 =	vld [tilespmem:s20+$0x450]  }
0xd8: {  	v14 =	vld [tilespmem:s20+$0x400]  }
0xd9: {  	v17 =	vld [tilespmem:s20+$0x410]  }
0xda: {  	v10 =	vld [tilespmem:s20+$0x0]  }
0xdb: {  	v15 =	vld [tilespmem:s20+$0x40]  }
0xdc: {  	v8 =	vld [tilespmem:s20+$0x10]  }
0xdd: {  	v11 =	vld [tilespmem:s20+$0x50];
	v2 =	vmul.f32 v2, v2;
	v3 =	vmul.f32 v3, v3  }
0xde: {  	v18 =	vld [tilespmem:s20+$0x20];
	v4 =	vmul.f32 v4, v4;
	v5 =	vmul.f32 v5, v5  }
0xdf: {  	s21 =	simm.s32 $0x200;
	v19 =	vld [tilespmem:s20+$0x60];
	v6 =	vmul.f32 v6, v6;
	v7 =	vmul.f32 v7, v7  }
.LBB2_6:
0xe0: {  	p0 =	sne.s32 s21, $0x7E00;
	v20 =	vld [tilespmem:s20+$0x30];
	v12 =	vmul.f32 v12, v12;
	v16 =	vmul.f32 v16, v16  }
0xe1: {  	v9 =	vmul.f32 v9, v9;
	v13 =	vmul.f32 v13, v13;
	v21 =	vld [tilespmem:s20+$0x70]  }
0xe2: {  	v14 =	vmul.f32 v14, v14;
	v17 =	vmul.f32 v17, v17;
	v22 =	vld [tilespmem:s20+$0x420]  }
0xe3: {  	v10 =	vmul.f32 v10, v10;
	v15 =	vmul.f32 v15, v15;
	v23 =	vld [tilespmem:s20+$0x430]  }
0xe4: {  	v8 =	vmul.f32 v8, v8;
	v11 =	vmul.f32 v11, v11;
	v24 =	vld [tilespmem:s20+$0x460]  }
0xe5: {  	v18 =	vmul.f32 v18, v18;
	v19 =	vmul.f32 v19, v19;
	v25 =	vld [tilespmem:s20+$0x470]  }
0xe6: {  	v20 =	vmul.f32 v20, v20;
	v21 =	vmul.f32 v21, v21;
	v26 =	vld [tilespmem:s20+$0x820]  }
0xe7: {  	v10 =	vadd.f32 v15, v10;
	v8 =	vadd.f32 v11, v8;
	v11 =	vmul.f32 v22, v22;
	v15 =	vld [tilespmem:s20+$0x830]  }
0xe8: {  	v18 =	vadd.f32 v19, v18;
	v19 =	vadd.f32 v21, v20;
	v20 =	vmul.f32 v23, v23;
	v21 =	vld [tilespmem:s20+$0x860]  }
0xe9: {  	v10 =	vadd.f32 v14, v10;
	v8 =	vadd.f32 v17, v8;
	v14 =	vmul.f32 v24, v24;
	v17 =	vld [tilespmem:s20+$0x870]  }
0xea: {  	v11 =	vadd.f32 v11, v18;
	v18 =	vadd.f32 v20, v19;
	v19 =	vmul.f32 v25, v25;
	v20 =	vld [tilespmem:s20+$0xC20]  }
0xeb: {  	v9 =	vadd.f32 v9, v10;
	v8 =	vadd.f32 v13, v8;
	v10 =	vmul.f32 v26, v26;
	v13 =	vld [tilespmem:s20+$0xC30]  }
0xec: {  	v11 =	vadd.f32 v14, v11;
	v14 =	vadd.f32 v19, v18;
	v15 =	vmul.f32 v15, v15;
	v18 =	vld [tilespmem:s20+$0xC60]  }
0xed: {  	v9 =	vadd.f32 v12, v9;
	v8 =	vadd.f32 v16, v8;
	v12 =	vmul.f32 v21, v21;
	v16 =	vld [tilespmem:s20+$0xC70]  }
0xee: {  	v10 =	vadd.f32 v10, v11;
	v11 =	vadd.f32 v15, v14;
	v14 =	vmul.f32 v17, v17  }
0xef: {  	v6 =	vadd.f32 v6, v9;
	v7 =	vadd.f32 v7, v8;
	v8 =	vmul.f32 v20, v20  }
0xf0: {  	v9 =	vadd.f32 v12, v10;
	v10 =	vadd.f32 v14, v11;
	v11 =	vmul.f32 v13, v13  }
0xf1: {  	v4 =	vadd.f32 v4, v6;
	v5 =	vadd.f32 v5, v7;
	v6 =	vmul.f32 v18, v18  }
0xf2: {  	v7 =	vadd.f32 v8, v9;
	v8 =	vadd.f32 v11, v10;
	v9 =	vmul.f32 v16, v16  }
0xf3: {  	v2 =	vadd.f32 v2, v4;
	v3 =	vadd.f32 v3, v5  }
0xf4: {  	v4 =	vadd.f32 v6, v7;
	v5 =	vadd.f32 v9, v8;
	_ =	sdelay $0x1  }
0xf5: {  	v2 =	vadd.f32 v3, v2;
	v3 =	vadd.f32 v5, v4;
	_ =	sdelay $0x1  }
0xf6: {  	v2 =	vadd.f32 v3, v2;
	_ =	sdelay $0x1  }
0xf7: {  	s19 =	sadd.s32 $0x80, s19;
	v1 =	vadd.f32 v2, v1  }
0xf8: {  	s22 =	sand.u32 $0x380, s19;
	s20 =	sand.u32 $0x7000, s21  }
0xf9: {  	s20 =	sor.u32 s22, s20;
	[tilespmem:$0x10000] =	vst v1  }
0xfa: {  	v2 =	vld [tilespmem:s20+$0xC40]  }
0xfb: {  	v3 =	vld [tilespmem:s20+$0xC50]  }
0xfc: {  	v4 =	vld [tilespmem:s20+$0xC00]  }
0xfd: {  	v5 =	vld [tilespmem:s20+$0xC10]  }
0xfe: {  	v6 =	vld [tilespmem:s20+$0x840]  }
0xff: {  	v7 =	vld [tilespmem:s20+$0x850]  }
0x100: {  	v12 =	vld [tilespmem:s20+$0x800]  }
0x101: {  	v16 =	vld [tilespmem:s20+$0x810]  }
0x102: {  	v9 =	vld [tilespmem:s20+$0x440]  }
0x103: {  	v13 =	vld [tilespmem:s20+$0x450]  }
0x104: {  	v14 =	vld [tilespmem:s20+$0x400]  }
0x105: {  	v17 =	vld [tilespmem:s20+$0x410]  }
0x106: {  	v10 =	vld [tilespmem:s20+$0x0]  }
.Ltmp2:
0x107: {  	v15 =	vld [tilespmem:s20+$0x40];
	(pc) =	sbr.rel @p0 .LBB2_6-.Ltmp2, $4  }
0x108: {  	v8 =	vld [tilespmem:s20+$0x10]  }
0x109: {  	v2 =	vmul.f32 v2, v2;
	v3 =	vmul.f32 v3, v3;
	v11 =	vld [tilespmem:s20+$0x50]  }
0x10a: {  	v4 =	vmul.f32 v4, v4;
	v5 =	vmul.f32 v5, v5;
	v18 =	vld [tilespmem:s20+$0x20]  }
0x10b: {  	s21 =	sadd.s32 $0x200, s21;
	v6 =	vmul.f32 v6, v6;
	v7 =	vmul.f32 v7, v7;
	v19 =	vld [tilespmem:s20+$0x60]  }
0x10c: {  	v20 =	vld [tilespmem:s20+$0x30];
	v12 =	vmul.f32 v12, v12;
	v16 =	vmul.f32 v16, v16  }
0x10d: {  	v21 =	vld [tilespmem:s20+$0x70];
	v9 =	vmul.f32 v9, v9;
	v13 =	vmul.f32 v13, v13  }
0x10e: {  	v14 =	vmul.f32 v14, v14;
	v17 =	vmul.f32 v17, v17;
	v22 =	vld [tilespmem:s20+$0x420]  }
0x10f: {  	v10 =	vmul.f32 v10, v10;
	v15 =	vmul.f32 v15, v15;
	v23 =	vld [tilespmem:s20+$0x430]  }
0x110: {  	v24 =	vld [tilespmem:s20+$0x460];
	v8 =	vmul.f32 v8, v8;
	v11 =	vmul.f32 v11, v11  }
0x111: {  	v25 =	vld [tilespmem:s20+$0x470];
	v18 =	vmul.f32 v18, v18;
	v19 =	vmul.f32 v19, v19  }
0x112: {  	v26 =	vld [tilespmem:s20+$0x820];
	v20 =	vmul.f32 v20, v20;
	v21 =	vmul.f32 v21, v21  }
0x113: {  	v10 =	vadd.f32 v15, v10;
	v15 =	vld [tilespmem:s20+$0x830];
	v8 =	vadd.f32 v11, v8;
	v11 =	vmul.f32 v22, v22  }
0x114: {  	v63 =	vld [tilespmem:s20+$0x860];
	v18 =	vadd.f32 v19, v18;
	v19 =	vadd.f32 v21, v20;
	v20 =	vmul.f32 v23, v23  }
0x115: {  	v10 =	vadd.f32 v14, v10;
	v14 =	vmul.f32 v24, v24;
	v8 =	vadd.f32 v17, v8;
	v17 =	vld [tilespmem:s20+$0x870]  }
0x116: {  	v11 =	vadd.f32 v11, v18;
	v18 =	vadd.f32 v20, v19;
	v19 =	vmul.f32 v25, v25;
	v20 =	vld [tilespmem:s20+$0xC20]  }
0x117: {  	v9 =	vadd.f32 v9, v10;
	v10 =	vmul.f32 v26, v26;
	v8 =	vadd.f32 v13, v8;
	v13 =	vld [tilespmem:s20+$0xC30]  }
0x118: {  	v15 =	vmul.f32 v15, v15;
	v11 =	vadd.f32 v14, v11;
	v14 =	vadd.f32 v19, v18;
	v18 =	vld [tilespmem:s20+$0xC60]  }
0x119: {  	v9 =	vadd.f32 v12, v9;
	v12 =	vmul.f32 v63, v63;
	v8 =	vadd.f32 v16, v8;
	v16 =	vld [tilespmem:s20+$0xC70]  }
0x11a: {  	v10 =	vadd.f32 v10, v11;
	v11 =	vadd.f32 v15, v14;
	v14 =	vmul.f32 v17, v17  }
0x11b: {  	v6 =	vadd.f32 v6, v9;
	v7 =	vadd.f32 v7, v8;
	v8 =	vmul.f32 v20, v20  }
0x11c: {  	v9 =	vadd.f32 v12, v10;
	v10 =	vadd.f32 v14, v11;
	v11 =	vmul.f32 v13, v13  }
0x11d: {  	v4 =	vadd.f32 v4, v6;
	v5 =	vadd.f32 v5, v7;
	v6 =	vmul.f32 v18, v18  }
0x11e: {  	v7 =	vadd.f32 v8, v9;
	v9 =	vmul.f32 v16, v16;
	v8 =	vadd.f32 v11, v10  }
0x11f: {  	v2 =	vadd.f32 v2, v4;
	v3 =	vadd.f32 v3, v5  }
0x120: {  	v4 =	vadd.f32 v6, v7;
	v5 =	vadd.f32 v9, v8;
	_ =	sdelay $0x1  }
0x121: {  	v2 =	vadd.f32 v3, v2;
	v3 =	vadd.f32 v5, v4;
	_ =	sdelay $0x1  }
0x122: {  	v2 =	vadd.f32 v3, v2;
	_ =	sdelay $0x1  }
0x123: {  	v1 =	vadd.f32 v2, v1;
	_ =	sdelay $0x1  }
0x124: {  	s19 =	simm.s32 $0x0;
	[tilespmem:$0x10000] =	vst v1  }
0x125: {  	[tilespmem:s19], [sflag:$0x1] =	stream.linear.gather [hbm4b:s7+s19], $0x8000, $0x38;
	[tilespmem:$0x10080] =	vst v63  }
0x126: {  	_ =	swait.ge [sflag:s15], $0x8000  }
0x127: {  	[sflag:s15] =	ssyncset.done $0x0  }
0x128: {  	s31 =	sand.u32 $0x7000, s19;
	s21 =	sand.u32 $0x380, s19;
	[sflag:s15] =	ssyncadd.s32 $0xFFFF8000  }
0x129: {  	s20 =	sor.u32 s21, s31;
	v1 =	vld [tilespmem:$0x10000]  }
0x12a: {  	v2 =	vld [tilespmem:s20+$0x8C40]  }
0x12b: {  	v3 =	vld [tilespmem:s20+$0x8C50]  }
0x12c: {  	v4 =	vld [tilespmem:s20+$0x8C00]  }
0x12d: {  	v5 =	vld [tilespmem:s20+$0x8C10]  }
0x12e: {  	v6 =	vld [tilespmem:s20+$0x8840]  }
0x12f: {  	v7 =	vld [tilespmem:s20+$0x8850]  }
0x130: {  	v12 =	vld [tilespmem:s20+$0x8800]  }
0x131: {  	v16 =	vld [tilespmem:s20+$0x8810]  }
0x132: {  	v9 =	vld [tilespmem:s20+$0x8440]  }
0x133: {  	v13 =	vld [tilespmem:s20+$0x8450]  }
0x134: {  	v14 =	vld [tilespmem:s20+$0x8400]  }
0x135: {  	v17 =	vld [tilespmem:s20+$0x8410]  }
0x136: {  	v10 =	vld [tilespmem:s20+$0x8000]  }
0x137: {  	v15 =	vld [tilespmem:s20+$0x8040]  }
0x138: {  	v8 =	vld [tilespmem:s20+$0x8010]  }
0x139: {  	v11 =	vld [tilespmem:s20+$0x8050];
	v2 =	vmul.f32 v2, v2;
	v3 =	vmul.f32 v3, v3  }
0x13a: {  	v18 =	vld [tilespmem:s20+$0x8020];
	v4 =	vmul.f32 v4, v4;
	v5 =	vmul.f32 v5, v5  }
0x13b: {  	s21 =	simm.s32 $0x200;
	v19 =	vld [tilespmem:s20+$0x8060];
	v6 =	vmul.f32 v6, v6;
	v7 =	vmul.f32 v7, v7  }
.LBB2_8:
0x13c: {  	p0 =	sne.s32 s21, $0x7E00;
	v20 =	vld [tilespmem:s20+$0x8030];
	v12 =	vmul.f32 v12, v12;
	v16 =	vmul.f32 v16, v16  }
0x13d: {  	v9 =	vmul.f32 v9, v9;
	v13 =	vmul.f32 v13, v13;
	v21 =	vld [tilespmem:s20+$0x8070]  }
0x13e: {  	v14 =	vmul.f32 v14, v14;
	v17 =	vmul.f32 v17, v17;
	v22 =	vld [tilespmem:s20+$0x8420]  }
0x13f: {  	v10 =	vmul.f32 v10, v10;
	v15 =	vmul.f32 v15, v15;
	v23 =	vld [tilespmem:s20+$0x8430]  }
0x140: {  	v8 =	vmul.f32 v8, v8;
	v11 =	vmul.f32 v11, v11;
	v24 =	vld [tilespmem:s20+$0x8460]  }
0x141: {  	v18 =	vmul.f32 v18, v18;
	v19 =	vmul.f32 v19, v19;
	v25 =	vld [tilespmem:s20+$0x8470]  }
0x142: {  	v20 =	vmul.f32 v20, v20;
	v21 =	vmul.f32 v21, v21;
	v26 =	vld [tilespmem:s20+$0x8820]  }
0x143: {  	v10 =	vadd.f32 v15, v10;
	v8 =	vadd.f32 v11, v8;
	v11 =	vmul.f32 v22, v22;
	v15 =	vld [tilespmem:s20+$0x8830]  }
0x144: {  	v18 =	vadd.f32 v19, v18;
	v19 =	vadd.f32 v21, v20;
	v20 =	vmul.f32 v23, v23;
	v21 =	vld [tilespmem:s20+$0x8860]  }
0x145: {  	v10 =	vadd.f32 v14, v10;
	v8 =	vadd.f32 v17, v8;
	v14 =	vmul.f32 v24, v24;
	v17 =	vld [tilespmem:s20+$0x8870]  }
0x146: {  	v11 =	vadd.f32 v11, v18;
	v18 =	vadd.f32 v20, v19;
	v19 =	vmul.f32 v25, v25;
	v20 =	vld [tilespmem:s20+$0x8C20]  }
0x147: {  	v9 =	vadd.f32 v9, v10;
	v8 =	vadd.f32 v13, v8;
	v10 =	vmul.f32 v26, v26;
	v13 =	vld [tilespmem:s20+$0x8C30]  }
0x148: {  	v11 =	vadd.f32 v14, v11;
	v14 =	vadd.f32 v19, v18;
	v15 =	vmul.f32 v15, v15;
	v18 =	vld [tilespmem:s20+$0x8C60]  }
0x149: {  	v9 =	vadd.f32 v12, v9;
	v8 =	vadd.f32 v16, v8;
	v12 =	vmul.f32 v21, v21;
	v16 =	vld [tilespmem:s20+$0x8C70]  }
0x14a: {  	v10 =	vadd.f32 v10, v11;
	v11 =	vadd.f32 v15, v14;
	v14 =	vmul.f32 v17, v17  }
0x14b: {  	v6 =	vadd.f32 v6, v9;
	v7 =	vadd.f32 v7, v8;
	v8 =	vmul.f32 v20, v20  }
0x14c: {  	v9 =	vadd.f32 v12, v10;
	v10 =	vadd.f32 v14, v11;
	v11 =	vmul.f32 v13, v13  }
0x14d: {  	v4 =	vadd.f32 v4, v6;
	v5 =	vadd.f32 v5, v7;
	v6 =	vmul.f32 v18, v18  }
0x14e: {  	v7 =	vadd.f32 v8, v9;
	v8 =	vadd.f32 v11, v10;
	v9 =	vmul.f32 v16, v16  }
0x14f: {  	v2 =	vadd.f32 v2, v4;
	v3 =	vadd.f32 v3, v5  }
0x150: {  	v4 =	vadd.f32 v6, v7;
	v5 =	vadd.f32 v9, v8;
	_ =	sdelay $0x1  }
0x151: {  	v2 =	vadd.f32 v3, v2;
	v3 =	vadd.f32 v5, v4;
	_ =	sdelay $0x1  }
0x152: {  	v2 =	vadd.f32 v3, v2;
	_ =	sdelay $0x1  }
0x153: {  	s19 =	sadd.s32 $0x80, s19;
	v1 =	vadd.f32 v2, v1  }
0x154: {  	s22 =	sand.u32 $0x380, s19;
	s20 =	sand.u32 $0x7000, s21  }
0x155: {  	s20 =	sor.u32 s22, s20;
	[tilespmem:$0x10000] =	vst v1  }
0x156: {  	v2 =	vld [tilespmem:s20+$0x8C40]  }
0x157: {  	v3 =	vld [tilespmem:s20+$0x8C50]  }
0x158: {  	v4 =	vld [tilespmem:s20+$0x8C00]  }
0x159: {  	v5 =	vld [tilespmem:s20+$0x8C10]  }
0x15a: {  	v6 =	vld [tilespmem:s20+$0x8840]  }
0x15b: {  	v7 =	vld [tilespmem:s20+$0x8850]  }
0x15c: {  	v12 =	vld [tilespmem:s20+$0x8800]  }
0x15d: {  	v16 =	vld [tilespmem:s20+$0x8810]  }
0x15e: {  	v9 =	vld [tilespmem:s20+$0x8440]  }
0x15f: {  	v13 =	vld [tilespmem:s20+$0x8450]  }
0x160: {  	v14 =	vld [tilespmem:s20+$0x8400]  }
0x161: {  	v17 =	vld [tilespmem:s20+$0x8410]  }
0x162: {  	v10 =	vld [tilespmem:s20+$0x8000]  }
.Ltmp3:
0x163: {  	v15 =	vld [tilespmem:s20+$0x8040];
	(pc) =	sbr.rel @p0 .LBB2_8-.Ltmp3, $4  }
0x164: {  	v8 =	vld [tilespmem:s20+$0x8010]  }
0x165: {  	v2 =	vmul.f32 v2, v2;
	v3 =	vmul.f32 v3, v3;
	v11 =	vld [tilespmem:s20+$0x8050]  }
0x166: {  	v4 =	vmul.f32 v4, v4;
	v5 =	vmul.f32 v5, v5;
	v18 =	vld [tilespmem:s20+$0x8020]  }
0x167: {  	s21 =	sadd.s32 $0x200, s21;
	v6 =	vmul.f32 v6, v6;
	v7 =	vmul.f32 v7, v7;
	v19 =	vld [tilespmem:s20+$0x8060]  }
0x168: {  	v20 =	vld [tilespmem:s20+$0x8030];
	v12 =	vmul.f32 v12, v12;
	v16 =	vmul.f32 v16, v16  }
0x169: {  	v21 =	vld [tilespmem:s20+$0x8070];
	v9 =	vmul.f32 v9, v9;
	v13 =	vmul.f32 v13, v13  }
0x16a: {  	v14 =	vmul.f32 v14, v14;
	v17 =	vmul.f32 v17, v17;
	v22 =	vld [tilespmem:s20+$0x8420]  }
0x16b: {  	v10 =	vmul.f32 v10, v10;
	v15 =	vmul.f32 v15, v15;
	v23 =	vld [tilespmem:s20+$0x8430]  }
0x16c: {  	v24 =	vld [tilespmem:s20+$0x8460];
	v8 =	vmul.f32 v8, v8;
	v11 =	vmul.f32 v11, v11  }
0x16d: {  	v25 =	vld [tilespmem:s20+$0x8470];
	v18 =	vmul.f32 v18, v18;
	v19 =	vmul.f32 v19, v19  }
0x16e: {  	v26 =	vld [tilespmem:s20+$0x8820];
	v20 =	vmul.f32 v20, v20;
	v21 =	vmul.f32 v21, v21  }
0x16f: {  	v10 =	vadd.f32 v15, v10;
	v15 =	vld [tilespmem:s20+$0x8830];
	v8 =	vadd.f32 v11, v8;
	v11 =	vmul.f32 v22, v22  }
0x170: {  	v63 =	vld [tilespmem:s20+$0x8860];
	v18 =	vadd.f32 v19, v18;
	v19 =	vadd.f32 v21, v20;
	v20 =	vmul.f32 v23, v23  }
0x171: {  	v10 =	vadd.f32 v14, v10;
	v14 =	vmul.f32 v24, v24;
	v8 =	vadd.f32 v17, v8;
	v17 =	vld [tilespmem:s20+$0x8870]  }
0x172: {  	v11 =	vadd.f32 v11, v18;
	v18 =	vadd.f32 v20, v19;
	v19 =	vmul.f32 v25, v25;
	v20 =	vld [tilespmem:s20+$0x8C20]  }
0x173: {  	v9 =	vadd.f32 v9, v10;
	v10 =	vmul.f32 v26, v26;
	v8 =	vadd.f32 v13, v8;
	v13 =	vld [tilespmem:s20+$0x8C30]  }
0x174: {  	v15 =	vmul.f32 v15, v15;
	v11 =	vadd.f32 v14, v11;
	v14 =	vadd.f32 v19, v18;
	v18 =	vld [tilespmem:s20+$0x8C60]  }
0x175: {  	v9 =	vadd.f32 v12, v9;
	v12 =	vmul.f32 v63, v63;
	v8 =	vadd.f32 v16, v8;
	v16 =	vld [tilespmem:s20+$0x8C70]  }
0x176: {  	v10 =	vadd.f32 v10, v11;
	v11 =	vadd.f32 v15, v14;
	v14 =	vmul.f32 v17, v17  }
0x177: {  	v6 =	vadd.f32 v6, v9;
	v7 =	vadd.f32 v7, v8;
	v8 =	vmul.f32 v20, v20  }
0x178: {  	v9 =	vadd.f32 v12, v10;
	v10 =	vadd.f32 v14, v11;
	v11 =	vmul.f32 v13, v13  }
0x179: {  	v4 =	vadd.f32 v4, v6;
	v5 =	vadd.f32 v5, v7;
	v6 =	vmul.f32 v18, v18  }
0x17a: {  	v7 =	vadd.f32 v8, v9;
	v9 =	vmul.f32 v16, v16;
	v8 =	vadd.f32 v11, v10  }
0x17b: {  	v2 =	vadd.f32 v2, v4;
	v3 =	vadd.f32 v3, v5  }
0x17c: {  	v4 =	vadd.f32 v6, v7;
	v5 =	vadd.f32 v9, v8;
	_ =	sdelay $0x1  }
0x17d: {  	v2 =	vadd.f32 v3, v2;
	v3 =	vadd.f32 v5, v4;
	_ =	sdelay $0x1  }
0x17e: {  	v2 =	vadd.f32 v3, v2;
	_ =	sdelay $0x1  }
0x17f: {  	v1 =	vadd.f32 v2, v1;
	_ =	sdelay $0x1  }
0x180: {  	s19 =	simm.s32 $0x0;
	[tilespmem:$0x10000] =	vst v1  }
0x181: {  	[tilespmem:s13], [sflag:$0x2] =	stream.linear.gather [hbm4b:s8+s19], $0x8000, $0x38;
	[tilespmem:$0x10080] =	vst v63  }
0x182: {  	_ =	swait.ge [sflag:s14], $0x8000  }
0x183: {  	[sflag:s14] =	ssyncset.done $0x0  }
0x184: {  	s31 =	sand.u32 $0x7000, s19;
	s21 =	sand.u32 $0x380, s19;
	[sflag:s14] =	ssyncadd.s32 $0xFFFF8000  }
0x185: {  	s20 =	sor.u32 s21, s31;
	v1 =	vld [tilespmem:$0x10000]  }
0x186: {  	v2 =	vld [tilespmem:s20+$0xC40]  }
0x187: {  	v3 =	vld [tilespmem:s20+$0xC50]  }
0x188: {  	v4 =	vld [tilespmem:s20+$0xC00]  }
0x189: {  	v5 =	vld [tilespmem:s20+$0xC10]  }
0x18a: {  	v6 =	vld [tilespmem:s20+$0x840]  }
0x18b: {  	v7 =	vld [tilespmem:s20+$0x850]  }
0x18c: {  	v12 =	vld [tilespmem:s20+$0x800]  }
0x18d: {  	v16 =	vld [tilespmem:s20+$0x810]  }
0x18e: {  	v9 =	vld [tilespmem:s20+$0x440]  }
0x18f: {  	v13 =	vld [tilespmem:s20+$0x450]  }
0x190: {  	v14 =	vld [tilespmem:s20+$0x400]  }
0x191: {  	v17 =	vld [tilespmem:s20+$0x410]  }
0x192: {  	v10 =	vld [tilespmem:s20+$0x0]  }
0x193: {  	v15 =	vld [tilespmem:s20+$0x40]  }
0x194: {  	v8 =	vld [tilespmem:s20+$0x10]  }
0x195: {  	v11 =	vld [tilespmem:s20+$0x50];
	v2 =	vmul.f32 v2, v2;
	v3 =	vmul.f32 v3, v3  }
0x196: {  	v18 =	vld [tilespmem:s20+$0x20];
	v4 =	vmul.f32 v4, v4;
	v5 =	vmul.f32 v5, v5  }
0x197: {  	s21 =	simm.s32 $0x200;
	v19 =	vld [tilespmem:s20+$0x60];
	v6 =	vmul.f32 v6, v6;
	v7 =	vmul.f32 v7, v7  }
.LBB2_10:
0x198: {  	p0 =	sne.s32 s21, $0x7E00;
	v20 =	vld [tilespmem:s20+$0x30];
	v12 =	vmul.f32 v12, v12;
	v16 =	vmul.f32 v16, v16  }
0x199: {  	v9 =	vmul.f32 v9, v9;
	v13 =	vmul.f32 v13, v13;
	v21 =	vld [tilespmem:s20+$0x70]  }
0x19a: {  	v14 =	vmul.f32 v14, v14;
	v17 =	vmul.f32 v17, v17;
	v22 =	vld [tilespmem:s20+$0x420]  }
0x19b: {  	v10 =	vmul.f32 v10, v10;
	v15 =	vmul.f32 v15, v15;
	v23 =	vld [tilespmem:s20+$0x430]  }
0x19c: {  	v8 =	vmul.f32 v8, v8;
	v11 =	vmul.f32 v11, v11;
	v24 =	vld [tilespmem:s20+$0x460]  }
0x19d: {  	v18 =	vmul.f32 v18, v18;
	v19 =	vmul.f32 v19, v19;
	v25 =	vld [tilespmem:s20+$0x470]  }
0x19e: {  	v20 =	vmul.f32 v20, v20;
	v21 =	vmul.f32 v21, v21;
	v26 =	vld [tilespmem:s20+$0x820]  }
0x19f: {  	v10 =	vadd.f32 v15, v10;
	v8 =	vadd.f32 v11, v8;
	v11 =	vmul.f32 v22, v22;
	v15 =	vld [tilespmem:s20+$0x830]  }
0x1a0: {  	v18 =	vadd.f32 v19, v18;
	v19 =	vadd.f32 v21, v20;
	v20 =	vmul.f32 v23, v23;
	v21 =	vld [tilespmem:s20+$0x860]  }
0x1a1: {  	v10 =	vadd.f32 v14, v10;
	v8 =	vadd.f32 v17, v8;
	v14 =	vmul.f32 v24, v24;
	v17 =	vld [tilespmem:s20+$0x870]  }
0x1a2: {  	v11 =	vadd.f32 v11, v18;
	v18 =	vadd.f32 v20, v19;
	v19 =	vmul.f32 v25, v25;
	v20 =	vld [tilespmem:s20+$0xC20]  }
0x1a3: {  	v9 =	vadd.f32 v9, v10;
	v8 =	vadd.f32 v13, v8;
	v10 =	vmul.f32 v26, v26;
	v13 =	vld [tilespmem:s20+$0xC30]  }
0x1a4: {  	v11 =	vadd.f32 v14, v11;
	v14 =	vadd.f32 v19, v18;
	v15 =	vmul.f32 v15, v15;
	v18 =	vld [tilespmem:s20+$0xC60]  }
0x1a5: {  	v9 =	vadd.f32 v12, v9;
	v8 =	vadd.f32 v16, v8;
	v12 =	vmul.f32 v21, v21;
	v16 =	vld [tilespmem:s20+$0xC70]  }
0x1a6: {  	v10 =	vadd.f32 v10, v11;
	v11 =	vadd.f32 v15, v14;
	v14 =	vmul.f32 v17, v17  }
0x1a7: {  	v6 =	vadd.f32 v6, v9;
	v7 =	vadd.f32 v7, v8;
	v8 =	vmul.f32 v20, v20  }
0x1a8: {  	v9 =	vadd.f32 v12, v10;
	v10 =	vadd.f32 v14, v11;
	v11 =	vmul.f32 v13, v13  }
0x1a9: {  	v4 =	vadd.f32 v4, v6;
	v5 =	vadd.f32 v5, v7;
	v6 =	vmul.f32 v18, v18  }
0x1aa: {  	v7 =	vadd.f32 v8, v9;
	v8 =	vadd.f32 v11, v10;
	v9 =	vmul.f32 v16, v16  }
0x1ab: {  	v2 =	vadd.f32 v2, v4;
	v3 =	vadd.f32 v3, v5  }
0x1ac: {  	v4 =	vadd.f32 v6, v7;
	v5 =	vadd.f32 v9, v8;
	_ =	sdelay $0x1  }
0x1ad: {  	v2 =	vadd.f32 v3, v2;
	v3 =	vadd.f32 v5, v4;
	_ =	sdelay $0x1  }
0x1ae: {  	v2 =	vadd.f32 v3, v2;
	_ =	sdelay $0x1  }
0x1af: {  	s19 =	sadd.s32 $0x80, s19;
	v1 =	vadd.f32 v2, v1  }
0x1b0: {  	s22 =	sand.u32 $0x380, s19;
	s20 =	sand.u32 $0x7000, s21  }
0x1b1: {  	s20 =	sor.u32 s22, s20;
	[tilespmem:$0x10000] =	vst v1  }
0x1b2: {  	v2 =	vld [tilespmem:s20+$0xC40]  }
0x1b3: {  	v3 =	vld [tilespmem:s20+$0xC50]  }
0x1b4: {  	v4 =	vld [tilespmem:s20+$0xC00]  }
0x1b5: {  	v5 =	vld [tilespmem:s20+$0xC10]  }
0x1b6: {  	v6 =	vld [tilespmem:s20+$0x840]  }
0x1b7: {  	v7 =	vld [tilespmem:s20+$0x850]  }
0x1b8: {  	v12 =	vld [tilespmem:s20+$0x800]  }
0x1b9: {  	v16 =	vld [tilespmem:s20+$0x810]  }
0x1ba: {  	v9 =	vld [tilespmem:s20+$0x440]  }
0x1bb: {  	v13 =	vld [tilespmem:s20+$0x450]  }
0x1bc: {  	v14 =	vld [tilespmem:s20+$0x400]  }
0x1bd: {  	v17 =	vld [tilespmem:s20+$0x410]  }
0x1be: {  	v10 =	vld [tilespmem:s20+$0x0]  }
.Ltmp4:
0x1bf: {  	v15 =	vld [tilespmem:s20+$0x40];
	(pc) =	sbr.rel @p0 .LBB2_10-.Ltmp4, $4  }
0x1c0: {  	v8 =	vld [tilespmem:s20+$0x10]  }
0x1c1: {  	v2 =	vmul.f32 v2, v2;
	v3 =	vmul.f32 v3, v3;
	v11 =	vld [tilespmem:s20+$0x50]  }
0x1c2: {  	v4 =	vmul.f32 v4, v4;
	v5 =	vmul.f32 v5, v5;
	v18 =	vld [tilespmem:s20+$0x20]  }
0x1c3: {  	s21 =	sadd.s32 $0x200, s21;
	v6 =	vmul.f32 v6, v6;
	v7 =	vmul.f32 v7, v7;
	v19 =	vld [tilespmem:s20+$0x60]  }
0x1c4: {  	v20 =	vld [tilespmem:s20+$0x30];
	v12 =	vmul.f32 v12, v12;
	v16 =	vmul.f32 v16, v16  }
0x1c5: {  	v21 =	vld [tilespmem:s20+$0x70];
	v9 =	vmul.f32 v9, v9;
	v13 =	vmul.f32 v13, v13  }
0x1c6: {  	v14 =	vmul.f32 v14, v14;
	v17 =	vmul.f32 v17, v17;
	v22 =	vld [tilespmem:s20+$0x420]  }
0x1c7: {  	v10 =	vmul.f32 v10, v10;
	v15 =	vmul.f32 v15, v15;
	v23 =	vld [tilespmem:s20+$0x430]  }
0x1c8: {  	v24 =	vld [tilespmem:s20+$0x460];
	v8 =	vmul.f32 v8, v8;
	v11 =	vmul.f32 v11, v11  }
0x1c9: {  	v25 =	vld [tilespmem:s20+$0x470];
	v18 =	vmul.f32 v18, v18;
	v19 =	vmul.f32 v19, v19  }
0x1ca: {  	v26 =	vld [tilespmem:s20+$0x820];
	v20 =	vmul.f32 v20, v20;
	v21 =	vmul.f32 v21, v21  }
0x1cb: {  	v10 =	vadd.f32 v15, v10;
	v15 =	vld [tilespmem:s20+$0x830];
	v8 =	vadd.f32 v11, v8;
	v11 =	vmul.f32 v22, v22  }
0x1cc: {  	v63 =	vld [tilespmem:s20+$0x860];
	v18 =	vadd.f32 v19, v18;
	v19 =	vadd.f32 v21, v20;
	v20 =	vmul.f32 v23, v23  }
0x1cd: {  	v10 =	vadd.f32 v14, v10;
	v14 =	vmul.f32 v24, v24;
	v8 =	vadd.f32 v17, v8;
	v17 =	vld [tilespmem:s20+$0x870]  }
0x1ce: {  	v11 =	vadd.f32 v11, v18;
	v18 =	vadd.f32 v20, v19;
	v19 =	vmul.f32 v25, v25;
	v20 =	vld [tilespmem:s20+$0xC20]  }
0x1cf: {  	v9 =	vadd.f32 v9, v10;
	v10 =	vmul.f32 v26, v26;
	v8 =	vadd.f32 v13, v8;
	v13 =	vld [tilespmem:s20+$0xC30]  }
0x1d0: {  	v15 =	vmul.f32 v15, v15;
	v11 =	vadd.f32 v14, v11;
	v14 =	vadd.f32 v19, v18;
	v18 =	vld [tilespmem:s20+$0xC60]  }
0x1d1: {  	v9 =	vadd.f32 v12, v9;
	v12 =	vmul.f32 v63, v63;
	v8 =	vadd.f32 v16, v8;
	v16 =	vld [tilespmem:s20+$0xC70]  }
0x1d2: {  	v10 =	vadd.f32 v10, v11;
	v11 =	vadd.f32 v15, v14;
	v14 =	vmul.f32 v17, v17  }
0x1d3: {  	v6 =	vadd.f32 v6, v9;
	v7 =	vadd.f32 v7, v8;
	v8 =	vmul.f32 v20, v20  }
0x1d4: {  	v9 =	vadd.f32 v12, v10;
	v10 =	vadd.f32 v14, v11;
	v11 =	vmul.f32 v13, v13  }
0x1d5: {  	v4 =	vadd.f32 v4, v6;
	v5 =	vadd.f32 v5, v7;
	v6 =	vmul.f32 v18, v18  }
0x1d6: {  	v7 =	vadd.f32 v8, v9;
	v9 =	vmul.f32 v16, v16;
	v8 =	vadd.f32 v11, v10  }
0x1d7: {  	v2 =	vadd.f32 v2, v4;
	v3 =	vadd.f32 v3, v5  }
0x1d8: {  	v4 =	vadd.f32 v6, v7;
	v5 =	vadd.f32 v9, v8;
	_ =	sdelay $0x1  }
0x1d9: {  	v2 =	vadd.f32 v3, v2;
	v3 =	vadd.f32 v5, v4;
	_ =	sdelay $0x1  }
0x1da: {  	v2 =	vadd.f32 v3, v2;
	_ =	sdelay $0x1  }
0x1db: {  	v1 =	vadd.f32 v2, v1;
	_ =	sdelay $0x1  }
0x1dc: {  	s19 =	simm.s32 $0x0;
	[tilespmem:$0x10000] =	vst v1  }
0x1dd: {  	[tilespmem:s19], [sflag:$0x1] =	stream.linear.gather [hbm4b:s9+s19], $0x8000, $0x38;
	[tilespmem:$0x10080] =	vst v63  }
0x1de: {  	_ =	swait.ge [sflag:s15], $0x8000  }
0x1df: {  	[sflag:s15] =	ssyncset.done $0x0  }
0x1e0: {  	s31 =	sand.u32 $0x7000, s19;
	s21 =	sand.u32 $0x380, s19;
	[sflag:s15] =	ssyncadd.s32 $0xFFFF8000  }
0x1e1: {  	s20 =	sor.u32 s21, s31;
	v1 =	vld [tilespmem:$0x10000]  }
0x1e2: {  	v2 =	vld [tilespmem:s20+$0x8C40]  }
0x1e3: {  	v3 =	vld [tilespmem:s20+$0x8C50]  }
0x1e4: {  	v4 =	vld [tilespmem:s20+$0x8C00]  }
0x1e5: {  	v5 =	vld [tilespmem:s20+$0x8C10]  }
0x1e6: {  	v6 =	vld [tilespmem:s20+$0x8840]  }
0x1e7: {  	v7 =	vld [tilespmem:s20+$0x8850]  }
0x1e8: {  	v12 =	vld [tilespmem:s20+$0x8800]  }
0x1e9: {  	v16 =	vld [tilespmem:s20+$0x8810]  }
0x1ea: {  	v9 =	vld [tilespmem:s20+$0x8440]  }
0x1eb: {  	v13 =	vld [tilespmem:s20+$0x8450]  }
0x1ec: {  	v14 =	vld [tilespmem:s20+$0x8400]  }
0x1ed: {  	v17 =	vld [tilespmem:s20+$0x8410]  }
0x1ee: {  	v10 =	vld [tilespmem:s20+$0x8000]  }
0x1ef: {  	v15 =	vld [tilespmem:s20+$0x8040]  }
0x1f0: {  	v8 =	vld [tilespmem:s20+$0x8010]  }
0x1f1: {  	v11 =	vld [tilespmem:s20+$0x8050];
	v2 =	vmul.f32 v2, v2;
	v3 =	vmul.f32 v3, v3  }
0x1f2: {  	v18 =	vld [tilespmem:s20+$0x8020];
	v4 =	vmul.f32 v4, v4;
	v5 =	vmul.f32 v5, v5  }
0x1f3: {  	s21 =	simm.s32 $0x200;
	v19 =	vld [tilespmem:s20+$0x8060];
	v6 =	vmul.f32 v6, v6;
	v7 =	vmul.f32 v7, v7  }
.LBB2_12:
0x1f4: {  	p0 =	sne.s32 s21, $0x7E00;
	v20 =	vld [tilespmem:s20+$0x8030];
	v12 =	vmul.f32 v12, v12;
	v16 =	vmul.f32 v16, v16  }
0x1f5: {  	v9 =	vmul.f32 v9, v9;
	v13 =	vmul.f32 v13, v13;
	v21 =	vld [tilespmem:s20+$0x8070]  }
0x1f6: {  	v14 =	vmul.f32 v14, v14;
	v17 =	vmul.f32 v17, v17;
	v22 =	vld [tilespmem:s20+$0x8420]  }
0x1f7: {  	v10 =	vmul.f32 v10, v10;
	v15 =	vmul.f32 v15, v15;
	v23 =	vld [tilespmem:s20+$0x8430]  }
0x1f8: {  	v8 =	vmul.f32 v8, v8;
	v11 =	vmul.f32 v11, v11;
	v24 =	vld [tilespmem:s20+$0x8460]  }
0x1f9: {  	v18 =	vmul.f32 v18, v18;
	v19 =	vmul.f32 v19, v19;
	v25 =	vld [tilespmem:s20+$0x8470]  }
0x1fa: {  	v20 =	vmul.f32 v20, v20;
	v21 =	vmul.f32 v21, v21;
	v26 =	vld [tilespmem:s20+$0x8820]  }
0x1fb: {  	v10 =	vadd.f32 v15, v10;
	v8 =	vadd.f32 v11, v8;
	v11 =	vmul.f32 v22, v22;
	v15 =	vld [tilespmem:s20+$0x8830]  }
0x1fc: {  	v18 =	vadd.f32 v19, v18;
	v19 =	vadd.f32 v21, v20;
	v20 =	vmul.f32 v23, v23;
	v21 =	vld [tilespmem:s20+$0x8860]  }
0x1fd: {  	v10 =	vadd.f32 v14, v10;
	v8 =	vadd.f32 v17, v8;
	v14 =	vmul.f32 v24, v24;
	v17 =	vld [tilespmem:s20+$0x8870]  }
0x1fe: {  	v11 =	vadd.f32 v11, v18;
	v18 =	vadd.f32 v20, v19;
	v19 =	vmul.f32 v25, v25;
	v20 =	vld [tilespmem:s20+$0x8C20]  }
0x1ff: {  	v9 =	vadd.f32 v9, v10;
	v8 =	vadd.f32 v13, v8;
	v10 =	vmul.f32 v26, v26;
	v13 =	vld [tilespmem:s20+$0x8C30]  }
0x200: {  	v11 =	vadd.f32 v14, v11;
	v14 =	vadd.f32 v19, v18;
	v15 =	vmul.f32 v15, v15;
	v18 =	vld [tilespmem:s20+$0x8C60]  }
0x201: {  	v9 =	vadd.f32 v12, v9;
	v8 =	vadd.f32 v16, v8;
	v12 =	vmul.f32 v21, v21;
	v16 =	vld [tilespmem:s20+$0x8C70]  }
0x202: {  	v10 =	vadd.f32 v10, v11;
	v11 =	vadd.f32 v15, v14;
	v14 =	vmul.f32 v17, v17  }
0x203: {  	v6 =	vadd.f32 v6, v9;
	v7 =	vadd.f32 v7, v8;
	v8 =	vmul.f32 v20, v20  }
0x204: {  	v9 =	vadd.f32 v12, v10;
	v10 =	vadd.f32 v14, v11;
	v11 =	vmul.f32 v13, v13  }
0x205: {  	v4 =	vadd.f32 v4, v6;
	v5 =	vadd.f32 v5, v7;
	v6 =	vmul.f32 v18, v18  }
0x206: {  	v7 =	vadd.f32 v8, v9;
	v8 =	vadd.f32 v11, v10;
	v9 =	vmul.f32 v16, v16  }
0x207: {  	v2 =	vadd.f32 v2, v4;
	v3 =	vadd.f32 v3, v5  }
0x208: {  	v4 =	vadd.f32 v6, v7;
	v5 =	vadd.f32 v9, v8;
	_ =	sdelay $0x1  }
0x209: {  	v2 =	vadd.f32 v3, v2;
	v3 =	vadd.f32 v5, v4;
	_ =	sdelay $0x1  }
0x20a: {  	v2 =	vadd.f32 v3, v2;
	_ =	sdelay $0x1  }
0x20b: {  	s19 =	sadd.s32 $0x80, s19;
	v1 =	vadd.f32 v2, v1  }
0x20c: {  	s22 =	sand.u32 $0x380, s19;
	s20 =	sand.u32 $0x7000, s21  }
0x20d: {  	s20 =	sor.u32 s22, s20;
	[tilespmem:$0x10000] =	vst v1  }
0x20e: {  	v2 =	vld [tilespmem:s20+$0x8C40]  }
0x20f: {  	v3 =	vld [tilespmem:s20+$0x8C50]  }
0x210: {  	v4 =	vld [tilespmem:s20+$0x8C00]  }
0x211: {  	v5 =	vld [tilespmem:s20+$0x8C10]  }
0x212: {  	v6 =	vld [tilespmem:s20+$0x8840]  }
0x213: {  	v7 =	vld [tilespmem:s20+$0x8850]  }
0x214: {  	v12 =	vld [tilespmem:s20+$0x8800]  }
0x215: {  	v16 =	vld [tilespmem:s20+$0x8810]  }
0x216: {  	v9 =	vld [tilespmem:s20+$0x8440]  }
0x217: {  	v13 =	vld [tilespmem:s20+$0x8450]  }
0x218: {  	v14 =	vld [tilespmem:s20+$0x8400]  }
0x219: {  	v17 =	vld [tilespmem:s20+$0x8410]  }
0x21a: {  	v10 =	vld [tilespmem:s20+$0x8000]  }
.Ltmp5:
0x21b: {  	v15 =	vld [tilespmem:s20+$0x8040];
	(pc) =	sbr.rel @p0 .LBB2_12-.Ltmp5, $4  }
0x21c: {  	v8 =	vld [tilespmem:s20+$0x8010]  }
0x21d: {  	v2 =	vmul.f32 v2, v2;
	v3 =	vmul.f32 v3, v3;
	v11 =	vld [tilespmem:s20+$0x8050]  }
0x21e: {  	v4 =	vmul.f32 v4, v4;
	v5 =	vmul.f32 v5, v5;
	v18 =	vld [tilespmem:s20+$0x8020]  }
0x21f: {  	s21 =	sadd.s32 $0x200, s21;
	v6 =	vmul.f32 v6, v6;
	v7 =	vmul.f32 v7, v7;
	v19 =	vld [tilespmem:s20+$0x8060]  }
0x220: {  	v20 =	vld [tilespmem:s20+$0x8030];
	v12 =	vmul.f32 v12, v12;
	v16 =	vmul.f32 v16, v16  }
0x221: {  	v21 =	vld [tilespmem:s20+$0x8070];
	v9 =	vmul.f32 v9, v9;
	v13 =	vmul.f32 v13, v13  }
0x222: {  	v14 =	vmul.f32 v14, v14;
	v17 =	vmul.f32 v17, v17;
	v22 =	vld [tilespmem:s20+$0x8420]  }
0x223: {  	v10 =	vmul.f32 v10, v10;
	v15 =	vmul.f32 v15, v15;
	v23 =	vld [tilespmem:s20+$0x8430]  }
0x224: {  	v24 =	vld [tilespmem:s20+$0x8460];
	v8 =	vmul.f32 v8, v8;
	v11 =	vmul.f32 v11, v11  }
0x225: {  	v25 =	vld [tilespmem:s20+$0x8470];
	v18 =	vmul.f32 v18, v18;
	v19 =	vmul.f32 v19, v19  }
0x226: {  	v26 =	vld [tilespmem:s20+$0x8820];
	v20 =	vmul.f32 v20, v20;
	v21 =	vmul.f32 v21, v21  }
0x227: {  	v10 =	vadd.f32 v15, v10;
	v15 =	vld [tilespmem:s20+$0x8830];
	v8 =	vadd.f32 v11, v8;
	v11 =	vmul.f32 v22, v22  }
0x228: {  	v63 =	vld [tilespmem:s20+$0x8860];
	v18 =	vadd.f32 v19, v18;
	v19 =	vadd.f32 v21, v20;
	v20 =	vmul.f32 v23, v23  }
0x229: {  	v10 =	vadd.f32 v14, v10;
	v14 =	vmul.f32 v24, v24;
	v8 =	vadd.f32 v17, v8;
	v17 =	vld [tilespmem:s20+$0x8870]  }
0x22a: {  	v11 =	vadd.f32 v11, v18;
	v18 =	vadd.f32 v20, v19;
	v19 =	vmul.f32 v25, v25;
	v20 =	vld [tilespmem:s20+$0x8C20]  }
0x22b: {  	v9 =	vadd.f32 v9, v10;
	v10 =	vmul.f32 v26, v26;
	v8 =	vadd.f32 v13, v8;
	v13 =	vld [tilespmem:s20+$0x8C30]  }
0x22c: {  	v15 =	vmul.f32 v15, v15;
	v11 =	vadd.f32 v14, v11;
	v14 =	vadd.f32 v19, v18;
	v18 =	vld [tilespmem:s20+$0x8C60]  }
0x22d: {  	v9 =	vadd.f32 v12, v9;
	v12 =	vmul.f32 v63, v63;
	v8 =	vadd.f32 v16, v8;
	v16 =	vld [tilespmem:s20+$0x8C70]  }
0x22e: {  	v10 =	vadd.f32 v10, v11;
	v11 =	vadd.f32 v15, v14;
	v14 =	vmul.f32 v17, v17  }
0x22f: {  	v6 =	vadd.f32 v6, v9;
	v7 =	vadd.f32 v7, v8;
	v8 =	vmul.f32 v20, v20  }
0x230: {  	v9 =	vadd.f32 v12, v10;
	v10 =	vadd.f32 v14, v11;
	v11 =	vmul.f32 v13, v13  }
0x231: {  	v4 =	vadd.f32 v4, v6;
	v5 =	vadd.f32 v5, v7;
	v6 =	vmul.f32 v18, v18  }
0x232: {  	v7 =	vadd.f32 v8, v9;
	v9 =	vmul.f32 v16, v16;
	v8 =	vadd.f32 v11, v10  }
0x233: {  	v2 =	vadd.f32 v2, v4;
	v3 =	vadd.f32 v3, v5  }
0x234: {  	v4 =	vadd.f32 v6, v7;
	v5 =	vadd.f32 v9, v8;
	_ =	sdelay $0x1  }
0x235: {  	v2 =	vadd.f32 v3, v2;
	v3 =	vadd.f32 v5, v4;
	_ =	sdelay $0x1  }
0x236: {  	v2 =	vadd.f32 v3, v2;
	_ =	sdelay $0x1  }
0x237: {  	v1 =	vadd.f32 v2, v1;
	_ =	sdelay $0x1  }
0x238: {  	s19 =	simm.s32 $0x0;
	[tilespmem:$0x10000] =	vst v1  }
0x239: {  	[tilespmem:s13], [sflag:$0x2] =	stream.linear.gather [hbm4b:s10+s19], $0x8000, $0x38;
	[tilespmem:$0x10080] =	vst v63  }
0x23a: {  	_ =	swait.ge [sflag:s14], $0x8000  }
0x23b: {  	[sflag:s14] =	ssyncset.done $0x0  }
0x23c: {  	s31 =	sand.u32 $0x7000, s19;
	s21 =	sand.u32 $0x380, s19;
	[sflag:s14] =	ssyncadd.s32 $0xFFFF8000  }
0x23d: {  	s20 =	sor.u32 s21, s31;
	v1 =	vld [tilespmem:$0x10000]  }
0x23e: {  	v2 =	vld [tilespmem:s20+$0xC40]  }
0x23f: {  	v3 =	vld [tilespmem:s20+$0xC50]  }
0x240: {  	v4 =	vld [tilespmem:s20+$0xC00]  }
0x241: {  	v5 =	vld [tilespmem:s20+$0xC10]  }
0x242: {  	v6 =	vld [tilespmem:s20+$0x840]  }
0x243: {  	v7 =	vld [tilespmem:s20+$0x850]  }
0x244: {  	v12 =	vld [tilespmem:s20+$0x800]  }
0x245: {  	v16 =	vld [tilespmem:s20+$0x810]  }
0x246: {  	v9 =	vld [tilespmem:s20+$0x440]  }
0x247: {  	v13 =	vld [tilespmem:s20+$0x450]  }
0x248: {  	v14 =	vld [tilespmem:s20+$0x400]  }
0x249: {  	v17 =	vld [tilespmem:s20+$0x410]  }
0x24a: {  	v10 =	vld [tilespmem:s20+$0x0]  }
0x24b: {  	v15 =	vld [tilespmem:s20+$0x40]  }
0x24c: {  	v8 =	vld [tilespmem:s20+$0x10]  }
0x24d: {  	v11 =	vld [tilespmem:s20+$0x50];
	v2 =	vmul.f32 v2, v2;
	v3 =	vmul.f32 v3, v3  }
0x24e: {  	v18 =	vld [tilespmem:s20+$0x20];
	v4 =	vmul.f32 v4, v4;
	v5 =	vmul.f32 v5, v5  }
0x24f: {  	s21 =	simm.s32 $0x200;
	v19 =	vld [tilespmem:s20+$0x60];
	v6 =	vmul.f32 v6, v6;
	v7 =	vmul.f32 v7, v7  }
.LBB2_14:
0x250: {  	p0 =	sne.s32 s21, $0x7E00;
	v20 =	vld [tilespmem:s20+$0x30];
	v12 =	vmul.f32 v12, v12;
	v16 =	vmul.f32 v16, v16  }
0x251: {  	v9 =	vmul.f32 v9, v9;
	v13 =	vmul.f32 v13, v13;
	v21 =	vld [tilespmem:s20+$0x70]  }
0x252: {  	v14 =	vmul.f32 v14, v14;
	v17 =	vmul.f32 v17, v17;
	v22 =	vld [tilespmem:s20+$0x420]  }
0x253: {  	v10 =	vmul.f32 v10, v10;
	v15 =	vmul.f32 v15, v15;
	v23 =	vld [tilespmem:s20+$0x430]  }
0x254: {  	v8 =	vmul.f32 v8, v8;
	v11 =	vmul.f32 v11, v11;
	v24 =	vld [tilespmem:s20+$0x460]  }
0x255: {  	v18 =	vmul.f32 v18, v18;
	v19 =	vmul.f32 v19, v19;
	v25 =	vld [tilespmem:s20+$0x470]  }
0x256: {  	v20 =	vmul.f32 v20, v20;
	v21 =	vmul.f32 v21, v21;
	v26 =	vld [tilespmem:s20+$0x820]  }
0x257: {  	v10 =	vadd.f32 v15, v10;
	v8 =	vadd.f32 v11, v8;
	v11 =	vmul.f32 v22, v22;
	v15 =	vld [tilespmem:s20+$0x830]  }
0x258: {  	v18 =	vadd.f32 v19, v18;
	v19 =	vadd.f32 v21, v20;
	v20 =	vmul.f32 v23, v23;
	v21 =	vld [tilespmem:s20+$0x860]  }
0x259: {  	v10 =	vadd.f32 v14, v10;
	v8 =	vadd.f32 v17, v8;
	v14 =	vmul.f32 v24, v24;
	v17 =	vld [tilespmem:s20+$0x870]  }
0x25a: {  	v11 =	vadd.f32 v11, v18;
	v18 =	vadd.f32 v20, v19;
	v19 =	vmul.f32 v25, v25;
	v20 =	vld [tilespmem:s20+$0xC20]  }
0x25b: {  	v9 =	vadd.f32 v9, v10;
	v8 =	vadd.f32 v13, v8;
	v10 =	vmul.f32 v26, v26;
	v13 =	vld [tilespmem:s20+$0xC30]  }
0x25c: {  	v11 =	vadd.f32 v14, v11;
	v14 =	vadd.f32 v19, v18;
	v15 =	vmul.f32 v15, v15;
	v18 =	vld [tilespmem:s20+$0xC60]  }
0x25d: {  	v9 =	vadd.f32 v12, v9;
	v8 =	vadd.f32 v16, v8;
	v12 =	vmul.f32 v21, v21;
	v16 =	vld [tilespmem:s20+$0xC70]  }
0x25e: {  	v10 =	vadd.f32 v10, v11;
	v11 =	vadd.f32 v15, v14;
	v14 =	vmul.f32 v17, v17  }
0x25f: {  	v6 =	vadd.f32 v6, v9;
	v7 =	vadd.f32 v7, v8;
	v8 =	vmul.f32 v20, v20  }
0x260: {  	v9 =	vadd.f32 v12, v10;
	v10 =	vadd.f32 v14, v11;
	v11 =	vmul.f32 v13, v13  }
0x261: {  	v4 =	vadd.f32 v4, v6;
	v5 =	vadd.f32 v5, v7;
	v6 =	vmul.f32 v18, v18  }
0x262: {  	v7 =	vadd.f32 v8, v9;
	v8 =	vadd.f32 v11, v10;
	v9 =	vmul.f32 v16, v16  }
0x263: {  	v2 =	vadd.f32 v2, v4;
	v3 =	vadd.f32 v3, v5  }
0x264: {  	v4 =	vadd.f32 v6, v7;
	v5 =	vadd.f32 v9, v8;
	_ =	sdelay $0x1  }
0x265: {  	v2 =	vadd.f32 v3, v2;
	v3 =	vadd.f32 v5, v4;
	_ =	sdelay $0x1  }
0x266: {  	v2 =	vadd.f32 v3, v2;
	_ =	sdelay $0x1  }
0x267: {  	s19 =	sadd.s32 $0x80, s19;
	v1 =	vadd.f32 v2, v1  }
0x268: {  	s22 =	sand.u32 $0x380, s19;
	s20 =	sand.u32 $0x7000, s21  }
0x269: {  	s20 =	sor.u32 s22, s20;
	[tilespmem:$0x10000] =	vst v1  }
0x26a: {  	v2 =	vld [tilespmem:s20+$0xC40]  }
0x26b: {  	v3 =	vld [tilespmem:s20+$0xC50]  }
0x26c: {  	v4 =	vld [tilespmem:s20+$0xC00]  }
0x26d: {  	v5 =	vld [tilespmem:s20+$0xC10]  }
0x26e: {  	v6 =	vld [tilespmem:s20+$0x840]  }
0x26f: {  	v7 =	vld [tilespmem:s20+$0x850]  }
0x270: {  	v12 =	vld [tilespmem:s20+$0x800]  }
0x271: {  	v16 =	vld [tilespmem:s20+$0x810]  }
0x272: {  	v9 =	vld [tilespmem:s20+$0x440]  }
0x273: {  	v13 =	vld [tilespmem:s20+$0x450]  }
0x274: {  	v14 =	vld [tilespmem:s20+$0x400]  }
0x275: {  	v17 =	vld [tilespmem:s20+$0x410]  }
0x276: {  	v10 =	vld [tilespmem:s20+$0x0]  }
.Ltmp6:
0x277: {  	v15 =	vld [tilespmem:s20+$0x40];
	(pc) =	sbr.rel @p0 .LBB2_14-.Ltmp6, $4  }
0x278: {  	v8 =	vld [tilespmem:s20+$0x10]  }
0x279: {  	v2 =	vmul.f32 v2, v2;
	v3 =	vmul.f32 v3, v3;
	v11 =	vld [tilespmem:s20+$0x50]  }
0x27a: {  	v4 =	vmul.f32 v4, v4;
	v5 =	vmul.f32 v5, v5;
	v18 =	vld [tilespmem:s20+$0x20]  }
0x27b: {  	s21 =	sadd.s32 $0x200, s21;
	v6 =	vmul.f32 v6, v6;
	v7 =	vmul.f32 v7, v7;
	v19 =	vld [tilespmem:s20+$0x60]  }
0x27c: {  	v20 =	vld [tilespmem:s20+$0x30];
	v12 =	vmul.f32 v12, v12;
	v16 =	vmul.f32 v16, v16  }
0x27d: {  	v21 =	vld [tilespmem:s20+$0x70];
	v9 =	vmul.f32 v9, v9;
	v13 =	vmul.f32 v13, v13  }
0x27e: {  	v14 =	vmul.f32 v14, v14;
	v17 =	vmul.f32 v17, v17;
	v22 =	vld [tilespmem:s20+$0x420]  }
0x27f: {  	v10 =	vmul.f32 v10, v10;
	v15 =	vmul.f32 v15, v15;
	v23 =	vld [tilespmem:s20+$0x430]  }
0x280: {  	v24 =	vld [tilespmem:s20+$0x460];
	v8 =	vmul.f32 v8, v8;
	v11 =	vmul.f32 v11, v11  }
0x281: {  	v25 =	vld [tilespmem:s20+$0x470];
	v18 =	vmul.f32 v18, v18;
	v19 =	vmul.f32 v19, v19  }
0x282: {  	v26 =	vld [tilespmem:s20+$0x820];
	v20 =	vmul.f32 v20, v20;
	v21 =	vmul.f32 v21, v21  }
0x283: {  	v10 =	vadd.f32 v15, v10;
	v15 =	vld [tilespmem:s20+$0x830];
	v8 =	vadd.f32 v11, v8;
	v11 =	vmul.f32 v22, v22  }
0x284: {  	v63 =	vld [tilespmem:s20+$0x860];
	v18 =	vadd.f32 v19, v18;
	v19 =	vadd.f32 v21, v20;
	v20 =	vmul.f32 v23, v23  }
0x285: {  	v10 =	vadd.f32 v14, v10;
	v14 =	vmul.f32 v24, v24;
	v8 =	vadd.f32 v17, v8;
	v17 =	vld [tilespmem:s20+$0x870]  }
0x286: {  	v11 =	vadd.f32 v11, v18;
	v18 =	vadd.f32 v20, v19;
	v19 =	vmul.f32 v25, v25;
	v20 =	vld [tilespmem:s20+$0xC20]  }
0x287: {  	v9 =	vadd.f32 v9, v10;
	v10 =	vmul.f32 v26, v26;
	v8 =	vadd.f32 v13, v8;
	v13 =	vld [tilespmem:s20+$0xC30]  }
0x288: {  	v15 =	vmul.f32 v15, v15;
	v11 =	vadd.f32 v14, v11;
	v14 =	vadd.f32 v19, v18;
	v18 =	vld [tilespmem:s20+$0xC60]  }
0x289: {  	v9 =	vadd.f32 v12, v9;
	v12 =	vmul.f32 v63, v63;
	v8 =	vadd.f32 v16, v8;
	v16 =	vld [tilespmem:s20+$0xC70]  }
0x28a: {  	v10 =	vadd.f32 v10, v11;
	v11 =	vadd.f32 v15, v14;
	v14 =	vmul.f32 v17, v17  }
0x28b: {  	v6 =	vadd.f32 v6, v9;
	v7 =	vadd.f32 v7, v8;
	v8 =	vmul.f32 v20, v20  }
0x28c: {  	v9 =	vadd.f32 v12, v10;
	v10 =	vadd.f32 v14, v11;
	v11 =	vmul.f32 v13, v13  }
0x28d: {  	v4 =	vadd.f32 v4, v6;
	v5 =	vadd.f32 v5, v7;
	v6 =	vmul.f32 v18, v18  }
0x28e: {  	v7 =	vadd.f32 v8, v9;
	v9 =	vmul.f32 v16, v16;
	v8 =	vadd.f32 v11, v10  }
0x28f: {  	v2 =	vadd.f32 v2, v4;
	v3 =	vadd.f32 v3, v5  }
0x290: {  	v4 =	vadd.f32 v6, v7;
	v5 =	vadd.f32 v9, v8;
	_ =	sdelay $0x1  }
0x291: {  	v2 =	vadd.f32 v3, v2;
	v3 =	vadd.f32 v5, v4;
	_ =	sdelay $0x1  }
0x292: {  	v2 =	vadd.f32 v3, v2;
	_ =	sdelay $0x1  }
0x293: {  	v1 =	vadd.f32 v2, v1;
	_ =	sdelay $0x1  }
0x294: {  	[tilespmem:$0x10000] =	vst v1  }
0x295: {  	s20 =	simm.s32 $0x0;
	_ =	swait.ge [sflag:s15], $0x8000  }
0x296: {  	s19 =	sand.u32 $0x7000, s20;
	s21 =	sand.u32 $0x380, s20;
	[sflag:s15] =	ssyncset.done $0x0  }
0x297: {  	s19 =	sor.u32 s21, s19;
	[sflag:s15] =	ssyncadd.s32 $0xFFFF8000  }
0x298: {  	v2 =	vld [tilespmem:s19+$0x8C40]  }
0x299: {  	v3 =	vld [tilespmem:s19+$0x8C50]  }
0x29a: {  	v4 =	vld [tilespmem:s19+$0x8C00]  }
0x29b: {  	v5 =	vld [tilespmem:s19+$0x8C10]  }
0x29c: {  	v6 =	vld [tilespmem:s19+$0x8840]  }
0x29d: {  	v7 =	vld [tilespmem:s19+$0x8850]  }
0x29e: {  	v12 =	vld [tilespmem:s19+$0x8800]  }
0x29f: {  	v16 =	vld [tilespmem:s19+$0x8810]  }
0x2a0: {  	v9 =	vld [tilespmem:s19+$0x8440]  }
0x2a1: {  	v13 =	vld [tilespmem:s19+$0x8450]  }
0x2a2: {  	v14 =	vld [tilespmem:s19+$0x8400]  }
0x2a3: {  	v17 =	vld [tilespmem:s19+$0x8410]  }
0x2a4: {  	v10 =	vld [tilespmem:s19+$0x8000]  }
0x2a5: {  	v15 =	vld [tilespmem:s19+$0x8040]  }
0x2a6: {  	v8 =	vld [tilespmem:s19+$0x8010]  }
0x2a7: {  	v11 =	vld [tilespmem:s19+$0x8050];
	v2 =	vmul.f32 v2, v2;
	v3 =	vmul.f32 v3, v3  }
0x2a8: {  	v18 =	vld [tilespmem:s19+$0x8020];
	v4 =	vmul.f32 v4, v4;
	v5 =	vmul.f32 v5, v5  }
0x2a9: {  	s21 =	simm.s32 $0x200;
	v19 =	vld [tilespmem:s19+$0x8060];
	v6 =	vmul.f32 v6, v6;
	v7 =	vmul.f32 v7, v7  }
.LBB2_16:
0x2aa: {  	p0 =	sne.s32 s21, $0x7E00;
	v20 =	vld [tilespmem:s19+$0x8030];
	v12 =	vmul.f32 v12, v12;
	v16 =	vmul.f32 v16, v16  }
0x2ab: {  	v9 =	vmul.f32 v9, v9;
	v13 =	vmul.f32 v13, v13;
	v21 =	vld [tilespmem:s19+$0x8070]  }
0x2ac: {  	v14 =	vmul.f32 v14, v14;
	v17 =	vmul.f32 v17, v17;
	v22 =	vld [tilespmem:s19+$0x8420]  }
0x2ad: {  	v10 =	vmul.f32 v10, v10;
	v15 =	vmul.f32 v15, v15;
	v23 =	vld [tilespmem:s19+$0x8430]  }
0x2ae: {  	v8 =	vmul.f32 v8, v8;
	v11 =	vmul.f32 v11, v11;
	v24 =	vld [tilespmem:s19+$0x8460]  }
0x2af: {  	v18 =	vmul.f32 v18, v18;
	v19 =	vmul.f32 v19, v19;
	v25 =	vld [tilespmem:s19+$0x8470]  }
0x2b0: {  	v20 =	vmul.f32 v20, v20;
	v21 =	vmul.f32 v21, v21;
	v26 =	vld [tilespmem:s19+$0x8820]  }
0x2b1: {  	v10 =	vadd.f32 v15, v10;
	v8 =	vadd.f32 v11, v8;
	v11 =	vmul.f32 v22, v22;
	v15 =	vld [tilespmem:s19+$0x8830]  }
0x2b2: {  	v18 =	vadd.f32 v19, v18;
	v19 =	vadd.f32 v21, v20;
	v20 =	vmul.f32 v23, v23;
	v21 =	vld [tilespmem:s19+$0x8860]  }
0x2b3: {  	v10 =	vadd.f32 v14, v10;
	v8 =	vadd.f32 v17, v8;
	v14 =	vmul.f32 v24, v24;
	v17 =	vld [tilespmem:s19+$0x8870]  }
0x2b4: {  	v11 =	vadd.f32 v11, v18;
	v18 =	vadd.f32 v20, v19;
	v19 =	vmul.f32 v25, v25;
	v20 =	vld [tilespmem:s19+$0x8C20]  }
0x2b5: {  	v9 =	vadd.f32 v9, v10;
	v8 =	vadd.f32 v13, v8;
	v10 =	vmul.f32 v26, v26;
	v13 =	vld [tilespmem:s19+$0x8C30]  }
0x2b6: {  	v11 =	vadd.f32 v14, v11;
	v14 =	vadd.f32 v19, v18;
	v15 =	vmul.f32 v15, v15;
	v18 =	vld [tilespmem:s19+$0x8C60]  }
0x2b7: {  	v9 =	vadd.f32 v12, v9;
	v8 =	vadd.f32 v16, v8;
	v12 =	vmul.f32 v21, v21;
	v16 =	vld [tilespmem:s19+$0x8C70]  }
0x2b8: {  	v10 =	vadd.f32 v10, v11;
	v11 =	vadd.f32 v15, v14;
	v14 =	vmul.f32 v17, v17  }
0x2b9: {  	v6 =	vadd.f32 v6, v9;
	v7 =	vadd.f32 v7, v8;
	v8 =	vmul.f32 v20, v20  }
0x2ba: {  	v9 =	vadd.f32 v12, v10;
	v10 =	vadd.f32 v14, v11;
	v11 =	vmul.f32 v13, v13  }
0x2bb: {  	v4 =	vadd.f32 v4, v6;
	v5 =	vadd.f32 v5, v7;
	v6 =	vmul.f32 v18, v18  }
0x2bc: {  	v7 =	vadd.f32 v8, v9;
	v8 =	vadd.f32 v11, v10;
	v9 =	vmul.f32 v16, v16  }
0x2bd: {  	v2 =	vadd.f32 v2, v4;
	v3 =	vadd.f32 v3, v5  }
0x2be: {  	v4 =	vadd.f32 v6, v7;
	v5 =	vadd.f32 v9, v8;
	_ =	sdelay $0x1  }
0x2bf: {  	v2 =	vadd.f32 v3, v2;
	v3 =	vadd.f32 v5, v4;
	_ =	sdelay $0x1  }
0x2c0: {  	v2 =	vadd.f32 v3, v2;
	_ =	sdelay $0x1  }
0x2c1: {  	s20 =	sadd.s32 $0x80, s20;
	v1 =	vadd.f32 v2, v1  }
0x2c2: {  	s22 =	sand.u32 $0x380, s20;
	s19 =	sand.u32 $0x7000, s21  }
0x2c3: {  	s19 =	sor.u32 s22, s19;
	[tilespmem:$0x10000] =	vst v1  }
0x2c4: {  	v2 =	vld [tilespmem:s19+$0x8C40]  }
0x2c5: {  	v3 =	vld [tilespmem:s19+$0x8C50]  }
0x2c6: {  	v4 =	vld [tilespmem:s19+$0x8C00]  }
0x2c7: {  	v5 =	vld [tilespmem:s19+$0x8C10]  }
0x2c8: {  	v6 =	vld [tilespmem:s19+$0x8840]  }
0x2c9: {  	v7 =	vld [tilespmem:s19+$0x8850]  }
0x2ca: {  	v12 =	vld [tilespmem:s19+$0x8800]  }
0x2cb: {  	v16 =	vld [tilespmem:s19+$0x8810]  }
0x2cc: {  	v9 =	vld [tilespmem:s19+$0x8440]  }
0x2cd: {  	v13 =	vld [tilespmem:s19+$0x8450]  }
0x2ce: {  	v14 =	vld [tilespmem:s19+$0x8400]  }
0x2cf: {  	v17 =	vld [tilespmem:s19+$0x8410]  }
0x2d0: {  	v10 =	vld [tilespmem:s19+$0x8000]  }
.Ltmp7:
0x2d1: {  	v15 =	vld [tilespmem:s19+$0x8040];
	(pc) =	sbr.rel @p0 .LBB2_16-.Ltmp7, $4  }
0x2d2: {  	v8 =	vld [tilespmem:s19+$0x8010]  }
0x2d3: {  	v2 =	vmul.f32 v2, v2;
	v3 =	vmul.f32 v3, v3;
	v11 =	vld [tilespmem:s19+$0x8050]  }
0x2d4: {  	v4 =	vmul.f32 v4, v4;
	v5 =	vmul.f32 v5, v5;
	v18 =	vld [tilespmem:s19+$0x8020]  }
0x2d5: {  	s21 =	sadd.s32 $0x200, s21;
	v6 =	vmul.f32 v6, v6;
	v7 =	vmul.f32 v7, v7;
	v19 =	vld [tilespmem:s19+$0x8060]  }
0x2d6: {  	v20 =	vld [tilespmem:s19+$0x8030];
	v12 =	vmul.f32 v12, v12;
	v16 =	vmul.f32 v16, v16  }
0x2d7: {  	v21 =	vld [tilespmem:s19+$0x8070];
	v9 =	vmul.f32 v9, v9;
	v13 =	vmul.f32 v13, v13  }
0x2d8: {  	v14 =	vmul.f32 v14, v14;
	v17 =	vmul.f32 v17, v17;
	v22 =	vld [tilespmem:s19+$0x8420]  }
0x2d9: {  	v10 =	vmul.f32 v10, v10;
	v15 =	vmul.f32 v15, v15;
	v23 =	vld [tilespmem:s19+$0x8430]  }
0x2da: {  	v24 =	vld [tilespmem:s19+$0x8460];
	v8 =	vmul.f32 v8, v8;
	v11 =	vmul.f32 v11, v11  }
0x2db: {  	v25 =	vld [tilespmem:s19+$0x8470];
	v18 =	vmul.f32 v18, v18;
	v19 =	vmul.f32 v19, v19  }
0x2dc: {  	v26 =	vld [tilespmem:s19+$0x8820];
	v20 =	vmul.f32 v20, v20;
	v21 =	vmul.f32 v21, v21  }
0x2dd: {  	v37 =	vld [tilespmem:s19+$0x8830];
	v10 =	vadd.f32 v15, v10;
	v8 =	vadd.f32 v11, v8;
	v36 =	vmul.f32 v22, v22  }
0x2de: {  	v40 =	vld [tilespmem:s19+$0x8860];
	v39 =	vmul.f32 v23, v23;
	v18 =	vadd.f32 v19, v18;
	v38 =	vadd.f32 v21, v20  }
0x2df: {  	v42 =	vld [tilespmem:s19+$0x8870];
	v10 =	vadd.f32 v14, v10;
	v41 =	vmul.f32 v24, v24;
	v8 =	vadd.f32 v17, v8  }
0x2e0: {  	v45 =	vld [tilespmem:s19+$0x8C20];
	v44 =	vmul.f32 v25, v25;
	v11 =	vadd.f32 v36, v18;
	v43 =	vadd.f32 v39, v38  }
0x2e1: {  	v47 =	vld [tilespmem:s19+$0x8C30];
	v46 =	vmul.f32 v26, v26;
	v9 =	vadd.f32 v9, v10;
	v8 =	vadd.f32 v13, v8  }
0x2e2: {  	v49 =	vld [tilespmem:s19+$0x8C60];
	v15 =	vmul.f32 v37, v37;
	v11 =	vadd.f32 v41, v11;
	v48 =	vadd.f32 v44, v43  }
0x2e3: {  	v51 =	vld [tilespmem:s19+$0x8C70];
	v50 =	vmul.f32 v40, v40;
	v9 =	vadd.f32 v12, v9;
	v8 =	vadd.f32 v16, v8  }
0x2e4: {  	v53 =	vmul.f32 v42, v42;
	v10 =	vadd.f32 v46, v11;
	v52 =	vadd.f32 v15, v48  }
0x2e5: {  	v54 =	vmul.f32 v45, v45;
	v6 =	vadd.f32 v6, v9;
	v7 =	vadd.f32 v7, v8  }
0x2e6: {  	v57 =	vmul.f32 v47, v47;
	v55 =	vadd.f32 v50, v10;
	v56 =	vadd.f32 v53, v52  }
0x2e7: {  	v58 =	vmul.f32 v49, v49;
	v4 =	vadd.f32 v4, v6;
	v5 =	vadd.f32 v5, v7  }
0x2e8: {  	v61 =	vmul.f32 v51, v51;
	v59 =	vadd.f32 v54, v55;
	v60 =	vadd.f32 v57, v56  }
0x2e9: {  	v2 =	vadd.f32 v2, v4;
	v3 =	vadd.f32 v3, v5  }
0x2ea: {  	v62 =	vadd.f32 v58, v59;
	v63 =	vadd.f32 v61, v60;
	_ =	sdelay $0x1  }
0x2eb: {  	v2 =	vadd.f32 v3, v2;
	v3 =	vadd.f32 v63, v62;
	_ =	sdelay $0x1  }
0x2ec: {  	v2 =	vadd.f32 v3, v2;
	_ =	sdelay $0x1  }
0x2ed: {  	s18 =	sadd.s32 $0x1, s18;
	v1 =	vadd.f32 v2, v1  }
0x2ee: {  	p0 =	sne.s32 s18, s12  }
.Ltmp8:
0x2ef: {  	[tilespmem:$0x10000] =	vst v1;
	(pc) =	sbr.rel @p0 .LBB2_1-.Ltmp8, $4  }
0x2f0: {  	[hbm4b:s11+s2] =	stream.linear.scatter [tilespmem:s16], [sflag:$0x3], $0x80, $0x38;
	[tilespmem:$0x10080] =	vst v63  }
0x2f1: {  	_ =	swait.ge [sflag:s17], $0x80  }
0x2f2: {  	[sflag:s17] =	ssyncset.done $0x0  }
0x2f3: {  	[sflag:s17] =	ssyncadd.s32 $0xFFFFFF80  }
0x2f4: {  	_ =	sfence.sel $0x180000  }
0x2f5: {  	[bflag:$0x0] =	sbarrier.arrive $0xFFFF  }
0x2f6: {  	p0 =	sne.s32 s1, $0x0;
	_ =	strace $0x90000047  }
0x2f7: {  	s0 =	sadd.s32 @!p0 $0x100000, s0;
	[bflag:$0x2] =	sbarrier.arrive $0xFFFF  }
0x2f8: {  	[sflag:s0] =	ssyncadd.tile.s32 @!p0 $0x1;
	_ =	shalt  }
.Lfunc_end2:
_tile_overlayer_lowered:
.L_overlay_start_2:
0x2f9: {  	(tag) =	ssettag $0x2  }
0x2fa: {  	s0 =	rddreg [dreg:$0x0];
	s2 =	stileid.u32  }
0x2fb: {  	s1 =	rddreg [dreg:$0x1];
	p0 =	sne.s32 s2, $0x0  }
0x2fc: {  	s3 =	rddreg [dreg:$0x2];
	[bflag:$0x3] =	sbarrier.arrive $0xFFFF;
	s2 =	simm.s32 @!p0 $0x1C03  }
0x2fd: {  	[timem:s3], [sflag:s2] =	dma.local @!p0 [hbm:s0], s1  }
0x2fe: {  	s0 =	simm.s32 @!p0 $0x3  }
0x2ff: {  	_ =	swait.ge @!p0 [sflag:s0], s1  }
0x300: {  	s1 =	ssub.s32 @!p0 $0x0, s1;
	[sflag:s0] =	ssyncset.done @!p0 $0x0  }
0x301: {  	[sflag:s0] =	ssyncadd.s32 @!p0 s1  }
0x302: {  	[bflag:$0x3] =	sbarrier.arrive $0xFFFF  }
0x303: {  	_ =	shalt  }

</sc_bundles>
